<compile_context>
chip_gen: v7x
topology: tpu7x:2x2x1
jax: 0.10.2.dev20260603
libtpu: 0.0.44.dev20260713+nightly
codegen_flags: <defaults>
</compile_context>

<pallas_src>
import functools

import jax
import jax.numpy as jnp
from jax import lax
from jax.experimental import pallas as pl
from jax.experimental.pallas import tpu as pltpu
from jax.experimental.pallas import tpu_sc as plsc

N = 100000
G = 512
NB = 2000
NBLK = N // NB

EDGES = 6400000
NC = 2
NS = 16
NWORK = NC * NS
CHUNK = 128
KCH = 16
STAGE = CHUNK * KCH
NSTAGES = EDGES // STAGE
BASE_STAGES = NSTAGES // NWORK
EXTRA = NSTAGES % NWORK
ROWS_PER_TILE = 6256
NPAD = ROWS_PER_TILE * NS


D8 = 8


def _widen_body(stance_ref, out_ref):
    out_ref[...] = jnp.concatenate(
        [stance_ref[...], jnp.zeros((ROWS_PER_TILE, D8 - 4), jnp.float32)],
        axis=1)


def _widen(stance):
    return pl.pallas_call(
        _widen_body,
        grid=(NS,),
        in_specs=[pl.BlockSpec((ROWS_PER_TILE, 4), lambda i: (i, 0))],
        out_specs=pl.BlockSpec((ROWS_PER_TILE, D8), lambda i: (i, 0)),
        out_shape=jax.ShapeDtypeStruct((NPAD, D8), jnp.float32),
    )(stance)


def _sc_edge_body(edge4_hbm, stance_hbm, zeros_hbm, out_hbm,
                  row_v, col_v, gbufs, table_s, acc_s, gsem, ssem):
    c = lax.axis_index("c")
    s = lax.axis_index("s")
    wid = s * NC + c
    sl = pl.ds(s * ROWS_PER_TILE, ROWS_PER_TILE)
    pltpu.sync_copy(stance_hbm.at[sl], table_s.at[sl])
    pltpu.sync_copy(zeros_hbm, acc_s.at[sl])
    plsc.subcore_barrier()

    nst = BASE_STAGES + jnp.where(wid < EXTRA, 1, 0)

    def stage_body(j, carry):
        sid = wid + j * NWORK
        pltpu.sync_copy(edge4_hbm.at[0, sid], row_v)
        pltpu.sync_copy(edge4_hbm.at[1, sid], col_v)
        gs = [pltpu.async_copy(table_s.at[row_v.at[k]], gbufs.at[k], gsem)
              for k in range(KCH)]
        ss = []
        for k in range(KCH):
            gs[k].wait()
            ss.append(pltpu.async_copy(gbufs.at[k], acc_s.at[col_v.at[k]],
                                       ssem, add=True))
        for t in ss:
            t.wait()
        return carry

    lax.fori_loop(0, nst, stage_body, 0)
    plsc.subcore_barrier()
    pltpu.sync_copy(acc_s.at[sl], out_hbm.at[c, sl])


def _sc_edge(edge_index, stance):
    edge4 = edge_index.reshape(2, NSTAGES, KCH, CHUNK)
    zeros = jnp.zeros((ROWS_PER_TILE, D8), jnp.float32)
    mesh = plsc.VectorSubcoreMesh(core_axis_name="c", subcore_axis_name="s")
    f = functools.partial(
        pl.kernel,
        mesh=mesh,
        compiler_params=pltpu.CompilerParams(use_tc_tiling_on_sc=False),
        out_type=jax.ShapeDtypeStruct((NC, NPAD, D8), jnp.float32),
        scratch_types=[
            pltpu.VMEM((KCH, CHUNK), jnp.int32),
            pltpu.VMEM((KCH, CHUNK), jnp.int32),
            pltpu.VMEM((KCH, CHUNK, D8), jnp.float32),
            pltpu.VMEM_SHARED((NPAD, D8), jnp.float32),
            pltpu.VMEM_SHARED((NPAD, D8), jnp.float32),
            pltpu.SemaphoreType.DMA,
            pltpu.SemaphoreType.DMA,
        ],
    )(_sc_edge_body)
    return f(edge4, _widen(stance), zeros)


def _pool_body(batch_ref, stance_ref, relu_ref, acc0_ref, acc1_ref, a_ref, b_ref):
    i = pl.program_id(0)
    b = batch_ref[0, 0, :]
    gids = lax.broadcasted_iota(jnp.int32, (G, NB), 0)
    oh_f = jnp.where(gids == b[None, :], 1.0, 0.0).astype(jnp.float32)
    oh_bf = oh_f.astype(jnp.bfloat16)
    x = jnp.concatenate(
        [stance_ref[...].astype(jnp.bfloat16), relu_ref[...].astype(jnp.bfloat16)],
        axis=1,
    )
    part_a = jnp.dot(oh_bf, x, preferred_element_type=jnp.float32)
    acc8 = acc0_ref[0] + acc1_ref[0]
    part_b4 = jnp.dot(oh_f, acc8[:, :4], preferred_element_type=jnp.float32)
    cnt = jnp.sum(oh_f, axis=1)
    part_b = jnp.concatenate(
        [part_b4, cnt[:, None], jnp.zeros((G, 3), jnp.float32)], axis=1
    )

    @pl.when(i == 0)
    def _():
        a_ref[...] = jnp.zeros_like(a_ref)
        b_ref[...] = jnp.zeros_like(b_ref)

    a_ref[...] += part_a
    b_ref[...] += part_b


def _pool(batch3, stance, relu, acc2):
    return pl.pallas_call(
        _pool_body,
        grid=(NBLK,),
        in_specs=[
            pl.BlockSpec((1, 1, NB), lambda i: (i, 0, 0)),
            pl.BlockSpec((NB, 4), lambda i: (i, 0)),
            pl.BlockSpec((NB, 124), lambda i: (i, 0)),
            pl.BlockSpec((1, NB, D8), lambda i: (0, i, 0)),
            pl.BlockSpec((1, NB, D8), lambda i: (1, i, 0)),
        ],
        out_specs=[
            pl.BlockSpec((G, 128), lambda i: (0, 0)),
            pl.BlockSpec((G, 8), lambda i: (0, 0)),
        ],
        out_shape=[
            jax.ShapeDtypeStruct((G, 128), jnp.float32),
            jax.ShapeDtypeStruct((G, 8), jnp.float32),
        ],
    )(batch3, stance, relu, acc2, acc2)


def _finish_body(a_ref, b_ref, cw_ref, m1_ref, bias_ref, w3_ref, b3_ref,
                 w4_ref, b4_ref, out_ref):
    a = a_ref[...]
    bmat = b_ref[...]
    m = jnp.dot(m1_ref[...], cw_ref[...], preferred_element_type=jnp.float32)

    col128 = lax.broadcasted_iota(jnp.int32, (128, 4), 0)
    sel4 = jnp.where(col128 == lax.broadcasted_iota(jnp.int32, (128, 4), 1),
                     1.0, 0.0)
    col8 = lax.broadcasted_iota(jnp.int32, (8, 4), 0)
    sel8 = jnp.where(col8 == lax.broadcasted_iota(jnp.int32, (8, 4), 1), 1.0, 0.0)
    e5 = jnp.where(lax.broadcasted_iota(jnp.int32, (8, 1), 0) == 4, 1.0, 0.0)

    self4 = jnp.dot(a, sel4, preferred_element_type=jnp.float32)
    edge4 = jnp.dot(bmat, sel8, preferred_element_type=jnp.float32)
    cnt = jnp.dot(bmat, e5, preferred_element_type=jnp.float32)
    conv4 = jnp.dot(self4 + edge4, m, preferred_element_type=jnp.float32)
    patch4 = conv4 - self4 - cnt * bias_ref[...]
    pre = a + jnp.dot(patch4, sel4.T, preferred_element_type=jnp.float32)
    mean = pre / jnp.maximum(cnt, 1.0)

    h = lax.dot_general(mean, w3_ref[...], (((1,), (1,)), ((), ())),
                        preferred_element_type=jnp.float32) + b3_ref[...]
    h = jnp.maximum(h, 0.0)
    out = lax.dot_general(h, w4_ref[...], (((1,), (1,)), ((), ())),
                          preferred_element_type=jnp.float32) + b4_ref[...]
    out_ref[...] = out


def _finish(a, bmat, cw, m1, bias, w3, b3, w4, b4):
    return pl.pallas_call(
        _finish_body,
        out_shape=jax.ShapeDtypeStruct((G, 8), jnp.float32),
    )(a, bmat, cw, m1, bias, w3, b3.reshape(1, 256), w4, b4.reshape(1, 8))


def kernel(edge_index, batch_idx, stance_features, relu_output, conv_weight,
           mul_matrix_1, bias_matrix_2, W3, b3, W4, b4):
    acc2 = _sc_edge(edge_index, stance_features)
    batch3 = batch_idx.reshape(NBLK, 1, NB)
    a, bmat = _pool(batch3, stance_features, relu_output, acc2)
    return _finish(a, bmat, conv_weight, mul_matrix_1, bias_matrix_2,
                   W3, b3, W4, b4)

# --- scband reference (transcript-rebuilt; emitter-appended) ---
"""Pipeline reference for scband-rvmodel-15281493639407 (READ-ONLY COPY).

The authoritative reference and input builder live on the scoring server;
editing this copy changes nothing except your own understanding.
"""

import jax, jax.numpy as jnp
import numpy as np

N_NODES = 100000
N_EDGES = 6400000
N_GRAPHS = 512


def setup_inputs(seed: int = 0) -> dict:
    key = jax.random.key(seed)
    ks = jax.random.split(key, 8)
    edge_index = jax.random.randint(ks[0], (2, N_EDGES), 0, N_NODES)
    batch_idx = jnp.sort(jax.random.randint(ks[1], (N_NODES,), 0, N_GRAPHS))
    stance_features = jax.random.normal(ks[2], (N_NODES, 4), dtype=jnp.float32)
    relu_output = jax.random.normal(ks[3], (N_NODES, 124), dtype=jnp.float32)
    diag = jnp.array([[2.0, 0.0, 0.0, 0.0], [0.0, 2.0, 0.0, 0.0], [0.0, 0.0, 2.0, 0.0], [0.0, 0.0, 0.0, 0.5]], dtype=jnp.float32)
    conv_weight = diag
    mul_matrix_1 = diag
    bias_matrix_2 = jnp.array([[0.0, 0.0, 0.0, 2.5]], dtype=jnp.float32)
    W3 = jax.random.normal(ks[4], (256, 128), dtype=jnp.float32) * 0.05
    b3 = jnp.zeros((256,), dtype=jnp.float32)
    W4 = jax.random.normal(ks[5], (8, 256), dtype=jnp.float32) * 0.05
    b4 = jnp.zeros((8,), dtype=jnp.float32)
    return {"edge_index": edge_index, "batch_idx": batch_idx, "stance_features": stance_features, "relu_output": relu_output, "conv_weight": conv_weight, "mul_matrix_1": mul_matrix_1, "bias_matrix_2": bias_matrix_2, "W3": W3, "b3": b3, "W4": W4, "b4": b4}


def reference(edge_index, batch_idx, stance_features, relu_output, conv_weight, mul_matrix_1, bias_matrix_2, W3, b3, W4, b4):
    N = stance_features.shape[0]
    # x = stance_features @ mul_matrix_1
    x = stance_features @ mul_matrix_1
    # GCNConv: add self loops
    loops = jnp.arange(N, dtype=edge_index.dtype)
    ei = jnp.concatenate([edge_index, jnp.stack([loops, loops])], axis=1)
    xw = x @ conv_weight
    row, col = ei[0], ei[1]
    deg = jax.ops.segment_sum(jnp.ones_like(col, dtype=xw.dtype), col, num_segments=N)
    deg_inv_sqrt = jnp.power(deg, 0)
    deg_inv_sqrt = jnp.where(jnp.isinf(deg_inv_sqrt), 0.0, deg_inv_sqrt)
    norm = deg_inv_sqrt[row] * deg_inv_sqrt[col]
    msgs = norm[:, None] * xw[row]
    conv_out = jax.ops.segment_sum(msgs, col, num_segments=N)
    # subtract bias matrix
    bias_out = conv_out - bias_matrix_2
    # global mean pool over batch_idx of concat(bias_out, relu_output)
    cat = jnp.concatenate([bias_out, relu_output], axis=1)
    sums = jax.ops.segment_sum(cat, batch_idx, num_segments=N_GRAPHS)
    cnt = jax.ops.segment_sum(jnp.ones((N,), dtype=cat.dtype), batch_idx, num_segments=N_GRAPHS)
    mean = sums / jnp.clip(cnt, 1.0)[:, None]
    h = mean @ W3.T + b3
    h = jax.nn.relu(h)
    out = h @ W4.T + b4
    return out

if __name__ == "__main__":
    import jax
    _d = setup_inputs()
    print(jax.jit(kernel)(*tuple(_d.values())))

</pallas_src>

<mosaic_0001>
#map = affine_map<(d0, d1) -> (0, 0, 0, 0)>
#map1 = affine_map<(d0, d1) -> (0, 0)>
#map2 = affine_map<(d0, d1) -> (0, 0, 0)>
module attributes {stable_mosaic.version = 14 : i64} {
  func.func @_sc_edge_body(%arg0: i32, %arg1: i32, %arg2: memref<2x3125x16x128xi32, #tpu.memory_space<hbm>>, %arg3: memref<100096x8xf32, #tpu.memory_space<hbm>>, %arg4: memref<6256x8xf32, #tpu.memory_space<hbm>>, %arg5: memref<2x100096x8xf32, #tpu.memory_space<hbm>>, %arg6: memref<16x128xi32, #tpu.memory_space<vmem>>, %arg7: memref<16x128xi32, #tpu.memory_space<vmem>>, %arg8: memref<16x128x8xf32, #tpu.memory_space<vmem>>, %arg9: memref<100096x8xf32, #tpu.memory_space<vmem_shared>>, %arg10: memref<100096x8xf32, #tpu.memory_space<vmem_shared>>, %arg11: memref<!tpu.dma_semaphore, #tpu.memory_space<semaphore_mem>>, %arg12: memref<!tpu.dma_semaphore, #tpu.memory_space<semaphore_mem>>) attributes {dimension_semantics = [#tpu.dimension_semantics<core_parallel>, #tpu.dimension_semantics<subcore_parallel>], iteration_bounds = array<i64: 2, 16>, scalar_prefetch = 0 : i64, scratch_operands = 7 : i64, tpu.core_type = #tpu.core_type<sc_vector_subcore>, window_params = [{transform_indices = #map}, {transform_indices = #map1}, {transform_indices = #map1}, {transform_indices = #map2}]} {
    %mul3A = arith.constant 2 : i32
    %mul3A_0 = arith.muli %arg1, %mul3A : i32
    %add3A = arith.addi %mul3A_0, %arg0 : i32
    %mul3A_1 = arith.constant 6256 : i32
    %mul3A_2 = arith.muli %arg1, %mul3A_1 : i32
    "tpu.region"() ({
      %run_scoped3A = tpu.sem_alloc : memref<!tpu.dma_semaphore, #tpu.memory_space<semaphore_mem>>
      %dma_start3A = arith.constant 0 : i32
      %dma_start3A_17 = tpu.memref_slice %arg9[%mul3A_2, %dma_start3A] : memref<100096x8xf32, #tpu.memory_space<vmem_shared>> -> memref<6256x8xf32, #tpu.memory_space<vmem_shared>>
      %dma_start3A_18 = arith.constant 0 : i32
      %dma_start3A_19 = tpu.memref_slice %arg3[%mul3A_2, %dma_start3A_18] : memref<100096x8xf32, #tpu.memory_space<hbm>> -> memref<6256x8xf32, #tpu.memory_space<hbm>>
      tpu.enqueue_dma source(%dma_start3A_19 : memref<6256x8xf32, #tpu.memory_space<hbm>>) target(%dma_start3A_17 : memref<6256x8xf32, #tpu.memory_space<vmem_shared>>) target_semaphore(%run_scoped3A : memref<!tpu.dma_semaphore, #tpu.memory_space<semaphore_mem>>)
      %dma_wait3A = arith.constant 0 : i32
      %dma_wait3A_20 = tpu.memref_slice %arg9[%mul3A_2, %dma_wait3A] : memref<100096x8xf32, #tpu.memory_space<vmem_shared>> -> memref<6256x8xf32, #tpu.memory_space<vmem_shared>>
      %dma_wait3A_21 = arith.constant 0 : i32
      %dma_wait3A_22 = tpu.memref_slice %arg3[%mul3A_2, %dma_wait3A_21] : memref<100096x8xf32, #tpu.memory_space<hbm>> -> memref<6256x8xf32, #tpu.memory_space<hbm>>
      tpu.wait_dma2 semaphore(%run_scoped3A : memref<!tpu.dma_semaphore, #tpu.memory_space<semaphore_mem>>) src(%dma_wait3A_22 : memref<6256x8xf32, #tpu.memory_space<hbm>>) dst(%dma_wait3A_20 : memref<6256x8xf32, #tpu.memory_space<vmem_shared>>)
      tpu.yield
    }) : () -> ()
    "tpu.region"() ({
      %run_scoped3A = tpu.sem_alloc : memref<!tpu.dma_semaphore, #tpu.memory_space<semaphore_mem>>
      %dma_start3A = arith.constant 0 : i32
      %dma_start3A_17 = tpu.memref_slice %arg10[%mul3A_2, %dma_start3A] : memref<100096x8xf32, #tpu.memory_space<vmem_shared>> -> memref<6256x8xf32, #tpu.memory_space<vmem_shared>>
      tpu.enqueue_dma source(%arg4 : memref<6256x8xf32, #tpu.memory_space<hbm>>) target(%dma_start3A_17 : memref<6256x8xf32, #tpu.memory_space<vmem_shared>>) target_semaphore(%run_scoped3A : memref<!tpu.dma_semaphore, #tpu.memory_space<semaphore_mem>>)
      %dma_wait3A = arith.constant 0 : i32
      %dma_wait3A_18 = tpu.memref_slice %arg10[%mul3A_2, %dma_wait3A] : memref<100096x8xf32, #tpu.memory_space<vmem_shared>> -> memref<6256x8xf32, #tpu.memory_space<vmem_shared>>
      tpu.wait_dma2 semaphore(%run_scoped3A : memref<!tpu.dma_semaphore, #tpu.memory_space<semaphore_mem>>) src(%arg4 : memref<6256x8xf32, #tpu.memory_space<hbm>>) dst(%dma_wait3A_18 : memref<6256x8xf32, #tpu.memory_space<vmem_shared>>)
      tpu.yield
    }) : () -> ()
    %barrier3A = arith.constant 0 : index
    tpu.barrier barrier_id(%barrier3A)
    %lt3A = arith.constant 21 : i32
    %lt3A_3 = arith.cmpi slt, %add3A, %lt3A : i32
    %jit3A = arith.constant 1 : i32
    %jit3A_4 = arith.constant 0 : i32
    %select_n3A = arith.select %lt3A_3, %jit3A, %jit3A_4 : i32
    %add3A_5 = arith.constant 97 : i32
    %add3A_6 = arith.addi %add3A_5, %select_n3A : i32
    %while3A = arith.constant 0 : i32
    %while3A_7 = arith.constant 0 : i32
    %while3A_8 = arith.subi %add3A_6, %while3A_7 : i32
    %while3A_9 = arith.addi %while3A_7, %while3A_8 : i32
    %while3A_10 = arith.constant 1 : i32
    %while3A_11 = arith.divsi %while3A_8, %while3A_10 : i32
    %while3A_12 = arith.muli %while3A_11, %while3A_10 : i32
    %while3A_13 = arith.addi %while3A_7, %while3A_12 : i32
    %while3A_14 = arith.constant 1 : i32
    scf.for %while3A_17 = %while3A_7 to %while3A_13 step %while3A_14  : i32 {
      %mul3A_18 = arith.constant 32 : i32
      %mul3A_19 = arith.muli %while3A_17, %mul3A_18 : i32
      %add3A_20 = arith.addi %add3A, %mul3A_19 : i32
      %run_scoped3A = arith.constant 0 : i32
      "tpu.region"() ({
        %run_scoped3A_788 = tpu.sem_alloc : memref<!tpu.dma_semaphore, #tpu.memory_space<semaphore_mem>>
        %dma_start3A_789 = arith.constant 0 : i32
        %dma_start3A_790 = arith.constant 0 : i32
        %dma_start3A_791 = tpu.memref_slice %arg2[%run_scoped3A, %add3A_20, %dma_start3A_789, %dma_start3A_790] : memref<2x3125x16x128xi32, #tpu.memory_space<hbm>> -> memref<1x1x16x128xi32, #tpu.memory_space<hbm>>
        %dma_start3A_792 = tpu.memref_squeeze %dma_start3A_791 : memref<1x1x16x128xi32, #tpu.memory_space<hbm>> -> memref<16x128xi32, #tpu.memory_space<hbm>>
        %dma_start3A_793 = arith.constant 0 : i32
        %dma_start3A_794 = arith.constant 0 : i32
        %dma_start3A_795 = tpu.memref_slice %arg2[%run_scoped3A, %add3A_20, %dma_start3A_793, %dma_start3A_794] : memref<2x3125x16x128xi32, #tpu.memory_space<hbm>> -> memref<1x1x16x128xi32, #tpu.memory_space<hbm>>
        %dma_start3A_796 = tpu.memref_squeeze %dma_start3A_795 : memref<1x1x16x128xi32, #tpu.memory_space<hbm>> -> memref<16x128xi32, #tpu.memory_space<hbm>>
        tpu.enqueue_dma source(%dma_start3A_796 : memref<16x128xi32, #tpu.memory_space<hbm>>) target(%arg6 : memref<16x128xi32, #tpu.memory_space<vmem>>) target_semaphore(%run_scoped3A_788 : memref<!tpu.dma_semaphore, #tpu.memory_space<semaphore_mem>>)
        %dma_wait3A_797 = arith.constant 0 : i32
        %dma_wait3A_798 = arith.constant 0 : i32
        %dma_wait3A_799 = tpu.memref_slice %arg2[%run_scoped3A, %add3A_20, %dma_wait3A_797, %dma_wait3A_798] : memref<2x3125x16x128xi32, #tpu.memory_space<hbm>> -> memref<1x1x16x128xi32, #tpu.memory_space<hbm>>
        %dma_wait3A_800 = tpu.memref_squeeze %dma_wait3A_799 : memref<1x1x16x128xi32, #tpu.memory_space<hbm>> -> memref<16x128xi32, #tpu.memory_space<hbm>>
        %dma_wait3A_801 = arith.constant 0 : i32
        %dma_wait3A_802 = arith.constant 0 : i32
        %dma_wait3A_803 = tpu.memref_slice %arg2[%run_scoped3A, %add3A_20, %dma_wait3A_801, %dma_wait3A_802] : memref<2x3125x16x128xi32, #tpu.memory_space<hbm>> -> memref<1x1x16x128xi32, #tpu.memory_space<hbm>>
        %dma_wait3A_804 = tpu.memref_squeeze %dma_wait3A_803 : memref<1x1x16x128xi32, #tpu.memory_space<hbm>> -> memref<16x128xi32, #tpu.memory_space<hbm>>
        tpu.wait_dma2 semaphore(%run_scoped3A_788 : memref<!tpu.dma_semaphore, #tpu.memory_space<semaphore_mem>>) src(%dma_wait3A_804 : memref<16x128xi32, #tpu.memory_space<hbm>>) dst(%arg6 : memref<16x128xi32, #tpu.memory_space<vmem>>)
        tpu.yield
      }) : () -> ()
      %run_scoped3A_21 = arith.constant 1 : i32
      "tpu.region"() ({
        %run_scoped3A_788 = tpu.sem_alloc : memref<!tpu.dma_semaphore, #tpu.memory_space<semaphore_mem>>
        %dma_start3A_789 = arith.constant 0 : i32
        %dma_start3A_790 = arith.constant 0 : i32
        %dma_start3A_791 = tpu.memref_slice %arg2[%run_scoped3A_21, %add3A_20, %dma_start3A_789, %dma_start3A_790] : memref<2x3125x16x128xi32, #tpu.memory_space<hbm>> -> memref<1x1x16x128xi32, #tpu.memory_space<hbm>>
        %dma_start3A_792 = tpu.memref_squeeze %dma_start3A_791 : memref<1x1x16x128xi32, #tpu.memory_space<hbm>> -> memref<16x128xi32, #tpu.memory_space<hbm>>
        %dma_start3A_793 = arith.constant 0 : i32
        %dma_start3A_794 = arith.constant 0 : i32
        %dma_start3A_795 = tpu.memref_slice %arg2[%run_scoped3A_21, %add3A_20, %dma_start3A_793, %dma_start3A_794] : memref<2x3125x16x128xi32, #tpu.memory_space<hbm>> -> memref<1x1x16x128xi32, #tpu.memory_space<hbm>>
        %dma_start3A_796 = tpu.memref_squeeze %dma_start3A_795 : memref<1x1x16x128xi32, #tpu.memory_space<hbm>> -> memref<16x128xi32, #tpu.memory_space<hbm>>
        tpu.enqueue_dma source(%dma_start3A_796 : memref<16x128xi32, #tpu.memory_space<hbm>>) target(%arg7 : memref<16x128xi32, #tpu.memory_space<vmem>>) target_semaphore(%run_scoped3A_788 : memref<!tpu.dma_semaphore, #tpu.memory_space<semaphore_mem>>)
        %dma_wait3A_797 = arith.constant 0 : i32
        %dma_wait3A_798 = arith.constant 0 : i32
        %dma_wait3A_799 = tpu.memref_slice %arg2[%run_scoped3A_21, %add3A_20, %dma_wait3A_797, %dma_wait3A_798] : memref<2x3125x16x128xi32, #tpu.memory_space<hbm>> -> memref<1x1x16x128xi32, #tpu.memory_space<hbm>>
        %dma_wait3A_800 = tpu.memref_squeeze %dma_wait3A_799 : memref<1x1x16x128xi32, #tpu.memory_space<hbm>> -> memref<16x128xi32, #tpu.memory_space<hbm>>
        %dma_wait3A_801 = arith.constant 0 : i32
        %dma_wait3A_802 = arith.constant 0 : i32
        %dma_wait3A_803 = tpu.memref_slice %arg2[%run_scoped3A_21, %add3A_20, %dma_wait3A_801, %dma_wait3A_802] : memref<2x3125x16x128xi32, #tpu.memory_space<hbm>> -> memref<1x1x16x128xi32, #tpu.memory_space<hbm>>
        %dma_wait3A_804 = tpu.memref_squeeze %dma_wait3A_803 : memref<1x1x16x128xi32, #tpu.memory_space<hbm>> -> memref<16x128xi32, #tpu.memory_space<hbm>>
        tpu.wait_dma2 semaphore(%run_scoped3A_788 : memref<!tpu.dma_semaphore, #tpu.memory_space<semaphore_mem>>) src(%dma_wait3A_804 : memref<16x128xi32, #tpu.memory_space<hbm>>) dst(%arg7 : memref<16x128xi32, #tpu.memory_space<vmem>>)
        tpu.yield
      }) : () -> ()
      %dma_start3A = arith.constant 0 : i32
      %dma_start3A_22 = arith.constant 0 : i32
      %dma_start3A_23 = arith.constant 0 : i32
      %dma_start3A_24 = arith.constant 0 : i32
      %dma_start3A_25 = tpu.memref_slice %arg8[%dma_start3A_22, %dma_start3A_23, %dma_start3A_24] : memref<16x128x8xf32, #tpu.memory_space<vmem>> -> memref<1x128x8xf32, #tpu.memory_space<vmem>>
      %dma_start3A_26 = tpu.memref_squeeze %dma_start3A_25 : memref<1x128x8xf32, #tpu.memory_space<vmem>> -> memref<128x8xf32, #tpu.memory_space<vmem>>
      %dma_start3A_27 = arith.constant 0 : i32
      %dma_start3A_28 = tpu.memref_slice %arg6[%dma_start3A, %dma_start3A_27] : memref<16x128xi32, #tpu.memory_space<vmem>> -> memref<1x128xi32, #tpu.memory_space<vmem>>
      %dma_start3A_29 = tpu.memref_squeeze %dma_start3A_28 : memref<1x128xi32, #tpu.memory_space<vmem>> -> memref<128xi32, #tpu.memory_space<vmem>>
      %dma_start3A_30 = arith.constant 0 : i32
      %dma_start3A_31 = arith.constant 0 : i32
      %dma_start3A_32 = tpu.memref_slice %arg9[%dma_start3A_30, %dma_start3A_31] : memref<100096x8xf32, #tpu.memory_space<vmem_shared>> -> memref<100096x8xf32, #tpu.memory_space<vmem_shared>>
      tpu.enqueue_indirect_dma source(%dma_start3A_32 : memref<100096x8xf32, #tpu.memory_space<vmem_shared>>) target(%dma_start3A_26 : memref<128x8xf32, #tpu.memory_space<vmem>>) offsets(%dma_start3A_29 : memref<128xi32, #tpu.memory_space<vmem>>) semaphore(%arg11 : memref<!tpu.dma_semaphore, #tpu.memory_space<semaphore_mem>>)
      %dma_start3A_33 = arith.constant 1 : i32
      %dma_start3A_34 = arith.constant 1 : i32
      %dma_start3A_35 = arith.constant 0 : i32
      %dma_start3A_36 = arith.constant 0 : i32
      %dma_start3A_37 = tpu.memref_slice %arg8[%dma_start3A_34, %dma_start3A_35, %dma_start3A_36] : memref<16x128x8xf32, #tpu.memory_space<vmem>> -> memref<1x128x8xf32, #tpu.memory_space<vmem>>
      %dma_start3A_38 = tpu.memref_squeeze %dma_start3A_37 : memref<1x128x8xf32, #tpu.memory_space<vmem>> -> memref<128x8xf32, #tpu.memory_space<vmem>>
      %dma_start3A_39 = arith.constant 0 : i32
      %dma_start3A_40 = tpu.memref_slice %arg6[%dma_start3A_33, %dma_start3A_39] : memref<16x128xi32, #tpu.memory_space<vmem>> -> memref<1x128xi32, #tpu.memory_space<vmem>>
      %dma_start3A_41 = tpu.memref_squeeze %dma_start3A_40 : memref<1x128xi32, #tpu.memory_space<vmem>> -> memref<128xi32, #tpu.memory_space<vmem>>
      %dma_start3A_42 = arith.constant 0 : i32
      %dma_start3A_43 = arith.constant 0 : i32
      %dma_start3A_44 = tpu.memref_slice %arg9[%dma_start3A_42, %dma_start3A_43] : memref<100096x8xf32, #tpu.memory_space<vmem_shared>> -> memref<100096x8xf32, #tpu.memory_space<vmem_shared>>
      tpu.enqueue_indirect_dma source(%dma_start3A_44 : memref<100096x8xf32, #tpu.memory_space<vmem_shared>>) target(%dma_start3A_38 : memref<128x8xf32, #tpu.memory_space<vmem>>) offsets(%dma_start3A_41 : memref<128xi32, #tpu.memory_space<vmem>>) semaphore(%arg11 : memref<!tpu.dma_semaphore, #tpu.memory_space<semaphore_mem>>)
      %dma_start3A_45 = arith.constant 2 : i32
      %dma_start3A_46 = arith.constant 2 : i32
      %dma_start3A_47 = arith.constant 0 : i32
      %dma_start3A_48 = arith.constant 0 : i32
      %dma_start3A_49 = tpu.memref_slice %arg8[%dma_start3A_46, %dma_start3A_47, %dma_start3A_48] : memref<16x128x8xf32, #tpu.memory_space<vmem>> -> memref<1x128x8xf32, #tpu.memory_space<vmem>>
      %dma_start3A_50 = tpu.memref_squeeze %dma_start3A_49 : memref<1x128x8xf32, #tpu.memory_space<vmem>> -> memref<128x8xf32, #tpu.memory_space<vmem>>
      %dma_start3A_51 = arith.constant 0 : i32
      %dma_start3A_52 = tpu.memref_slice %arg6[%dma_start3A_45, %dma_start3A_51] : memref<16x128xi32, #tpu.memory_space<vmem>> -> memref<1x128xi32, #tpu.memory_space<vmem>>
      %dma_start3A_53 = tpu.memref_squeeze %dma_start3A_52 : memref<1x128xi32, #tpu.memory_space<vmem>> -> memref<128xi32, #tpu.memory_space<vmem>>
      %dma_start3A_54 = arith.constant 0 : i32
      %dma_start3A_55 = arith.constant 0 : i32
      %dma_start3A_56 = tpu.memref_slice %arg9[%dma_start3A_54, %dma_start3A_55] : memref<100096x8xf32, #tpu.memory_space<vmem_shared>> -> memref<100096x8xf32, #tpu.memory_space<vmem_shared>>
      tpu.enqueue_indirect_dma source(%dma_start3A_56 : memref<100096x8xf32, #tpu.memory_space<vmem_shared>>) target(%dma_start3A_50 : memref<128x8xf32, #tpu.memory_space<vmem>>) offsets(%dma_start3A_53 : memref<128xi32, #tpu.memory_space<vmem>>) semaphore(%arg11 : memref<!tpu.dma_semaphore, #tpu.memory_space<semaphore_mem>>)
      %dma_start3A_57 = arith.constant 3 : i32
      %dma_start3A_58 = arith.constant 3 : i32
      %dma_start3A_59 = arith.constant 0 : i32
      %dma_start3A_60 = arith.constant 0 : i32
      %dma_start3A_61 = tpu.memref_slice %arg8[%dma_start3A_58, %dma_start3A_59, %dma_start3A_60] : memref<16x128x8xf32, #tpu.memory_space<vmem>> -> memref<1x128x8xf32, #tpu.memory_space<vmem>>
      %dma_start3A_62 = tpu.memref_squeeze %dma_start3A_61 : memref<1x128x8xf32, #tpu.memory_space<vmem>> -> memref<128x8xf32, #tpu.memory_space<vmem>>
      %dma_start3A_63 = arith.constant 0 : i32
      %dma_start3A_64 = tpu.memref_slice %arg6[%dma_start3A_57, %dma_start3A_63] : memref<16x128xi32, #tpu.memory_space<vmem>> -> memref<1x128xi32, #tpu.memory_space<vmem>>
      %dma_start3A_65 = tpu.memref_squeeze %dma_start3A_64 : memref<1x128xi32, #tpu.memory_space<vmem>> -> memref<128xi32, #tpu.memory_space<vmem>>
      %dma_start3A_66 = arith.constant 0 : i32
      %dma_start3A_67 = arith.constant 0 : i32
      %dma_start3A_68 = tpu.memref_slice %arg9[%dma_start3A_66, %dma_start3A_67] : memref<100096x8xf32, #tpu.memory_space<vmem_shared>> -> memref<100096x8xf32, #tpu.memory_space<vmem_shared>>
      tpu.enqueue_indirect_dma source(%dma_start3A_68 : memref<100096x8xf32, #tpu.memory_space<vmem_shared>>) target(%dma_start3A_62 : memref<128x8xf32, #tpu.memory_space<vmem>>) offsets(%dma_start3A_65 : memref<128xi32, #tpu.memory_space<vmem>>) semaphore(%arg11 : memref<!tpu.dma_semaphore, #tpu.memory_space<semaphore_mem>>)
      %dma_start3A_69 = arith.constant 4 : i32
      %dma_start3A_70 = arith.constant 4 : i32
      %dma_start3A_71 = arith.constant 0 : i32
      %dma_start3A_72 = arith.constant 0 : i32
      %dma_start3A_73 = tpu.memref_slice %arg8[%dma_start3A_70, %dma_start3A_71, %dma_start3A_72] : memref<16x128x8xf32, #tpu.memory_space<vmem>> -> memref<1x128x8xf32, #tpu.memory_space<vmem>>
      %dma_start3A_74 = tpu.memref_squeeze %dma_start3A_73 : memref<1x128x8xf32, #tpu.memory_space<vmem>> -> memref<128x8xf32, #tpu.memory_space<vmem>>
      %dma_start3A_75 = arith.constant 0 : i32
      %dma_start3A_76 = tpu.memref_slice %arg6[%dma_start3A_69, %dma_start3A_75] : memref<16x128xi32, #tpu.memory_space<vmem>> -> memref<1x128xi32, #tpu.memory_space<vmem>>
      %dma_start3A_77 = tpu.memref_squeeze %dma_start3A_76 : memref<1x128xi32, #tpu.memory_space<vmem>> -> memref<128xi32, #tpu.memory_space<vmem>>
      %dma_start3A_78 = arith.constant 0 : i32
      %dma_start3A_79 = arith.constant 0 : i32
      %dma_start3A_80 = tpu.memref_slice %arg9[%dma_start3A_78, %dma_start3A_79] : memref<100096x8xf32, #tpu.memory_space<vmem_shared>> -> memref<100096x8xf32, #tpu.memory_space<vmem_shared>>
      tpu.enqueue_indirect_dma source(%dma_start3A_80 : memref<100096x8xf32, #tpu.memory_space<vmem_shared>>) target(%dma_start3A_74 : memref<128x8xf32, #tpu.memory_space<vmem>>) offsets(%dma_start3A_77 : memref<128xi32, #tpu.memory_space<vmem>>) semaphore(%arg11 : memref<!tpu.dma_semaphore, #tpu.memory_space<semaphore_mem>>)
      %dma_start3A_81 = arith.constant 5 : i32
      %dma_start3A_82 = arith.constant 5 : i32
      %dma_start3A_83 = arith.constant 0 : i32
      %dma_start3A_84 = arith.constant 0 : i32
      %dma_start3A_85 = tpu.memref_slice %arg8[%dma_start3A_82, %dma_start3A_83, %dma_start3A_84] : memref<16x128x8xf32, #tpu.memory_space<vmem>> -> memref<1x128x8xf32, #tpu.memory_space<vmem>>
      %dma_start3A_86 = tpu.memref_squeeze %dma_start3A_85 : memref<1x128x8xf32, #tpu.memory_space<vmem>> -> memref<128x8xf32, #tpu.memory_space<vmem>>
      %dma_start3A_87 = arith.constant 0 : i32
      %dma_start3A_88 = tpu.memref_slice %arg6[%dma_start3A_81, %dma_start3A_87] : memref<16x128xi32, #tpu.memory_space<vmem>> -> memref<1x128xi32, #tpu.memory_space<vmem>>
      %dma_start3A_89 = tpu.memref_squeeze %dma_start3A_88 : memref<1x128xi32, #tpu.memory_space<vmem>> -> memref<128xi32, #tpu.memory_space<vmem>>
      %dma_start3A_90 = arith.constant 0 : i32
      %dma_start3A_91 = arith.constant 0 : i32
      %dma_start3A_92 = tpu.memref_slice %arg9[%dma_start3A_90, %dma_start3A_91] : memref<100096x8xf32, #tpu.memory_space<vmem_shared>> -> memref<100096x8xf32, #tpu.memory_space<vmem_shared>>
      tpu.enqueue_indirect_dma source(%dma_start3A_92 : memref<100096x8xf32, #tpu.memory_space<vmem_shared>>) target(%dma_start3A_86 : memref<128x8xf32, #tpu.memory_space<vmem>>) offsets(%dma_start3A_89 : memref<128xi32, #tpu.memory_space<vmem>>) semaphore(%arg11 : memref<!tpu.dma_semaphore, #tpu.memory_space<semaphore_mem>>)
      %dma_start3A_93 = arith.constant 6 : i32
      %dma_start3A_94 = arith.constant 6 : i32
      %dma_start3A_95 = arith.constant 0 : i32
      %dma_start3A_96 = arith.constant 0 : i32
      %dma_start3A_97 = tpu.memref_slice %arg8[%dma_start3A_94, %dma_start3A_95, %dma_start3A_96] : memref<16x128x8xf32, #tpu.memory_space<vmem>> -> memref<1x128x8xf32, #tpu.memory_space<vmem>>
      %dma_start3A_98 = tpu.memref_squeeze %dma_start3A_97 : memref<1x128x8xf32, #tpu.memory_space<vmem>> -> memref<128x8xf32, #tpu.memory_space<vmem>>
      %dma_start3A_99 = arith.constant 0 : i32
      %dma_start3A_100 = tpu.memref_slice %arg6[%dma_start3A_93, %dma_start3A_99] : memref<16x128xi32, #tpu.memory_space<vmem>> -> memref<1x128xi32, #tpu.memory_space<vmem>>
      %dma_start3A_101 = tpu.memref_squeeze %dma_start3A_100 : memref<1x128xi32, #tpu.memory_space<vmem>> -> memref<128xi32, #tpu.memory_space<vmem>>
      %dma_start3A_102 = arith.constant 0 : i32
      %dma_start3A_103 = arith.constant 0 : i32
      %dma_start3A_104 = tpu.memref_slice %arg9[%dma_start3A_102, %dma_start3A_103] : memref<100096x8xf32, #tpu.memory_space<vmem_shared>> -> memref<100096x8xf32, #tpu.memory_space<vmem_shared>>
      tpu.enqueue_indirect_dma source(%dma_start3A_104 : memref<100096x8xf32, #tpu.memory_space<vmem_shared>>) target(%dma_start3A_98 : memref<128x8xf32, #tpu.memory_space<vmem>>) offsets(%dma_start3A_101 : memref<128xi32, #tpu.memory_space<vmem>>) semaphore(%arg11 : memref<!tpu.dma_semaphore, #tpu.memory_space<semaphore_mem>>)
      %dma_start3A_105 = arith.constant 7 : i32
      %dma_start3A_106 = arith.constant 7 : i32
      %dma_start3A_107 = arith.constant 0 : i32
      %dma_start3A_108 = arith.constant 0 : i32
      %dma_start3A_109 = tpu.memref_slice %arg8[%dma_start3A_106, %dma_start3A_107, %dma_start3A_108] : memref<16x128x8xf32, #tpu.memory_space<vmem>> -> memref<1x128x8xf32, #tpu.memory_space<vmem>>
      %dma_start3A_110 = tpu.memref_squeeze %dma_start3A_109 : memref<1x128x8xf32, #tpu.memory_space<vmem>> -> memref<128x8xf32, #tpu.memory_space<vmem>>
      %dma_start3A_111 = arith.constant 0 : i32
      %dma_start3A_112 = tpu.memref_slice %arg6[%dma_start3A_105, %dma_start3A_111] : memref<16x128xi32, #tpu.memory_space<vmem>> -> memref<1x128xi32, #tpu.memory_space<vmem>>
      %dma_start3A_113 = tpu.memref_squeeze %dma_start3A_112 : memref<1x128xi32, #tpu.memory_space<vmem>> -> memref<128xi32, #tpu.memory_space<vmem>>
      %dma_start3A_114 = arith.constant 0 : i32
      %dma_start3A_115 = arith.constant 0 : i32
      %dma_start3A_116 = tpu.memref_slice %arg9[%dma_start3A_114, %dma_start3A_115] : memref<100096x8xf32, #tpu.memory_space<vmem_shared>> -> memref<100096x8xf32, #tpu.memory_space<vmem_shared>>
      tpu.enqueue_indirect_dma source(%dma_start3A_116 : memref<100096x8xf32, #tpu.memory_space<vmem_shared>>) target(%dma_start3A_110 : memref<128x8xf32, #tpu.memory_space<vmem>>) offsets(%dma_start3A_113 : memref<128xi32, #tpu.memory_space<vmem>>) semaphore(%arg11 : memref<!tpu.dma_semaphore, #tpu.memory_space<semaphore_mem>>)
      %dma_start3A_117 = arith.constant 8 : i32
      %dma_start3A_118 = arith.constant 8 : i32
      %dma_start3A_119 = arith.constant 0 : i32
      %dma_start3A_120 = arith.constant 0 : i32
      %dma_start3A_121 = tpu.memref_slice %arg8[%dma_start3A_118, %dma_start3A_119, %dma_start3A_120] : memref<16x128x8xf32, #tpu.memory_space<vmem>> -> memref<1x128x8xf32, #tpu.memory_space<vmem>>
      %dma_start3A_122 = tpu.memref_squeeze %dma_start3A_121 : memref<1x128x8xf32, #tpu.memory_space<vmem>> -> memref<128x8xf32, #tpu.memory_space<vmem>>
      %dma_start3A_123 = arith.constant 0 : i32
      %dma_start3A_124 = tpu.memref_slice %arg6[%dma_start3A_117, %dma_start3A_123] : memref<16x128xi32, #tpu.memory_space<vmem>> -> memref<1x128xi32, #tpu.memory_space<vmem>>
      %dma_start3A_125 = tpu.memref_squeeze %dma_start3A_124 : memref<1x128xi32, #tpu.memory_space<vmem>> -> memref<128xi32, #tpu.memory_space<vmem>>
      %dma_start3A_126 = arith.constant 0 : i32
      %dma_start3A_127 = arith.constant 0 : i32
      %dma_start3A_128 = tpu.memref_slice %arg9[%dma_start3A_126, %dma_start3A_127] : memref<100096x8xf32, #tpu.memory_space<vmem_shared>> -> memref<100096x8xf32, #tpu.memory_space<vmem_shared>>
      tpu.enqueue_indirect_dma source(%dma_start3A_128 : memref<100096x8xf32, #tpu.memory_space<vmem_shared>>) target(%dma_start3A_122 : memref<128x8xf32, #tpu.memory_space<vmem>>) offsets(%dma_start3A_125 : memref<128xi32, #tpu.memory_space<vmem>>) semaphore(%arg11 : memref<!tpu.dma_semaphore, #tpu.memory_space<semaphore_mem>>)
      %dma_start3A_129 = arith.constant 9 : i32
      %dma_start3A_130 = arith.constant 9 : i32
      %dma_start3A_131 = arith.constant 0 : i32
      %dma_start3A_132 = arith.constant 0 : i32
      %dma_start3A_133 = tpu.memref_slice %arg8[%dma_start3A_130, %dma_start3A_131, %dma_start3A_132] : memref<16x128x8xf32, #tpu.memory_space<vmem>> -> memref<1x128x8xf32, #tpu.memory_space<vmem>>
      %dma_start3A_134 = tpu.memref_squeeze %dma_start3A_133 : memref<1x128x8xf32, #tpu.memory_space<vmem>> -> memref<128x8xf32, #tpu.memory_space<vmem>>
      %dma_start3A_135 = arith.constant 0 : i32
      %dma_start3A_136 = tpu.memref_slice %arg6[%dma_start3A_129, %dma_start3A_135] : memref<16x128xi32, #tpu.memory_space<vmem>> -> memref<1x128xi32, #tpu.memory_space<vmem>>
      %dma_start3A_137 = tpu.memref_squeeze %dma_start3A_136 : memref<1x128xi32, #tpu.memory_space<vmem>> -> memref<128xi32, #tpu.memory_space<vmem>>
      %dma_start3A_138 = arith.constant 0 : i32
      %dma_start3A_139 = arith.constant 0 : i32
      %dma_start3A_140 = tpu.memref_slice %arg9[%dma_start3A_138, %dma_start3A_139] : memref<100096x8xf32, #tpu.memory_space<vmem_shared>> -> memref<100096x8xf32, #tpu.memory_space<vmem_shared>>
      tpu.enqueue_indirect_dma source(%dma_start3A_140 : memref<100096x8xf32, #tpu.memory_space<vmem_shared>>) target(%dma_start3A_134 : memref<128x8xf32, #tpu.memory_space<vmem>>) offsets(%dma_start3A_137 : memref<128xi32, #tpu.memory_space<vmem>>) semaphore(%arg11 : memref<!tpu.dma_semaphore, #tpu.memory_space<semaphore_mem>>)
      %dma_start3A_141 = arith.constant 10 : i32
      %dma_start3A_142 = arith.constant 10 : i32
      %dma_start3A_143 = arith.constant 0 : i32
      %dma_start3A_144 = arith.constant 0 : i32
      %dma_start3A_145 = tpu.memref_slice %arg8[%dma_start3A_142, %dma_start3A_143, %dma_start3A_144] : memref<16x128x8xf32, #tpu.memory_space<vmem>> -> memref<1x128x8xf32, #tpu.memory_space<vmem>>
      %dma_start3A_146 = tpu.memref_squeeze %dma_start3A_145 : memref<1x128x8xf32, #tpu.memory_space<vmem>> -> memref<128x8xf32, #tpu.memory_space<vmem>>
      %dma_start3A_147 = arith.constant 0 : i32
      %dma_start3A_148 = tpu.memref_slice %arg6[%dma_start3A_141, %dma_start3A_147] : memref<16x128xi32, #tpu.memory_space<vmem>> -> memref<1x128xi32, #tpu.memory_space<vmem>>
      %dma_start3A_149 = tpu.memref_squeeze %dma_start3A_148 : memref<1x128xi32, #tpu.memory_space<vmem>> -> memref<128xi32, #tpu.memory_space<vmem>>
      %dma_start3A_150 = arith.constant 0 : i32
      %dma_start3A_151 = arith.constant 0 : i32
      %dma_start3A_152 = tpu.memref_slice %arg9[%dma_start3A_150, %dma_start3A_151] : memref<100096x8xf32, #tpu.memory_space<vmem_shared>> -> memref<100096x8xf32, #tpu.memory_space<vmem_shared>>
      tpu.enqueue_indirect_dma source(%dma_start3A_152 : memref<100096x8xf32, #tpu.memory_space<vmem_shared>>) target(%dma_start3A_146 : memref<128x8xf32, #tpu.memory_space<vmem>>) offsets(%dma_start3A_149 : memref<128xi32, #tpu.memory_space<vmem>>) semaphore(%arg11 : memref<!tpu.dma_semaphore, #tpu.memory_space<semaphore_mem>>)
      %dma_start3A_153 = arith.constant 11 : i32
      %dma_start3A_154 = arith.constant 11 : i32
      %dma_start3A_155 = arith.constant 0 : i32
      %dma_start3A_156 = arith.constant 0 : i32
      %dma_start3A_157 = tpu.memref_slice %arg8[%dma_start3A_154, %dma_start3A_155, %dma_start3A_156] : memref<16x128x8xf32, #tpu.memory_space<vmem>> -> memref<1x128x8xf32, #tpu.memory_space<vmem>>
      %dma_start3A_158 = tpu.memref_squeeze %dma_start3A_157 : memref<1x128x8xf32, #tpu.memory_space<vmem>> -> memref<128x8xf32, #tpu.memory_space<vmem>>
      %dma_start3A_159 = arith.constant 0 : i32
      %dma_start3A_160 = tpu.memref_slice %arg6[%dma_start3A_153, %dma_start3A_159] : memref<16x128xi32, #tpu.memory_space<vmem>> -> memref<1x128xi32, #tpu.memory_space<vmem>>
      %dma_start3A_161 = tpu.memref_squeeze %dma_start3A_160 : memref<1x128xi32, #tpu.memory_space<vmem>> -> memref<128xi32, #tpu.memory_space<vmem>>
      %dma_start3A_162 = arith.constant 0 : i32
      %dma_start3A_163 = arith.constant 0 : i32
      %dma_start3A_164 = tpu.memref_slice %arg9[%dma_start3A_162, %dma_start3A_163] : memref<100096x8xf32, #tpu.memory_space<vmem_shared>> -> memref<100096x8xf32, #tpu.memory_space<vmem_shared>>
      tpu.enqueue_indirect_dma source(%dma_start3A_164 : memref<100096x8xf32, #tpu.memory_space<vmem_shared>>) target(%dma_start3A_158 : memref<128x8xf32, #tpu.memory_space<vmem>>) offsets(%dma_start3A_161 : memref<128xi32, #tpu.memory_space<vmem>>) semaphore(%arg11 : memref<!tpu.dma_semaphore, #tpu.memory_space<semaphore_mem>>)
      %dma_start3A_165 = arith.constant 12 : i32
      %dma_start3A_166 = arith.constant 12 : i32
      %dma_start3A_167 = arith.constant 0 : i32
      %dma_start3A_168 = arith.constant 0 : i32
      %dma_start3A_169 = tpu.memref_slice %arg8[%dma_start3A_166, %dma_start3A_167, %dma_start3A_168] : memref<16x128x8xf32, #tpu.memory_space<vmem>> -> memref<1x128x8xf32, #tpu.memory_space<vmem>>
      %dma_start3A_170 = tpu.memref_squeeze %dma_start3A_169 : memref<1x128x8xf32, #tpu.memory_space<vmem>> -> memref<128x8xf32, #tpu.memory_space<vmem>>
      %dma_start3A_171 = arith.constant 0 : i32
      %dma_start3A_172 = tpu.memref_slice %arg6[%dma_start3A_165, %dma_start3A_171] : memref<16x128xi32, #tpu.memory_space<vmem>> -> memref<1x128xi32, #tpu.memory_space<vmem>>
      %dma_start3A_173 = tpu.memref_squeeze %dma_start3A_172 : memref<1x128xi32, #tpu.memory_space<vmem>> -> memref<128xi32, #tpu.memory_space<vmem>>
      %dma_start3A_174 = arith.constant 0 : i32
      %dma_start3A_175 = arith.constant 0 : i32
      %dma_start3A_176 = tpu.memref_slice %arg9[%dma_start3A_174, %dma_start3A_175] : memref<100096x8xf32, #tpu.memory_space<vmem_shared>> -> memref<100096x8xf32, #tpu.memory_space<vmem_shared>>
      tpu.enqueue_indirect_dma source(%dma_start3A_176 : memref<100096x8xf32, #tpu.memory_space<vmem_shared>>) target(%dma_start3A_170 : memref<128x8xf32, #tpu.memory_space<vmem>>) offsets(%dma_start3A_173 : memref<128xi32, #tpu.memory_space<vmem>>) semaphore(%arg11 : memref<!tpu.dma_semaphore, #tpu.memory_space<semaphore_mem>>)
      %dma_start3A_177 = arith.constant 13 : i32
      %dma_start3A_178 = arith.constant 13 : i32
      %dma_start3A_179 = arith.constant 0 : i32
      %dma_start3A_180 = arith.constant 0 : i32
      %dma_start3A_181 = tpu.memref_slice %arg8[%dma_start3A_178, %dma_start3A_179, %dma_start3A_180] : memref<16x128x8xf32, #tpu.memory_space<vmem>> -> memref<1x128x8xf32, #tpu.memory_space<vmem>>
      %dma_start3A_182 = tpu.memref_squeeze %dma_start3A_181 : memref<1x128x8xf32, #tpu.memory_space<vmem>> -> memref<128x8xf32, #tpu.memory_space<vmem>>
      %dma_start3A_183 = arith.constant 0 : i32
      %dma_start3A_184 = tpu.memref_slice %arg6[%dma_start3A_177, %dma_start3A_183] : memref<16x128xi32, #tpu.memory_space<vmem>> -> memref<1x128xi32, #tpu.memory_space<vmem>>
      %dma_start3A_185 = tpu.memref_squeeze %dma_start3A_184 : memref<1x128xi32, #tpu.memory_space<vmem>> -> memref<128xi32, #tpu.memory_space<vmem>>
      %dma_start3A_186 = arith.constant 0 : i32
      %dma_start3A_187 = arith.constant 0 : i32
      %dma_start3A_188 = tpu.memref_slice %arg9[%dma_start3A_186, %dma_start3A_187] : memref<100096x8xf32, #tpu.memory_space<vmem_shared>> -> memref<100096x8xf32, #tpu.memory_space<vmem_shared>>
      tpu.enqueue_indirect_dma source(%dma_start3A_188 : memref<100096x8xf32, #tpu.memory_space<vmem_shared>>) target(%dma_start3A_182 : memref<128x8xf32, #tpu.memory_space<vmem>>) offsets(%dma_start3A_185 : memref<128xi32, #tpu.memory_space<vmem>>) semaphore(%arg11 : memref<!tpu.dma_semaphore, #tpu.memory_space<semaphore_mem>>)
      %dma_start3A_189 = arith.constant 14 : i32
      %dma_start3A_190 = arith.constant 14 : i32
      %dma_start3A_191 = arith.constant 0 : i32
      %dma_start3A_192 = arith.constant 0 : i32
      %dma_start3A_193 = tpu.memref_slice %arg8[%dma_start3A_190, %dma_start3A_191, %dma_start3A_192] : memref<16x128x8xf32, #tpu.memory_space<vmem>> -> memref<1x128x8xf32, #tpu.memory_space<vmem>>
      %dma_start3A_194 = tpu.memref_squeeze %dma_start3A_193 : memref<1x128x8xf32, #tpu.memory_space<vmem>> -> memref<128x8xf32, #tpu.memory_space<vmem>>
      %dma_start3A_195 = arith.constant 0 : i32
      %dma_start3A_196 = tpu.memref_slice %arg6[%dma_start3A_189, %dma_start3A_195] : memref<16x128xi32, #tpu.memory_space<vmem>> -> memref<1x128xi32, #tpu.memory_space<vmem>>
      %dma_start3A_197 = tpu.memref_squeeze %dma_start3A_196 : memref<1x128xi32, #tpu.memory_space<vmem>> -> memref<128xi32, #tpu.memory_space<vmem>>
      %dma_start3A_198 = arith.constant 0 : i32
      %dma_start3A_199 = arith.constant 0 : i32
      %dma_start3A_200 = tpu.memref_slice %arg9[%dma_start3A_198, %dma_start3A_199] : memref<100096x8xf32, #tpu.memory_space<vmem_shared>> -> memref<100096x8xf32, #tpu.memory_space<vmem_shared>>
      tpu.enqueue_indirect_dma source(%dma_start3A_200 : memref<100096x8xf32, #tpu.memory_space<vmem_shared>>) target(%dma_start3A_194 : memref<128x8xf32, #tpu.memory_space<vmem>>) offsets(%dma_start3A_197 : memref<128xi32, #tpu.memory_space<vmem>>) semaphore(%arg11 : memref<!tpu.dma_semaphore, #tpu.memory_space<semaphore_mem>>)
      %dma_start3A_201 = arith.constant 15 : i32
      %dma_start3A_202 = arith.constant 15 : i32
      %dma_start3A_203 = arith.constant 0 : i32
      %dma_start3A_204 = arith.constant 0 : i32
      %dma_start3A_205 = tpu.memref_slice %arg8[%dma_start3A_202, %dma_start3A_203, %dma_start3A_204] : memref<16x128x8xf32, #tpu.memory_space<vmem>> -> memref<1x128x8xf32, #tpu.memory_space<vmem>>
      %dma_start3A_206 = tpu.memref_squeeze %dma_start3A_205 : memref<1x128x8xf32, #tpu.memory_space<vmem>> -> memref<128x8xf32, #tpu.memory_space<vmem>>
      %dma_start3A_207 = arith.constant 0 : i32
      %dma_start3A_208 = tpu.memref_slice %arg6[%dma_start3A_201, %dma_start3A_207] : memref<16x128xi32, #tpu.memory_space<vmem>> -> memref<1x128xi32, #tpu.memory_space<vmem>>
      %dma_start3A_209 = tpu.memref_squeeze %dma_start3A_208 : memref<1x128xi32, #tpu.memory_space<vmem>> -> memref<128xi32, #tpu.memory_space<vmem>>
      %dma_start3A_210 = arith.constant 0 : i32
      %dma_start3A_211 = arith.constant 0 : i32
      %dma_start3A_212 = tpu.memref_slice %arg9[%dma_start3A_210, %dma_start3A_211] : memref<100096x8xf32, #tpu.memory_space<vmem_shared>> -> memref<100096x8xf32, #tpu.memory_space<vmem_shared>>
      tpu.enqueue_indirect_dma source(%dma_start3A_212 : memref<100096x8xf32, #tpu.memory_space<vmem_shared>>) target(%dma_start3A_206 : memref<128x8xf32, #tpu.memory_space<vmem>>) offsets(%dma_start3A_209 : memref<128xi32, #tpu.memory_space<vmem>>) semaphore(%arg11 : memref<!tpu.dma_semaphore, #tpu.memory_space<semaphore_mem>>)
      %dma_wait3A = arith.constant 0 : i32
      %dma_wait3A_213 = arith.constant 0 : i32
      %dma_wait3A_214 = arith.constant 0 : i32
      %dma_wait3A_215 = arith.constant 0 : i32
      %dma_wait3A_216 = tpu.memref_slice %arg8[%dma_wait3A_213, %dma_wait3A_214, %dma_wait3A_215] : memref<16x128x8xf32, #tpu.memory_space<vmem>> -> memref<1x128x8xf32, #tpu.memory_space<vmem>>
      %dma_wait3A_217 = tpu.memref_squeeze %dma_wait3A_216 : memref<1x128x8xf32, #tpu.memory_space<vmem>> -> memref<128x8xf32, #tpu.memory_space<vmem>>
      %dma_wait3A_218 = arith.constant 0 : i32
      %dma_wait3A_219 = tpu.memref_slice %arg6[%dma_wait3A, %dma_wait3A_218] : memref<16x128xi32, #tpu.memory_space<vmem>> -> memref<1x128xi32, #tpu.memory_space<vmem>>
      %dma_wait3A_220 = tpu.memref_squeeze %dma_wait3A_219 : memref<1x128xi32, #tpu.memory_space<vmem>> -> memref<128xi32, #tpu.memory_space<vmem>>
      %dma_wait3A_221 = arith.constant 0 : i32
      %dma_wait3A_222 = arith.constant 0 : i32
      %dma_wait3A_223 = tpu.memref_slice %arg9[%dma_wait3A_221, %dma_wait3A_222] : memref<100096x8xf32, #tpu.memory_space<vmem_shared>> -> memref<100096x8xf32, #tpu.memory_space<vmem_shared>>
      tpu.wait_indirect_dma semaphore(%arg11 : memref<!tpu.dma_semaphore, #tpu.memory_space<semaphore_mem>>) src(%dma_wait3A_223 : memref<100096x8xf32, #tpu.memory_space<vmem_shared>>) dst(%dma_wait3A_217 : memref<128x8xf32, #tpu.memory_space<vmem>>)
      %dma_start3A_224 = arith.constant 0 : i32
      %dma_start3A_225 = arith.constant 0 : i32
      %dma_start3A_226 = arith.constant 0 : i32
      %dma_start3A_227 = arith.constant 0 : i32
      %dma_start3A_228 = tpu.memref_slice %arg8[%dma_start3A_224, %dma_start3A_226, %dma_start3A_227] : memref<16x128x8xf32, #tpu.memory_space<vmem>> -> memref<1x128x8xf32, #tpu.memory_space<vmem>>
      %dma_start3A_229 = tpu.memref_squeeze %dma_start3A_228 : memref<1x128x8xf32, #tpu.memory_space<vmem>> -> memref<128x8xf32, #tpu.memory_space<vmem>>
      %dma_start3A_230 = arith.constant 0 : i32
      %dma_start3A_231 = tpu.memref_slice %arg7[%dma_start3A_225, %dma_start3A_230] : memref<16x128xi32, #tpu.memory_space<vmem>> -> memref<1x128xi32, #tpu.memory_space<vmem>>
      %dma_start3A_232 = tpu.memref_squeeze %dma_start3A_231 : memref<1x128xi32, #tpu.memory_space<vmem>> -> memref<128xi32, #tpu.memory_space<vmem>>
      %dma_start3A_233 = arith.constant 0 : i32
      %dma_start3A_234 = arith.constant 0 : i32
      %dma_start3A_235 = tpu.memref_slice %arg10[%dma_start3A_233, %dma_start3A_234] : memref<100096x8xf32, #tpu.memory_space<vmem_shared>> -> memref<100096x8xf32, #tpu.memory_space<vmem_shared>>
      tpu.enqueue_indirect_dma source(%dma_start3A_229 : memref<128x8xf32, #tpu.memory_space<vmem>>) target(%dma_start3A_235 : memref<100096x8xf32, #tpu.memory_space<vmem_shared>>) offsets(%dma_start3A_232 : memref<128xi32, #tpu.memory_space<vmem>>) semaphore(%arg12 : memref<!tpu.dma_semaphore, #tpu.memory_space<semaphore_mem>>) {add = true}
      %dma_wait3A_236 = arith.constant 1 : i32
      %dma_wait3A_237 = arith.constant 1 : i32
      %dma_wait3A_238 = arith.constant 0 : i32
      %dma_wait3A_239 = arith.constant 0 : i32
      %dma_wait3A_240 = tpu.memref_slice %arg8[%dma_wait3A_237, %dma_wait3A_238, %dma_wait3A_239] : memref<16x128x8xf32, #tpu.memory_space<vmem>> -> memref<1x128x8xf32, #tpu.memory_space<vmem>>
      %dma_wait3A_241 = tpu.memref_squeeze %dma_wait3A_240 : memref<1x128x8xf32, #tpu.memory_space<vmem>> -> memref<128x8xf32, #tpu.memory_space<vmem>>
      %dma_wait3A_242 = arith.constant 0 : i32
      %dma_wait3A_243 = tpu.memref_slice %arg6[%dma_wait3A_236, %dma_wait3A_242] : memref<16x128xi32, #tpu.memory_space<vmem>> -> memref<1x128xi32, #tpu.memory_space<vmem>>
      %dma_wait3A_244 = tpu.memref_squeeze %dma_wait3A_243 : memref<1x128xi32, #tpu.memory_space<vmem>> -> memref<128xi32, #tpu.memory_space<vmem>>
      %dma_wait3A_245 = arith.constant 0 : i32
      %dma_wait3A_246 = arith.constant 0 : i32
      %dma_wait3A_247 = tpu.memref_slice %arg9[%dma_wait3A_245, %dma_wait3A_246] : memref<100096x8xf32, #tpu.memory_space<vmem_shared>> -> memref<100096x8xf32, #tpu.memory_space<vmem_shared>>
      tpu.wait_indirect_dma semaphore(%arg11 : memref<!tpu.dma_semaphore, #tpu.memory_space<semaphore_mem>>) src(%dma_wait3A_247 : memref<100096x8xf32, #tpu.memory_space<vmem_shared>>) dst(%dma_wait3A_241 : memref<128x8xf32, #tpu.memory_space<vmem>>)
      %dma_start3A_248 = arith.constant 1 : i32
      %dma_start3A_249 = arith.constant 1 : i32
      %dma_start3A_250 = arith.constant 0 : i32
      %dma_start3A_251 = arith.constant 0 : i32
      %dma_start3A_252 = tpu.memref_slice %arg8[%dma_start3A_248, %dma_start3A_250, %dma_start3A_251] : memref<16x128x8xf32, #tpu.memory_space<vmem>> -> memref<1x128x8xf32, #tpu.memory_space<vmem>>
      %dma_start3A_253 = tpu.memref_squeeze %dma_start3A_252 : memref<1x128x8xf32, #tpu.memory_space<vmem>> -> memref<128x8xf32, #tpu.memory_space<vmem>>
      %dma_start3A_254 = arith.constant 0 : i32
      %dma_start3A_255 = tpu.memref_slice %arg7[%dma_start3A_249, %dma_start3A_254] : memref<16x128xi32, #tpu.memory_space<vmem>> -> memref<1x128xi32, #tpu.memory_space<vmem>>
      %dma_start3A_256 = tpu.memref_squeeze %dma_start3A_255 : memref<1x128xi32, #tpu.memory_space<vmem>> -> memref<128xi32, #tpu.memory_space<vmem>>
      %dma_start3A_257 = arith.constant 0 : i32
      %dma_start3A_258 = arith.constant 0 : i32
      %dma_start3A_259 = tpu.memref_slice %arg10[%dma_start3A_257, %dma_start3A_258] : memref<100096x8xf32, #tpu.memory_space<vmem_shared>> -> memref<100096x8xf32, #tpu.memory_space<vmem_shared>>
      tpu.enqueue_indirect_dma source(%dma_start3A_253 : memref<128x8xf32, #tpu.memory_space<vmem>>) target(%dma_start3A_259 : memref<100096x8xf32, #tpu.memory_space<vmem_shared>>) offsets(%dma_start3A_256 : memref<128xi32, #tpu.memory_space<vmem>>) semaphore(%arg12 : memref<!tpu.dma_semaphore, #tpu.memory_space<semaphore_mem>>) {add = true}
      %dma_wait3A_260 = arith.constant 2 : i32
      %dma_wait3A_261 = arith.constant 2 : i32
      %dma_wait3A_262 = arith.constant 0 : i32
      %dma_wait3A_263 = arith.constant 0 : i32
      %dma_wait3A_264 = tpu.memref_slice %arg8[%dma_wait3A_261, %dma_wait3A_262, %dma_wait3A_263] : memref<16x128x8xf32, #tpu.memory_space<vmem>> -> memref<1x128x8xf32, #tpu.memory_space<vmem>>
      %dma_wait3A_265 = tpu.memref_squeeze %dma_wait3A_264 : memref<1x128x8xf32, #tpu.memory_space<vmem>> -> memref<128x8xf32, #tpu.memory_space<vmem>>
      %dma_wait3A_266 = arith.constant 0 : i32
      %dma_wait3A_267 = tpu.memref_slice %arg6[%dma_wait3A_260, %dma_wait3A_266] : memref<16x128xi32, #tpu.memory_space<vmem>> -> memref<1x128xi32, #tpu.memory_space<vmem>>
      %dma_wait3A_268 = tpu.memref_squeeze %dma_wait3A_267 : memref<1x128xi32, #tpu.memory_space<vmem>> -> memref<128xi32, #tpu.memory_space<vmem>>
      %dma_wait3A_269 = arith.constant 0 : i32
      %dma_wait3A_270 = arith.constant 0 : i32
      %dma_wait3A_271 = tpu.memref_slice %arg9[%dma_wait3A_269, %dma_wait3A_270] : memref<100096x8xf32, #tpu.memory_space<vmem_shared>> -> memref<100096x8xf32, #tpu.memory_space<vmem_shared>>
      tpu.wait_indirect_dma semaphore(%arg11 : memref<!tpu.dma_semaphore, #tpu.memory_space<semaphore_mem>>) src(%dma_wait3A_271 : memref<100096x8xf32, #tpu.memory_space<vmem_shared>>) dst(%dma_wait3A_265 : memref<128x8xf32, #tpu.memory_space<vmem>>)
      %dma_start3A_272 = arith.constant 2 : i32
      %dma_start3A_273 = arith.constant 2 : i32
      %dma_start3A_274 = arith.constant 0 : i32
      %dma_start3A_275 = arith.constant 0 : i32
      %dma_start3A_276 = tpu.memref_slice %arg8[%dma_start3A_272, %dma_start3A_274, %dma_start3A_275] : memref<16x128x8xf32, #tpu.memory_space<vmem>> -> memref<1x128x8xf32, #tpu.memory_space<vmem>>
      %dma_start3A_277 = tpu.memref_squeeze %dma_start3A_276 : memref<1x128x8xf32, #tpu.memory_space<vmem>> -> memref<128x8xf32, #tpu.memory_space<vmem>>
      %dma_start3A_278 = arith.constant 0 : i32
      %dma_start3A_279 = tpu.memref_slice %arg7[%dma_start3A_273, %dma_start3A_278] : memref<16x128xi32, #tpu.memory_space<vmem>> -> memref<1x128xi32, #tpu.memory_space<vmem>>
      %dma_start3A_280 = tpu.memref_squeeze %dma_start3A_279 : memref<1x128xi32, #tpu.memory_space<vmem>> -> memref<128xi32, #tpu.memory_space<vmem>>
      %dma_start3A_281 = arith.constant 0 : i32
      %dma_start3A_282 = arith.constant 0 : i32
      %dma_start3A_283 = tpu.memref_slice %arg10[%dma_start3A_281, %dma_start3A_282] : memref<100096x8xf32, #tpu.memory_space<vmem_shared>> -> memref<100096x8xf32, #tpu.memory_space<vmem_shared>>
      tpu.enqueue_indirect_dma source(%dma_start3A_277 : memref<128x8xf32, #tpu.memory_space<vmem>>) target(%dma_start3A_283 : memref<100096x8xf32, #tpu.memory_space<vmem_shared>>) offsets(%dma_start3A_280 : memref<128xi32, #tpu.memory_space<vmem>>) semaphore(%arg12 : memref<!tpu.dma_semaphore, #tpu.memory_space<semaphore_mem>>) {add = true}
      %dma_wait3A_284 = arith.constant 3 : i32
      %dma_wait3A_285 = arith.constant 3 : i32
      %dma_wait3A_286 = arith.constant 0 : i32
      %dma_wait3A_287 = arith.constant 0 : i32
      %dma_wait3A_288 = tpu.memref_slice %arg8[%dma_wait3A_285, %dma_wait3A_286, %dma_wait3A_287] : memref<16x128x8xf32, #tpu.memory_space<vmem>> -> memref<1x128x8xf32, #tpu.memory_space<vmem>>
      %dma_wait3A_289 = tpu.memref_squeeze %dma_wait3A_288 : memref<1x128x8xf32, #tpu.memory_space<vmem>> -> memref<128x8xf32, #tpu.memory_space<vmem>>
      %dma_wait3A_290 = arith.constant 0 : i32
      %dma_wait3A_291 = tpu.memref_slice %arg6[%dma_wait3A_284, %dma_wait3A_290] : memref<16x128xi32, #tpu.memory_space<vmem>> -> memref<1x128xi32, #tpu.memory_space<vmem>>
      %dma_wait3A_292 = tpu.memref_squeeze %dma_wait3A_291 : memref<1x128xi32, #tpu.memory_space<vmem>> -> memref<128xi32, #tpu.memory_space<vmem>>
      %dma_wait3A_293 = arith.constant 0 : i32
      %dma_wait3A_294 = arith.constant 0 : i32
      %dma_wait3A_295 = tpu.memref_slice %arg9[%dma_wait3A_293, %dma_wait3A_294] : memref<100096x8xf32, #tpu.memory_space<vmem_shared>> -> memref<100096x8xf32, #tpu.memory_space<vmem_shared>>
      tpu.wait_indirect_dma semaphore(%arg11 : memref<!tpu.dma_semaphore, #tpu.memory_space<semaphore_mem>>) src(%dma_wait3A_295 : memref<100096x8xf32, #tpu.memory_space<vmem_shared>>) dst(%dma_wait3A_289 : memref<128x8xf32, #tpu.memory_space<vmem>>)
      %dma_start3A_296 = arith.constant 3 : i32
      %dma_start3A_297 = arith.constant 3 : i32
      %dma_start3A_298 = arith.constant 0 : i32
      %dma_start3A_299 = arith.constant 0 : i32
      %dma_start3A_300 = tpu.memref_slice %arg8[%dma_start3A_296, %dma_start3A_298, %dma_start3A_299] : memref<16x128x8xf32, #tpu.memory_space<vmem>> -> memref<1x128x8xf32, #tpu.memory_space<vmem>>
      %dma_start3A_301 = tpu.memref_squeeze %dma_start3A_300 : memref<1x128x8xf32, #tpu.memory_space<vmem>> -> memref<128x8xf32, #tpu.memory_space<vmem>>
      %dma_start3A_302 = arith.constant 0 : i32
      %dma_start3A_303 = tpu.memref_slice %arg7[%dma_start3A_297, %dma_start3A_302] : memref<16x128xi32, #tpu.memory_space<vmem>> -> memref<1x128xi32, #tpu.memory_space<vmem>>
      %dma_start3A_304 = tpu.memref_squeeze %dma_start3A_303 : memref<1x128xi32, #tpu.memory_space<vmem>> -> memref<128xi32, #tpu.memory_space<vmem>>
      %dma_start3A_305 = arith.constant 0 : i32
      %dma_start3A_306 = arith.constant 0 : i32
      %dma_start3A_307 = tpu.memref_slice %arg10[%dma_start3A_305, %dma_start3A_306] : memref<100096x8xf32, #tpu.memory_space<vmem_shared>> -> memref<100096x8xf32, #tpu.memory_space<vmem_shared>>
      tpu.enqueue_indirect_dma source(%dma_start3A_301 : memref<128x8xf32, #tpu.memory_space<vmem>>) target(%dma_start3A_307 : memref<100096x8xf32, #tpu.memory_space<vmem_shared>>) offsets(%dma_start3A_304 : memref<128xi32, #tpu.memory_space<vmem>>) semaphore(%arg12 : memref<!tpu.dma_semaphore, #tpu.memory_space<semaphore_mem>>) {add = true}
      %dma_wait3A_308 = arith.constant 4 : i32
      %dma_wait3A_309 = arith.constant 4 : i32
      %dma_wait3A_310 = arith.constant 0 : i32
      %dma_wait3A_311 = arith.constant 0 : i32
      %dma_wait3A_312 = tpu.memref_slice %arg8[%dma_wait3A_309, %dma_wait3A_310, %dma_wait3A_311] : memref<16x128x8xf32, #tpu.memory_space<vmem>> -> memref<1x128x8xf32, #tpu.memory_space<vmem>>
      %dma_wait3A_313 = tpu.memref_squeeze %dma_wait3A_312 : memref<1x128x8xf32, #tpu.memory_space<vmem>> -> memref<128x8xf32, #tpu.memory_space<vmem>>
      %dma_wait3A_314 = arith.constant 0 : i32
      %dma_wait3A_315 = tpu.memref_slice %arg6[%dma_wait3A_308, %dma_wait3A_314] : memref<16x128xi32, #tpu.memory_space<vmem>> -> memref<1x128xi32, #tpu.memory_space<vmem>>
      %dma_wait3A_316 = tpu.memref_squeeze %dma_wait3A_315 : memref<1x128xi32, #tpu.memory_space<vmem>> -> memref<128xi32, #tpu.memory_space<vmem>>
      %dma_wait3A_317 = arith.constant 0 : i32
      %dma_wait3A_318 = arith.constant 0 : i32
      %dma_wait3A_319 = tpu.memref_slice %arg9[%dma_wait3A_317, %dma_wait3A_318] : memref<100096x8xf32, #tpu.memory_space<vmem_shared>> -> memref<100096x8xf32, #tpu.memory_space<vmem_shared>>
      tpu.wait_indirect_dma semaphore(%arg11 : memref<!tpu.dma_semaphore, #tpu.memory_space<semaphore_mem>>) src(%dma_wait3A_319 : memref<100096x8xf32, #tpu.memory_space<vmem_shared>>) dst(%dma_wait3A_313 : memref<128x8xf32, #tpu.memory_space<vmem>>)
      %dma_start3A_320 = arith.constant 4 : i32
      %dma_start3A_321 = arith.constant 4 : i32
      %dma_start3A_322 = arith.constant 0 : i32
      %dma_start3A_323 = arith.constant 0 : i32
      %dma_start3A_324 = tpu.memref_slice %arg8[%dma_start3A_320, %dma_start3A_322, %dma_start3A_323] : memref<16x128x8xf32, #tpu.memory_space<vmem>> -> memref<1x128x8xf32, #tpu.memory_space<vmem>>
      %dma_start3A_325 = tpu.memref_squeeze %dma_start3A_324 : memref<1x128x8xf32, #tpu.memory_space<vmem>> -> memref<128x8xf32, #tpu.memory_space<vmem>>
      %dma_start3A_326 = arith.constant 0 : i32
      %dma_start3A_327 = tpu.memref_slice %arg7[%dma_start3A_321, %dma_start3A_326] : memref<16x128xi32, #tpu.memory_space<vmem>> -> memref<1x128xi32, #tpu.memory_space<vmem>>
      %dma_start3A_328 = tpu.memref_squeeze %dma_start3A_327 : memref<1x128xi32, #tpu.memory_space<vmem>> -> memref<128xi32, #tpu.memory_space<vmem>>
      %dma_start3A_329 = arith.constant 0 : i32
      %dma_start3A_330 = arith.constant 0 : i32
      %dma_start3A_331 = tpu.memref_slice %arg10[%dma_start3A_329, %dma_start3A_330] : memref<100096x8xf32, #tpu.memory_space<vmem_shared>> -> memref<100096x8xf32, #tpu.memory_space<vmem_shared>>
      tpu.enqueue_indirect_dma source(%dma_start3A_325 : memref<128x8xf32, #tpu.memory_space<vmem>>) target(%dma_start3A_331 : memref<100096x8xf32, #tpu.memory_space<vmem_shared>>) offsets(%dma_start3A_328 : memref<128xi32, #tpu.memory_space<vmem>>) semaphore(%arg12 : memref<!tpu.dma_semaphore, #tpu.memory_space<semaphore_mem>>) {add = true}
      %dma_wait3A_332 = arith.constant 5 : i32
      %dma_wait3A_333 = arith.constant 5 : i32
      %dma_wait3A_334 = arith.constant 0 : i32
      %dma_wait3A_335 = arith.constant 0 : i32
      %dma_wait3A_336 = tpu.memref_slice %arg8[%dma_wait3A_333, %dma_wait3A_334, %dma_wait3A_335] : memref<16x128x8xf32, #tpu.memory_space<vmem>> -> memref<1x128x8xf32, #tpu.memory_space<vmem>>
      %dma_wait3A_337 = tpu.memref_squeeze %dma_wait3A_336 : memref<1x128x8xf32, #tpu.memory_space<vmem>> -> memref<128x8xf32, #tpu.memory_space<vmem>>
      %dma_wait3A_338 = arith.constant 0 : i32
      %dma_wait3A_339 = tpu.memref_slice %arg6[%dma_wait3A_332, %dma_wait3A_338] : memref<16x128xi32, #tpu.memory_space<vmem>> -> memref<1x128xi32, #tpu.memory_space<vmem>>
      %dma_wait3A_340 = tpu.memref_squeeze %dma_wait3A_339 : memref<1x128xi32, #tpu.memory_space<vmem>> -> memref<128xi32, #tpu.memory_space<vmem>>
      %dma_wait3A_341 = arith.constant 0 : i32
      %dma_wait3A_342 = arith.constant 0 : i32
      %dma_wait3A_343 = tpu.memref_slice %arg9[%dma_wait3A_341, %dma_wait3A_342] : memref<100096x8xf32, #tpu.memory_space<vmem_shared>> -> memref<100096x8xf32, #tpu.memory_space<vmem_shared>>
      tpu.wait_indirect_dma semaphore(%arg11 : memref<!tpu.dma_semaphore, #tpu.memory_space<semaphore_mem>>) src(%dma_wait3A_343 : memref<100096x8xf32, #tpu.memory_space<vmem_shared>>) dst(%dma_wait3A_337 : memref<128x8xf32, #tpu.memory_space<vmem>>)
      %dma_start3A_344 = arith.constant 5 : i32
      %dma_start3A_345 = arith.constant 5 : i32
      %dma_start3A_346 = arith.constant 0 : i32
      %dma_start3A_347 = arith.constant 0 : i32
      %dma_start3A_348 = tpu.memref_slice %arg8[%dma_start3A_344, %dma_start3A_346, %dma_start3A_347] : memref<16x128x8xf32, #tpu.memory_space<vmem>> -> memref<1x128x8xf32, #tpu.memory_space<vmem>>
      %dma_start3A_349 = tpu.memref_squeeze %dma_start3A_348 : memref<1x128x8xf32, #tpu.memory_space<vmem>> -> memref<128x8xf32, #tpu.memory_space<vmem>>
      %dma_start3A_350 = arith.constant 0 : i32
      %dma_start3A_351 = tpu.memref_slice %arg7[%dma_start3A_345, %dma_start3A_350] : memref<16x128xi32, #tpu.memory_space<vmem>> -> memref<1x128xi32, #tpu.memory_space<vmem>>
      %dma_start3A_352 = tpu.memref_squeeze %dma_start3A_351 : memref<1x128xi32, #tpu.memory_space<vmem>> -> memref<128xi32, #tpu.memory_space<vmem>>
      %dma_start3A_353 = arith.constant 0 : i32
      %dma_start3A_354 = arith.constant 0 : i32
      %dma_start3A_355 = tpu.memref_slice %arg10[%dma_start3A_353, %dma_start3A_354] : memref<100096x8xf32, #tpu.memory_space<vmem_shared>> -> memref<100096x8xf32, #tpu.memory_space<vmem_shared>>
      tpu.enqueue_indirect_dma source(%dma_start3A_349 : memref<128x8xf32, #tpu.memory_space<vmem>>) target(%dma_start3A_355 : memref<100096x8xf32, #tpu.memory_space<vmem_shared>>) offsets(%dma_start3A_352 : memref<128xi32, #tpu.memory_space<vmem>>) semaphore(%arg12 : memref<!tpu.dma_semaphore, #tpu.memory_space<semaphore_mem>>) {add = true}
      %dma_wait3A_356 = arith.constant 6 : i32
      %dma_wait3A_357 = arith.constant 6 : i32
      %dma_wait3A_358 = arith.constant 0 : i32
      %dma_wait3A_359 = arith.constant 0 : i32
      %dma_wait3A_360 = tpu.memref_slice %arg8[%dma_wait3A_357, %dma_wait3A_358, %dma_wait3A_359] : memref<16x128x8xf32, #tpu.memory_space<vmem>> -> memref<1x128x8xf32, #tpu.memory_space<vmem>>
      %dma_wait3A_361 = tpu.memref_squeeze %dma_wait3A_360 : memref<1x128x8xf32, #tpu.memory_space<vmem>> -> memref<128x8xf32, #tpu.memory_space<vmem>>
      %dma_wait3A_362 = arith.constant 0 : i32
      %dma_wait3A_363 = tpu.memref_slice %arg6[%dma_wait3A_356, %dma_wait3A_362] : memref<16x128xi32, #tpu.memory_space<vmem>> -> memref<1x128xi32, #tpu.memory_space<vmem>>
      %dma_wait3A_364 = tpu.memref_squeeze %dma_wait3A_363 : memref<1x128xi32, #tpu.memory_space<vmem>> -> memref<128xi32, #tpu.memory_space<vmem>>
      %dma_wait3A_365 = arith.constant 0 : i32
      %dma_wait3A_366 = arith.constant 0 : i32
      %dma_wait3A_367 = tpu.memref_slice %arg9[%dma_wait3A_365, %dma_wait3A_366] : memref<100096x8xf32, #tpu.memory_space<vmem_shared>> -> memref<100096x8xf32, #tpu.memory_space<vmem_shared>>
      tpu.wait_indirect_dma semaphore(%arg11 : memref<!tpu.dma_semaphore, #tpu.memory_space<semaphore_mem>>) src(%dma_wait3A_367 : memref<100096x8xf32, #tpu.memory_space<vmem_shared>>) dst(%dma_wait3A_361 : memref<128x8xf32, #tpu.memory_space<vmem>>)
      %dma_start3A_368 = arith.constant 6 : i32
      %dma_start3A_369 = arith.constant 6 : i32
      %dma_start3A_370 = arith.constant 0 : i32
      %dma_start3A_371 = arith.constant 0 : i32
      %dma_start3A_372 = tpu.memref_slice %arg8[%dma_start3A_368, %dma_start3A_370, %dma_start3A_371] : memref<16x128x8xf32, #tpu.memory_space<vmem>> -> memref<1x128x8xf32, #tpu.memory_space<vmem>>
      %dma_start3A_373 = tpu.memref_squeeze %dma_start3A_372 : memref<1x128x8xf32, #tpu.memory_space<vmem>> -> memref<128x8xf32, #tpu.memory_space<vmem>>
      %dma_start3A_374 = arith.constant 0 : i32
      %dma_start3A_375 = tpu.memref_slice %arg7[%dma_start3A_369, %dma_start3A_374] : memref<16x128xi32, #tpu.memory_space<vmem>> -> memref<1x128xi32, #tpu.memory_space<vmem>>
      %dma_start3A_376 = tpu.memref_squeeze %dma_start3A_375 : memref<1x128xi32, #tpu.memory_space<vmem>> -> memref<128xi32, #tpu.memory_space<vmem>>
      %dma_start3A_377 = arith.constant 0 : i32
      %dma_start3A_378 = arith.constant 0 : i32
      %dma_start3A_379 = tpu.memref_slice %arg10[%dma_start3A_377, %dma_start3A_378] : memref<100096x8xf32, #tpu.memory_space<vmem_shared>> -> memref<100096x8xf32, #tpu.memory_space<vmem_shared>>
      tpu.enqueue_indirect_dma source(%dma_start3A_373 : memref<128x8xf32, #tpu.memory_space<vmem>>) target(%dma_start3A_379 : memref<100096x8xf32, #tpu.memory_space<vmem_shared>>) offsets(%dma_start3A_376 : memref<128xi32, #tpu.memory_space<vmem>>) semaphore(%arg12 : memref<!tpu.dma_semaphore, #tpu.memory_space<semaphore_mem>>) {add = true}
      %dma_wait3A_380 = arith.constant 7 : i32
      %dma_wait3A_381 = arith.constant 7 : i32
      %dma_wait3A_382 = arith.constant 0 : i32
      %dma_wait3A_383 = arith.constant 0 : i32
      %dma_wait3A_384 = tpu.memref_slice %arg8[%dma_wait3A_381, %dma_wait3A_382, %dma_wait3A_383] : memref<16x128x8xf32, #tpu.memory_space<vmem>> -> memref<1x128x8xf32, #tpu.memory_space<vmem>>
      %dma_wait3A_385 = tpu.memref_squeeze %dma_wait3A_384 : memref<1x128x8xf32, #tpu.memory_space<vmem>> -> memref<128x8xf32, #tpu.memory_space<vmem>>
      %dma_wait3A_386 = arith.constant 0 : i32
      %dma_wait3A_387 = tpu.memref_slice %arg6[%dma_wait3A_380, %dma_wait3A_386] : memref<16x128xi32, #tpu.memory_space<vmem>> -> memref<1x128xi32, #tpu.memory_space<vmem>>
      %dma_wait3A_388 = tpu.memref_squeeze %dma_wait3A_387 : memref<1x128xi32, #tpu.memory_space<vmem>> -> memref<128xi32, #tpu.memory_space<vmem>>
      %dma_wait3A_389 = arith.constant 0 : i32
      %dma_wait3A_390 = arith.constant 0 : i32
      %dma_wait3A_391 = tpu.memref_slice %arg9[%dma_wait3A_389, %dma_wait3A_390] : memref<100096x8xf32, #tpu.memory_space<vmem_shared>> -> memref<100096x8xf32, #tpu.memory_space<vmem_shared>>
      tpu.wait_indirect_dma semaphore(%arg11 : memref<!tpu.dma_semaphore, #tpu.memory_space<semaphore_mem>>) src(%dma_wait3A_391 : memref<100096x8xf32, #tpu.memory_space<vmem_shared>>) dst(%dma_wait3A_385 : memref<128x8xf32, #tpu.memory_space<vmem>>)
      %dma_start3A_392 = arith.constant 7 : i32
      %dma_start3A_393 = arith.constant 7 : i32
      %dma_start3A_394 = arith.constant 0 : i32
      %dma_start3A_395 = arith.constant 0 : i32
      %dma_start3A_396 = tpu.memref_slice %arg8[%dma_start3A_392, %dma_start3A_394, %dma_start3A_395] : memref<16x128x8xf32, #tpu.memory_space<vmem>> -> memref<1x128x8xf32, #tpu.memory_space<vmem>>
      %dma_start3A_397 = tpu.memref_squeeze %dma_start3A_396 : memref<1x128x8xf32, #tpu.memory_space<vmem>> -> memref<128x8xf32, #tpu.memory_space<vmem>>
      %dma_start3A_398 = arith.constant 0 : i32
      %dma_start3A_399 = tpu.memref_slice %arg7[%dma_start3A_393, %dma_start3A_398] : memref<16x128xi32, #tpu.memory_space<vmem>> -> memref<1x128xi32, #tpu.memory_space<vmem>>
      %dma_start3A_400 = tpu.memref_squeeze %dma_start3A_399 : memref<1x128xi32, #tpu.memory_space<vmem>> -> memref<128xi32, #tpu.memory_space<vmem>>
      %dma_start3A_401 = arith.constant 0 : i32
      %dma_start3A_402 = arith.constant 0 : i32
      %dma_start3A_403 = tpu.memref_slice %arg10[%dma_start3A_401, %dma_start3A_402] : memref<100096x8xf32, #tpu.memory_space<vmem_shared>> -> memref<100096x8xf32, #tpu.memory_space<vmem_shared>>
      tpu.enqueue_indirect_dma source(%dma_start3A_397 : memref<128x8xf32, #tpu.memory_space<vmem>>) target(%dma_start3A_403 : memref<100096x8xf32, #tpu.memory_space<vmem_shared>>) offsets(%dma_start3A_400 : memref<128xi32, #tpu.memory_space<vmem>>) semaphore(%arg12 : memref<!tpu.dma_semaphore, #tpu.memory_space<semaphore_mem>>) {add = true}
      %dma_wait3A_404 = arith.constant 8 : i32
      %dma_wait3A_405 = arith.constant 8 : i32
      %dma_wait3A_406 = arith.constant 0 : i32
      %dma_wait3A_407 = arith.constant 0 : i32
      %dma_wait3A_408 = tpu.memref_slice %arg8[%dma_wait3A_405, %dma_wait3A_406, %dma_wait3A_407] : memref<16x128x8xf32, #tpu.memory_space<vmem>> -> memref<1x128x8xf32, #tpu.memory_space<vmem>>
      %dma_wait3A_409 = tpu.memref_squeeze %dma_wait3A_408 : memref<1x128x8xf32, #tpu.memory_space<vmem>> -> memref<128x8xf32, #tpu.memory_space<vmem>>
      %dma_wait3A_410 = arith.constant 0 : i32
      %dma_wait3A_411 = tpu.memref_slice %arg6[%dma_wait3A_404, %dma_wait3A_410] : memref<16x128xi32, #tpu.memory_space<vmem>> -> memref<1x128xi32, #tpu.memory_space<vmem>>
      %dma_wait3A_412 = tpu.memref_squeeze %dma_wait3A_411 : memref<1x128xi32, #tpu.memory_space<vmem>> -> memref<128xi32, #tpu.memory_space<vmem>>
      %dma_wait3A_413 = arith.constant 0 : i32
      %dma_wait3A_414 = arith.constant 0 : i32
      %dma_wait3A_415 = tpu.memref_slice %arg9[%dma_wait3A_413, %dma_wait3A_414] : memref<100096x8xf32, #tpu.memory_space<vmem_shared>> -> memref<100096x8xf32, #tpu.memory_space<vmem_shared>>
      tpu.wait_indirect_dma semaphore(%arg11 : memref<!tpu.dma_semaphore, #tpu.memory_space<semaphore_mem>>) src(%dma_wait3A_415 : memref<100096x8xf32, #tpu.memory_space<vmem_shared>>) dst(%dma_wait3A_409 : memref<128x8xf32, #tpu.memory_space<vmem>>)
      %dma_start3A_416 = arith.constant 8 : i32
      %dma_start3A_417 = arith.constant 8 : i32
      %dma_start3A_418 = arith.constant 0 : i32
      %dma_start3A_419 = arith.constant 0 : i32
      %dma_start3A_420 = tpu.memref_slice %arg8[%dma_start3A_416, %dma_start3A_418, %dma_start3A_419] : memref<16x128x8xf32, #tpu.memory_space<vmem>> -> memref<1x128x8xf32, #tpu.memory_space<vmem>>
      %dma_start3A_421 = tpu.memref_squeeze %dma_start3A_420 : memref<1x128x8xf32, #tpu.memory_space<vmem>> -> memref<128x8xf32, #tpu.memory_space<vmem>>
      %dma_start3A_422 = arith.constant 0 : i32
      %dma_start3A_423 = tpu.memref_slice %arg7[%dma_start3A_417, %dma_start3A_422] : memref<16x128xi32, #tpu.memory_space<vmem>> -> memref<1x128xi32, #tpu.memory_space<vmem>>
      %dma_start3A_424 = tpu.memref_squeeze %dma_start3A_423 : memref<1x128xi32, #tpu.memory_space<vmem>> -> memref<128xi32, #tpu.memory_space<vmem>>
      %dma_start3A_425 = arith.constant 0 : i32
      %dma_start3A_426 = arith.constant 0 : i32
      %dma_start3A_427 = tpu.memref_slice %arg10[%dma_start3A_425, %dma_start3A_426] : memref<100096x8xf32, #tpu.memory_space<vmem_shared>> -> memref<100096x8xf32, #tpu.memory_space<vmem_shared>>
      tpu.enqueue_indirect_dma source(%dma_start3A_421 : memref<128x8xf32, #tpu.memory_space<vmem>>) target(%dma_start3A_427 : memref<100096x8xf32, #tpu.memory_space<vmem_shared>>) offsets(%dma_start3A_424 : memref<128xi32, #tpu.memory_space<vmem>>) semaphore(%arg12 : memref<!tpu.dma_semaphore, #tpu.memory_space<semaphore_mem>>) {add = true}
      %dma_wait3A_428 = arith.constant 9 : i32
      %dma_wait3A_429 = arith.constant 9 : i32
      %dma_wait3A_430 = arith.constant 0 : i32
      %dma_wait3A_431 = arith.constant 0 : i32
      %dma_wait3A_432 = tpu.memref_slice %arg8[%dma_wait3A_429, %dma_wait3A_430, %dma_wait3A_431] : memref<16x128x8xf32, #tpu.memory_space<vmem>> -> memref<1x128x8xf32, #tpu.memory_space<vmem>>
      %dma_wait3A_433 = tpu.memref_squeeze %dma_wait3A_432 : memref<1x128x8xf32, #tpu.memory_space<vmem>> -> memref<128x8xf32, #tpu.memory_space<vmem>>
      %dma_wait3A_434 = arith.constant 0 : i32
      %dma_wait3A_435 = tpu.memref_slice %arg6[%dma_wait3A_428, %dma_wait3A_434] : memref<16x128xi32, #tpu.memory_space<vmem>> -> memref<1x128xi32, #tpu.memory_space<vmem>>
      %dma_wait3A_436 = tpu.memref_squeeze %dma_wait3A_435 : memref<1x128xi32, #tpu.memory_space<vmem>> -> memref<128xi32, #tpu.memory_space<vmem>>
      %dma_wait3A_437 = arith.constant 0 : i32
      %dma_wait3A_438 = arith.constant 0 : i32
      %dma_wait3A_439 = tpu.memref_slice %arg9[%dma_wait3A_437, %dma_wait3A_438] : memref<100096x8xf32, #tpu.memory_space<vmem_shared>> -> memref<100096x8xf32, #tpu.memory_space<vmem_shared>>
      tpu.wait_indirect_dma semaphore(%arg11 : memref<!tpu.dma_semaphore, #tpu.memory_space<semaphore_mem>>) src(%dma_wait3A_439 : memref<100096x8xf32, #tpu.memory_space<vmem_shared>>) dst(%dma_wait3A_433 : memref<128x8xf32, #tpu.memory_space<vmem>>)
      %dma_start3A_440 = arith.constant 9 : i32
      %dma_start3A_441 = arith.constant 9 : i32
      %dma_start3A_442 = arith.constant 0 : i32
      %dma_start3A_443 = arith.constant 0 : i32
      %dma_start3A_444 = tpu.memref_slice %arg8[%dma_start3A_440, %dma_start3A_442, %dma_start3A_443] : memref<16x128x8xf32, #tpu.memory_space<vmem>> -> memref<1x128x8xf32, #tpu.memory_space<vmem>>
      %dma_start3A_445 = tpu.memref_squeeze %dma_start3A_444 : memref<1x128x8xf32, #tpu.memory_space<vmem>> -> memref<128x8xf32, #tpu.memory_space<vmem>>
      %dma_start3A_446 = arith.constant 0 : i32
      %dma_start3A_447 = tpu.memref_slice %arg7[%dma_start3A_441, %dma_start3A_446] : memref<16x128xi32, #tpu.memory_space<vmem>> -> memref<1x128xi32, #tpu.memory_space<vmem>>
      %dma_start3A_448 = tpu.memref_squeeze %dma_start3A_447 : memref<1x128xi32, #tpu.memory_space<vmem>> -> memref<128xi32, #tpu.memory_space<vmem>>
      %dma_start3A_449 = arith.constant 0 : i32
      %dma_start3A_450 = arith.constant 0 : i32
      %dma_start3A_451 = tpu.memref_slice %arg10[%dma_start3A_449, %dma_start3A_450] : memref<100096x8xf32, #tpu.memory_space<vmem_shared>> -> memref<100096x8xf32, #tpu.memory_space<vmem_shared>>
      tpu.enqueue_indirect_dma source(%dma_start3A_445 : memref<128x8xf32, #tpu.memory_space<vmem>>) target(%dma_start3A_451 : memref<100096x8xf32, #tpu.memory_space<vmem_shared>>) offsets(%dma_start3A_448 : memref<128xi32, #tpu.memory_space<vmem>>) semaphore(%arg12 : memref<!tpu.dma_semaphore, #tpu.memory_space<semaphore_mem>>) {add = true}
      %dma_wait3A_452 = arith.constant 10 : i32
      %dma_wait3A_453 = arith.constant 10 : i32
      %dma_wait3A_454 = arith.constant 0 : i32
      %dma_wait3A_455 = arith.constant 0 : i32
      %dma_wait3A_456 = tpu.memref_slice %arg8[%dma_wait3A_453, %dma_wait3A_454, %dma_wait3A_455] : memref<16x128x8xf32, #tpu.memory_space<vmem>> -> memref<1x128x8xf32, #tpu.memory_space<vmem>>
      %dma_wait3A_457 = tpu.memref_squeeze %dma_wait3A_456 : memref<1x128x8xf32, #tpu.memory_space<vmem>> -> memref<128x8xf32, #tpu.memory_space<vmem>>
      %dma_wait3A_458 = arith.constant 0 : i32
      %dma_wait3A_459 = tpu.memref_slice %arg6[%dma_wait3A_452, %dma_wait3A_458] : memref<16x128xi32, #tpu.memory_space<vmem>> -> memref<1x128xi32, #tpu.memory_space<vmem>>
      %dma_wait3A_460 = tpu.memref_squeeze %dma_wait3A_459 : memref<1x128xi32, #tpu.memory_space<vmem>> -> memref<128xi32, #tpu.memory_space<vmem>>
      %dma_wait3A_461 = arith.constant 0 : i32
      %dma_wait3A_462 = arith.constant 0 : i32
      %dma_wait3A_463 = tpu.memref_slice %arg9[%dma_wait3A_461, %dma_wait3A_462] : memref<100096x8xf32, #tpu.memory_space<vmem_shared>> -> memref<100096x8xf32, #tpu.memory_space<vmem_shared>>
      tpu.wait_indirect_dma semaphore(%arg11 : memref<!tpu.dma_semaphore, #tpu.memory_space<semaphore_mem>>) src(%dma_wait3A_463 : memref<100096x8xf32, #tpu.memory_space<vmem_shared>>) dst(%dma_wait3A_457 : memref<128x8xf32, #tpu.memory_space<vmem>>)
      %dma_start3A_464 = arith.constant 10 : i32
      %dma_start3A_465 = arith.constant 10 : i32
      %dma_start3A_466 = arith.constant 0 : i32
      %dma_start3A_467 = arith.constant 0 : i32
      %dma_start3A_468 = tpu.memref_slice %arg8[%dma_start3A_464, %dma_start3A_466, %dma_start3A_467] : memref<16x128x8xf32, #tpu.memory_space<vmem>> -> memref<1x128x8xf32, #tpu.memory_space<vmem>>
      %dma_start3A_469 = tpu.memref_squeeze %dma_start3A_468 : memref<1x128x8xf32, #tpu.memory_space<vmem>> -> memref<128x8xf32, #tpu.memory_space<vmem>>
      %dma_start3A_470 = arith.constant 0 : i32
      %dma_start3A_471 = tpu.memref_slice %arg7[%dma_start3A_465, %dma_start3A_470] : memref<16x128xi32, #tpu.memory_space<vmem>> -> memref<1x128xi32, #tpu.memory_space<vmem>>
      %dma_start3A_472 = tpu.memref_squeeze %dma_start3A_471 : memref<1x128xi32, #tpu.memory_space<vmem>> -> memref<128xi32, #tpu.memory_space<vmem>>
      %dma_start3A_473 = arith.constant 0 : i32
      %dma_start3A_474 = arith.constant 0 : i32
      %dma_start3A_475 = tpu.memref_slice %arg10[%dma_start3A_473, %dma_start3A_474] : memref<100096x8xf32, #tpu.memory_space<vmem_shared>> -> memref<100096x8xf32, #tpu.memory_space<vmem_shared>>
      tpu.enqueue_indirect_dma source(%dma_start3A_469 : memref<128x8xf32, #tpu.memory_space<vmem>>) target(%dma_start3A_475 : memref<100096x8xf32, #tpu.memory_space<vmem_shared>>) offsets(%dma_start3A_472 : memref<128xi32, #tpu.memory_space<vmem>>) semaphore(%arg12 : memref<!tpu.dma_semaphore, #tpu.memory_space<semaphore_mem>>) {add = true}
      %dma_wait3A_476 = arith.constant 11 : i32
      %dma_wait3A_477 = arith.constant 11 : i32
      %dma_wait3A_478 = arith.constant 0 : i32
      %dma_wait3A_479 = arith.constant 0 : i32
      %dma_wait3A_480 = tpu.memref_slice %arg8[%dma_wait3A_477, %dma_wait3A_478, %dma_wait3A_479] : memref<16x128x8xf32, #tpu.memory_space<vmem>> -> memref<1x128x8xf32, #tpu.memory_space<vmem>>
      %dma_wait3A_481 = tpu.memref_squeeze %dma_wait3A_480 : memref<1x128x8xf32, #tpu.memory_space<vmem>> -> memref<128x8xf32, #tpu.memory_space<vmem>>
      %dma_wait3A_482 = arith.constant 0 : i32
      %dma_wait3A_483 = tpu.memref_slice %arg6[%dma_wait3A_476, %dma_wait3A_482] : memref<16x128xi32, #tpu.memory_space<vmem>> -> memref<1x128xi32, #tpu.memory_space<vmem>>
      %dma_wait3A_484 = tpu.memref_squeeze %dma_wait3A_483 : memref<1x128xi32, #tpu.memory_space<vmem>> -> memref<128xi32, #tpu.memory_space<vmem>>
      %dma_wait3A_485 = arith.constant 0 : i32
      %dma_wait3A_486 = arith.constant 0 : i32
      %dma_wait3A_487 = tpu.memref_slice %arg9[%dma_wait3A_485, %dma_wait3A_486] : memref<100096x8xf32, #tpu.memory_space<vmem_shared>> -> memref<100096x8xf32, #tpu.memory_space<vmem_shared>>
      tpu.wait_indirect_dma semaphore(%arg11 : memref<!tpu.dma_semaphore, #tpu.memory_space<semaphore_mem>>) src(%dma_wait3A_487 : memref<100096x8xf32, #tpu.memory_space<vmem_shared>>) dst(%dma_wait3A_481 : memref<128x8xf32, #tpu.memory_space<vmem>>)
      %dma_start3A_488 = arith.constant 11 : i32
      %dma_start3A_489 = arith.constant 11 : i32
      %dma_start3A_490 = arith.constant 0 : i32
      %dma_start3A_491 = arith.constant 0 : i32
      %dma_start3A_492 = tpu.memref_slice %arg8[%dma_start3A_488, %dma_start3A_490, %dma_start3A_491] : memref<16x128x8xf32, #tpu.memory_space<vmem>> -> memref<1x128x8xf32, #tpu.memory_space<vmem>>
      %dma_start3A_493 = tpu.memref_squeeze %dma_start3A_492 : memref<1x128x8xf32, #tpu.memory_space<vmem>> -> memref<128x8xf32, #tpu.memory_space<vmem>>
      %dma_start3A_494 = arith.constant 0 : i32
      %dma_start3A_495 = tpu.memref_slice %arg7[%dma_start3A_489, %dma_start3A_494] : memref<16x128xi32, #tpu.memory_space<vmem>> -> memref<1x128xi32, #tpu.memory_space<vmem>>
      %dma_start3A_496 = tpu.memref_squeeze %dma_start3A_495 : memref<1x128xi32, #tpu.memory_space<vmem>> -> memref<128xi32, #tpu.memory_space<vmem>>
      %dma_start3A_497 = arith.constant 0 : i32
      %dma_start3A_498 = arith.constant 0 : i32
      %dma_start3A_499 = tpu.memref_slice %arg10[%dma_start3A_497, %dma_start3A_498] : memref<100096x8xf32, #tpu.memory_space<vmem_shared>> -> memref<100096x8xf32, #tpu.memory_space<vmem_shared>>
      tpu.enqueue_indirect_dma source(%dma_start3A_493 : memref<128x8xf32, #tpu.memory_space<vmem>>) target(%dma_start3A_499 : memref<100096x8xf32, #tpu.memory_space<vmem_shared>>) offsets(%dma_start3A_496 : memref<128xi32, #tpu.memory_space<vmem>>) semaphore(%arg12 : memref<!tpu.dma_semaphore, #tpu.memory_space<semaphore_mem>>) {add = true}
      %dma_wait3A_500 = arith.constant 12 : i32
      %dma_wait3A_501 = arith.constant 12 : i32
      %dma_wait3A_502 = arith.constant 0 : i32
      %dma_wait3A_503 = arith.constant 0 : i32
      %dma_wait3A_504 = tpu.memref_slice %arg8[%dma_wait3A_501, %dma_wait3A_502, %dma_wait3A_503] : memref<16x128x8xf32, #tpu.memory_space<vmem>> -> memref<1x128x8xf32, #tpu.memory_space<vmem>>
      %dma_wait3A_505 = tpu.memref_squeeze %dma_wait3A_504 : memref<1x128x8xf32, #tpu.memory_space<vmem>> -> memref<128x8xf32, #tpu.memory_space<vmem>>
      %dma_wait3A_506 = arith.constant 0 : i32
      %dma_wait3A_507 = tpu.memref_slice %arg6[%dma_wait3A_500, %dma_wait3A_506] : memref<16x128xi32, #tpu.memory_space<vmem>> -> memref<1x128xi32, #tpu.memory_space<vmem>>
      %dma_wait3A_508 = tpu.memref_squeeze %dma_wait3A_507 : memref<1x128xi32, #tpu.memory_space<vmem>> -> memref<128xi32, #tpu.memory_space<vmem>>
      %dma_wait3A_509 = arith.constant 0 : i32
      %dma_wait3A_510 = arith.constant 0 : i32
      %dma_wait3A_511 = tpu.memref_slice %arg9[%dma_wait3A_509, %dma_wait3A_510] : memref<100096x8xf32, #tpu.memory_space<vmem_shared>> -> memref<100096x8xf32, #tpu.memory_space<vmem_shared>>
      tpu.wait_indirect_dma semaphore(%arg11 : memref<!tpu.dma_semaphore, #tpu.memory_space<semaphore_mem>>) src(%dma_wait3A_511 : memref<100096x8xf32, #tpu.memory_space<vmem_shared>>) dst(%dma_wait3A_505 : memref<128x8xf32, #tpu.memory_space<vmem>>)
      %dma_start3A_512 = arith.constant 12 : i32
      %dma_start3A_513 = arith.constant 12 : i32
      %dma_start3A_514 = arith.constant 0 : i32
      %dma_start3A_515 = arith.constant 0 : i32
      %dma_start3A_516 = tpu.memref_slice %arg8[%dma_start3A_512, %dma_start3A_514, %dma_start3A_515] : memref<16x128x8xf32, #tpu.memory_space<vmem>> -> memref<1x128x8xf32, #tpu.memory_space<vmem>>
      %dma_start3A_517 = tpu.memref_squeeze %dma_start3A_516 : memref<1x128x8xf32, #tpu.memory_space<vmem>> -> memref<128x8xf32, #tpu.memory_space<vmem>>
      %dma_start3A_518 = arith.constant 0 : i32
      %dma_start3A_519 = tpu.memref_slice %arg7[%dma_start3A_513, %dma_start3A_518] : memref<16x128xi32, #tpu.memory_space<vmem>> -> memref<1x128xi32, #tpu.memory_space<vmem>>
      %dma_start3A_520 = tpu.memref_squeeze %dma_start3A_519 : memref<1x128xi32, #tpu.memory_space<vmem>> -> memref<128xi32, #tpu.memory_space<vmem>>
      %dma_start3A_521 = arith.constant 0 : i32
      %dma_start3A_522 = arith.constant 0 : i32
      %dma_start3A_523 = tpu.memref_slice %arg10[%dma_start3A_521, %dma_start3A_522] : memref<100096x8xf32, #tpu.memory_space<vmem_shared>> -> memref<100096x8xf32, #tpu.memory_space<vmem_shared>>
      tpu.enqueue_indirect_dma source(%dma_start3A_517 : memref<128x8xf32, #tpu.memory_space<vmem>>) target(%dma_start3A_523 : memref<100096x8xf32, #tpu.memory_space<vmem_shared>>) offsets(%dma_start3A_520 : memref<128xi32, #tpu.memory_space<vmem>>) semaphore(%arg12 : memref<!tpu.dma_semaphore, #tpu.memory_space<semaphore_mem>>) {add = true}
      %dma_wait3A_524 = arith.constant 13 : i32
      %dma_wait3A_525 = arith.constant 13 : i32
      %dma_wait3A_526 = arith.constant 0 : i32
      %dma_wait3A_527 = arith.constant 0 : i32
      %dma_wait3A_528 = tpu.memref_slice %arg8[%dma_wait3A_525, %dma_wait3A_526, %dma_wait3A_527] : memref<16x128x8xf32, #tpu.memory_space<vmem>> -> memref<1x128x8xf32, #tpu.memory_space<vmem>>
      %dma_wait3A_529 = tpu.memref_squeeze %dma_wait3A_528 : memref<1x128x8xf32, #tpu.memory_space<vmem>> -> memref<128x8xf32, #tpu.memory_space<vmem>>
      %dma_wait3A_530 = arith.constant 0 : i32
      %dma_wait3A_531 = tpu.memref_slice %arg6[%dma_wait3A_524, %dma_wait3A_530] : memref<16x128xi32, #tpu.memory_space<vmem>> -> memref<1x128xi32, #tpu.memory_space<vmem>>
      %dma_wait3A_532 = tpu.memref_squeeze %dma_wait3A_531 : memref<1x128xi32, #tpu.memory_space<vmem>> -> memref<128xi32, #tpu.memory_space<vmem>>
      %dma_wait3A_533 = arith.constant 0 : i32
      %dma_wait3A_534 = arith.constant 0 : i32
      %dma_wait3A_535 = tpu.memref_slice %arg9[%dma_wait3A_533, %dma_wait3A_534] : memref<100096x8xf32, #tpu.memory_space<vmem_shared>> -> memref<100096x8xf32, #tpu.memory_space<vmem_shared>>
      tpu.wait_indirect_dma semaphore(%arg11 : memref<!tpu.dma_semaphore, #tpu.memory_space<semaphore_mem>>) src(%dma_wait3A_535 : memref<100096x8xf32, #tpu.memory_space<vmem_shared>>) dst(%dma_wait3A_529 : memref<128x8xf32, #tpu.memory_space<vmem>>)
      %dma_start3A_536 = arith.constant 13 : i32
      %dma_start3A_537 = arith.constant 13 : i32
      %dma_start3A_538 = arith.constant 0 : i32
      %dma_start3A_539 = arith.constant 0 : i32
      %dma_start3A_540 = tpu.memref_slice %arg8[%dma_start3A_536, %dma_start3A_538, %dma_start3A_539] : memref<16x128x8xf32, #tpu.memory_space<vmem>> -> memref<1x128x8xf32, #tpu.memory_space<vmem>>
      %dma_start3A_541 = tpu.memref_squeeze %dma_start3A_540 : memref<1x128x8xf32, #tpu.memory_space<vmem>> -> memref<128x8xf32, #tpu.memory_space<vmem>>
      %dma_start3A_542 = arith.constant 0 : i32
      %dma_start3A_543 = tpu.memref_slice %arg7[%dma_start3A_537, %dma_start3A_542] : memref<16x128xi32, #tpu.memory_space<vmem>> -> memref<1x128xi32, #tpu.memory_space<vmem>>
      %dma_start3A_544 = tpu.memref_squeeze %dma_start3A_543 : memref<1x128xi32, #tpu.memory_space<vmem>> -> memref<128xi32, #tpu.memory_space<vmem>>
      %dma_start3A_545 = arith.constant 0 : i32
      %dma_start3A_546 = arith.constant 0 : i32
      %dma_start3A_547 = tpu.memref_slice %arg10[%dma_start3A_545, %dma_start3A_546] : memref<100096x8xf32, #tpu.memory_space<vmem_shared>> -> memref<100096x8xf32, #tpu.memory_space<vmem_shared>>
      tpu.enqueue_indirect_dma source(%dma_start3A_541 : memref<128x8xf32, #tpu.memory_space<vmem>>) target(%dma_start3A_547 : memref<100096x8xf32, #tpu.memory_space<vmem_shared>>) offsets(%dma_start3A_544 : memref<128xi32, #tpu.memory_space<vmem>>) semaphore(%arg12 : memref<!tpu.dma_semaphore, #tpu.memory_space<semaphore_mem>>) {add = true}
      %dma_wait3A_548 = arith.constant 14 : i32
      %dma_wait3A_549 = arith.constant 14 : i32
      %dma_wait3A_550 = arith.constant 0 : i32
      %dma_wait3A_551 = arith.constant 0 : i32
      %dma_wait3A_552 = tpu.memref_slice %arg8[%dma_wait3A_549, %dma_wait3A_550, %dma_wait3A_551] : memref<16x128x8xf32, #tpu.memory_space<vmem>> -> memref<1x128x8xf32, #tpu.memory_space<vmem>>
      %dma_wait3A_553 = tpu.memref_squeeze %dma_wait3A_552 : memref<1x128x8xf32, #tpu.memory_space<vmem>> -> memref<128x8xf32, #tpu.memory_space<vmem>>
      %dma_wait3A_554 = arith.constant 0 : i32
      %dma_wait3A_555 = tpu.memref_slice %arg6[%dma_wait3A_548, %dma_wait3A_554] : memref<16x128xi32, #tpu.memory_space<vmem>> -> memref<1x128xi32, #tpu.memory_space<vmem>>
      %dma_wait3A_556 = tpu.memref_squeeze %dma_wait3A_555 : memref<1x128xi32, #tpu.memory_space<vmem>> -> memref<128xi32, #tpu.memory_space<vmem>>
      %dma_wait3A_557 = arith.constant 0 : i32
      %dma_wait3A_558 = arith.constant 0 : i32
      %dma_wait3A_559 = tpu.memref_slice %arg9[%dma_wait3A_557, %dma_wait3A_558] : memref<100096x8xf32, #tpu.memory_space<vmem_shared>> -> memref<100096x8xf32, #tpu.memory_space<vmem_shared>>
      tpu.wait_indirect_dma semaphore(%arg11 : memref<!tpu.dma_semaphore, #tpu.memory_space<semaphore_mem>>) src(%dma_wait3A_559 : memref<100096x8xf32, #tpu.memory_space<vmem_shared>>) dst(%dma_wait3A_553 : memref<128x8xf32, #tpu.memory_space<vmem>>)
      %dma_start3A_560 = arith.constant 14 : i32
      %dma_start3A_561 = arith.constant 14 : i32
      %dma_start3A_562 = arith.constant 0 : i32
      %dma_start3A_563 = arith.constant 0 : i32
      %dma_start3A_564 = tpu.memref_slice %arg8[%dma_start3A_560, %dma_start3A_562, %dma_start3A_563] : memref<16x128x8xf32, #tpu.memory_space<vmem>> -> memref<1x128x8xf32, #tpu.memory_space<vmem>>
      %dma_start3A_565 = tpu.memref_squeeze %dma_start3A_564 : memref<1x128x8xf32, #tpu.memory_space<vmem>> -> memref<128x8xf32, #tpu.memory_space<vmem>>
      %dma_start3A_566 = arith.constant 0 : i32
      %dma_start3A_567 = tpu.memref_slice %arg7[%dma_start3A_561, %dma_start3A_566] : memref<16x128xi32, #tpu.memory_space<vmem>> -> memref<1x128xi32, #tpu.memory_space<vmem>>
      %dma_start3A_568 = tpu.memref_squeeze %dma_start3A_567 : memref<1x128xi32, #tpu.memory_space<vmem>> -> memref<128xi32, #tpu.memory_space<vmem>>
      %dma_start3A_569 = arith.constant 0 : i32
      %dma_start3A_570 = arith.constant 0 : i32
      %dma_start3A_571 = tpu.memref_slice %arg10[%dma_start3A_569, %dma_start3A_570] : memref<100096x8xf32, #tpu.memory_space<vmem_shared>> -> memref<100096x8xf32, #tpu.memory_space<vmem_shared>>
      tpu.enqueue_indirect_dma source(%dma_start3A_565 : memref<128x8xf32, #tpu.memory_space<vmem>>) target(%dma_start3A_571 : memref<100096x8xf32, #tpu.memory_space<vmem_shared>>) offsets(%dma_start3A_568 : memref<128xi32, #tpu.memory_space<vmem>>) semaphore(%arg12 : memref<!tpu.dma_semaphore, #tpu.memory_space<semaphore_mem>>) {add = true}
      %dma_wait3A_572 = arith.constant 15 : i32
      %dma_wait3A_573 = arith.constant 15 : i32
      %dma_wait3A_574 = arith.constant 0 : i32
      %dma_wait3A_575 = arith.constant 0 : i32
      %dma_wait3A_576 = tpu.memref_slice %arg8[%dma_wait3A_573, %dma_wait3A_574, %dma_wait3A_575] : memref<16x128x8xf32, #tpu.memory_space<vmem>> -> memref<1x128x8xf32, #tpu.memory_space<vmem>>
      %dma_wait3A_577 = tpu.memref_squeeze %dma_wait3A_576 : memref<1x128x8xf32, #tpu.memory_space<vmem>> -> memref<128x8xf32, #tpu.memory_space<vmem>>
      %dma_wait3A_578 = arith.constant 0 : i32
      %dma_wait3A_579 = tpu.memref_slice %arg6[%dma_wait3A_572, %dma_wait3A_578] : memref<16x128xi32, #tpu.memory_space<vmem>> -> memref<1x128xi32, #tpu.memory_space<vmem>>
      %dma_wait3A_580 = tpu.memref_squeeze %dma_wait3A_579 : memref<1x128xi32, #tpu.memory_space<vmem>> -> memref<128xi32, #tpu.memory_space<vmem>>
      %dma_wait3A_581 = arith.constant 0 : i32
      %dma_wait3A_582 = arith.constant 0 : i32
      %dma_wait3A_583 = tpu.memref_slice %arg9[%dma_wait3A_581, %dma_wait3A_582] : memref<100096x8xf32, #tpu.memory_space<vmem_shared>> -> memref<100096x8xf32, #tpu.memory_space<vmem_shared>>
      tpu.wait_indirect_dma semaphore(%arg11 : memref<!tpu.dma_semaphore, #tpu.memory_space<semaphore_mem>>) src(%dma_wait3A_583 : memref<100096x8xf32, #tpu.memory_space<vmem_shared>>) dst(%dma_wait3A_577 : memref<128x8xf32, #tpu.memory_space<vmem>>)
      %dma_start3A_584 = arith.constant 15 : i32
      %dma_start3A_585 = arith.constant 15 : i32
      %dma_start3A_586 = arith.constant 0 : i32
      %dma_start3A_587 = arith.constant 0 : i32
      %dma_start3A_588 = tpu.memref_slice %arg8[%dma_start3A_584, %dma_start3A_586, %dma_start3A_587] : memref<16x128x8xf32, #tpu.memory_space<vmem>> -> memref<1x128x8xf32, #tpu.memory_space<vmem>>
      %dma_start3A_589 = tpu.memref_squeeze %dma_start3A_588 : memref<1x128x8xf32, #tpu.memory_space<vmem>> -> memref<128x8xf32, #tpu.memory_space<vmem>>
      %dma_start3A_590 = arith.constant 0 : i32
      %dma_start3A_591 = tpu.memref_slice %arg7[%dma_start3A_585, %dma_start3A_590] : memref<16x128xi32, #tpu.memory_space<vmem>> -> memref<1x128xi32, #tpu.memory_space<vmem>>
      %dma_start3A_592 = tpu.memref_squeeze %dma_start3A_591 : memref<1x128xi32, #tpu.memory_space<vmem>> -> memref<128xi32, #tpu.memory_space<vmem>>
      %dma_start3A_593 = arith.constant 0 : i32
      %dma_start3A_594 = arith.constant 0 : i32
      %dma_start3A_595 = tpu.memref_slice %arg10[%dma_start3A_593, %dma_start3A_594] : memref<100096x8xf32, #tpu.memory_space<vmem_shared>> -> memref<100096x8xf32, #tpu.memory_space<vmem_shared>>
      tpu.enqueue_indirect_dma source(%dma_start3A_589 : memref<128x8xf32, #tpu.memory_space<vmem>>) target(%dma_start3A_595 : memref<100096x8xf32, #tpu.memory_space<vmem_shared>>) offsets(%dma_start3A_592 : memref<128xi32, #tpu.memory_space<vmem>>) semaphore(%arg12 : memref<!tpu.dma_semaphore, #tpu.memory_space<semaphore_mem>>) {add = true}
      %dma_wait3A_596 = arith.constant 0 : i32
      %dma_wait3A_597 = arith.constant 0 : i32
      %dma_wait3A_598 = arith.constant 0 : i32
      %dma_wait3A_599 = arith.constant 0 : i32
      %dma_wait3A_600 = tpu.memref_slice %arg8[%dma_wait3A_596, %dma_wait3A_598, %dma_wait3A_599] : memref<16x128x8xf32, #tpu.memory_space<vmem>> -> memref<1x128x8xf32, #tpu.memory_space<vmem>>
      %dma_wait3A_601 = tpu.memref_squeeze %dma_wait3A_600 : memref<1x128x8xf32, #tpu.memory_space<vmem>> -> memref<128x8xf32, #tpu.memory_space<vmem>>
      %dma_wait3A_602 = arith.constant 0 : i32
      %dma_wait3A_603 = tpu.memref_slice %arg7[%dma_wait3A_597, %dma_wait3A_602] : memref<16x128xi32, #tpu.memory_space<vmem>> -> memref<1x128xi32, #tpu.memory_space<vmem>>
      %dma_wait3A_604 = tpu.memref_squeeze %dma_wait3A_603 : memref<1x128xi32, #tpu.memory_space<vmem>> -> memref<128xi32, #tpu.memory_space<vmem>>
      %dma_wait3A_605 = arith.constant 0 : i32
      %dma_wait3A_606 = arith.constant 0 : i32
      %dma_wait3A_607 = tpu.memref_slice %arg10[%dma_wait3A_605, %dma_wait3A_606] : memref<100096x8xf32, #tpu.memory_space<vmem_shared>> -> memref<100096x8xf32, #tpu.memory_space<vmem_shared>>
      tpu.wait_indirect_dma semaphore(%arg12 : memref<!tpu.dma_semaphore, #tpu.memory_space<semaphore_mem>>) src(%dma_wait3A_601 : memref<128x8xf32, #tpu.memory_space<vmem>>) dst(%dma_wait3A_607 : memref<100096x8xf32, #tpu.memory_space<vmem_shared>>)
      %dma_wait3A_608 = arith.constant 1 : i32
      %dma_wait3A_609 = arith.constant 1 : i32
      %dma_wait3A_610 = arith.constant 0 : i32
      %dma_wait3A_611 = arith.constant 0 : i32
      %dma_wait3A_612 = tpu.memref_slice %arg8[%dma_wait3A_608, %dma_wait3A_610, %dma_wait3A_611] : memref<16x128x8xf32, #tpu.memory_space<vmem>> -> memref<1x128x8xf32, #tpu.memory_space<vmem>>
      %dma_wait3A_613 = tpu.memref_squeeze %dma_wait3A_612 : memref<1x128x8xf32, #tpu.memory_space<vmem>> -> memref<128x8xf32, #tpu.memory_space<vmem>>
      %dma_wait3A_614 = arith.constant 0 : i32
      %dma_wait3A_615 = tpu.memref_slice %arg7[%dma_wait3A_609, %dma_wait3A_614] : memref<16x128xi32, #tpu.memory_space<vmem>> -> memref<1x128xi32, #tpu.memory_space<vmem>>
      %dma_wait3A_616 = tpu.memref_squeeze %dma_wait3A_615 : memref<1x128xi32, #tpu.memory_space<vmem>> -> memref<128xi32, #tpu.memory_space<vmem>>
      %dma_wait3A_617 = arith.constant 0 : i32
      %dma_wait3A_618 = arith.constant 0 : i32
      %dma_wait3A_619 = tpu.memref_slice %arg10[%dma_wait3A_617, %dma_wait3A_618] : memref<100096x8xf32, #tpu.memory_space<vmem_shared>> -> memref<100096x8xf32, #tpu.memory_space<vmem_shared>>
      tpu.wait_indirect_dma semaphore(%arg12 : memref<!tpu.dma_semaphore, #tpu.memory_space<semaphore_mem>>) src(%dma_wait3A_613 : memref<128x8xf32, #tpu.memory_space<vmem>>) dst(%dma_wait3A_619 : memref<100096x8xf32, #tpu.memory_space<vmem_shared>>)
      %dma_wait3A_620 = arith.constant 2 : i32
      %dma_wait3A_621 = arith.constant 2 : i32
      %dma_wait3A_622 = arith.constant 0 : i32
      %dma_wait3A_623 = arith.constant 0 : i32
      %dma_wait3A_624 = tpu.memref_slice %arg8[%dma_wait3A_620, %dma_wait3A_622, %dma_wait3A_623] : memref<16x128x8xf32, #tpu.memory_space<vmem>> -> memref<1x128x8xf32, #tpu.memory_space<vmem>>
      %dma_wait3A_625 = tpu.memref_squeeze %dma_wait3A_624 : memref<1x128x8xf32, #tpu.memory_space<vmem>> -> memref<128x8xf32, #tpu.memory_space<vmem>>
      %dma_wait3A_626 = arith.constant 0 : i32
      %dma_wait3A_627 = tpu.memref_slice %arg7[%dma_wait3A_621, %dma_wait3A_626] : memref<16x128xi32, #tpu.memory_space<vmem>> -> memref<1x128xi32, #tpu.memory_space<vmem>>
      %dma_wait3A_628 = tpu.memref_squeeze %dma_wait3A_627 : memref<1x128xi32, #tpu.memory_space<vmem>> -> memref<128xi32, #tpu.memory_space<vmem>>
      %dma_wait3A_629 = arith.constant 0 : i32
      %dma_wait3A_630 = arith.constant 0 : i32
      %dma_wait3A_631 = tpu.memref_slice %arg10[%dma_wait3A_629, %dma_wait3A_630] : memref<100096x8xf32, #tpu.memory_space<vmem_shared>> -> memref<100096x8xf32, #tpu.memory_space<vmem_shared>>
      tpu.wait_indirect_dma semaphore(%arg12 : memref<!tpu.dma_semaphore, #tpu.memory_space<semaphore_mem>>) src(%dma_wait3A_625 : memref<128x8xf32, #tpu.memory_space<vmem>>) dst(%dma_wait3A_631 : memref<100096x8xf32, #tpu.memory_space<vmem_shared>>)
      %dma_wait3A_632 = arith.constant 3 : i32
      %dma_wait3A_633 = arith.constant 3 : i32
      %dma_wait3A_634 = arith.constant 0 : i32
      %dma_wait3A_635 = arith.constant 0 : i32
      %dma_wait3A_636 = tpu.memref_slice %arg8[%dma_wait3A_632, %dma_wait3A_634, %dma_wait3A_635] : memref<16x128x8xf32, #tpu.memory_space<vmem>> -> memref<1x128x8xf32, #tpu.memory_space<vmem>>
      %dma_wait3A_637 = tpu.memref_squeeze %dma_wait3A_636 : memref<1x128x8xf32, #tpu.memory_space<vmem>> -> memref<128x8xf32, #tpu.memory_space<vmem>>
      %dma_wait3A_638 = arith.constant 0 : i32
      %dma_wait3A_639 = tpu.memref_slice %arg7[%dma_wait3A_633, %dma_wait3A_638] : memref<16x128xi32, #tpu.memory_space<vmem>> -> memref<1x128xi32, #tpu.memory_space<vmem>>
      %dma_wait3A_640 = tpu.memref_squeeze %dma_wait3A_639 : memref<1x128xi32, #tpu.memory_space<vmem>> -> memref<128xi32, #tpu.memory_space<vmem>>
      %dma_wait3A_641 = arith.constant 0 : i32
      %dma_wait3A_642 = arith.constant 0 : i32
      %dma_wait3A_643 = tpu.memref_slice %arg10[%dma_wait3A_641, %dma_wait3A_642] : memref<100096x8xf32, #tpu.memory_space<vmem_shared>> -> memref<100096x8xf32, #tpu.memory_space<vmem_shared>>
      tpu.wait_indirect_dma semaphore(%arg12 : memref<!tpu.dma_semaphore, #tpu.memory_space<semaphore_mem>>) src(%dma_wait3A_637 : memref<128x8xf32, #tpu.memory_space<vmem>>) dst(%dma_wait3A_643 : memref<100096x8xf32, #tpu.memory_space<vmem_shared>>)
      %dma_wait3A_644 = arith.constant 4 : i32
      %dma_wait3A_645 = arith.constant 4 : i32
      %dma_wait3A_646 = arith.constant 0 : i32
      %dma_wait3A_647 = arith.constant 0 : i32
      %dma_wait3A_648 = tpu.memref_slice %arg8[%dma_wait3A_644, %dma_wait3A_646, %dma_wait3A_647] : memref<16x128x8xf32, #tpu.memory_space<vmem>> -> memref<1x128x8xf32, #tpu.memory_space<vmem>>
      %dma_wait3A_649 = tpu.memref_squeeze %dma_wait3A_648 : memref<1x128x8xf32, #tpu.memory_space<vmem>> -> memref<128x8xf32, #tpu.memory_space<vmem>>
      %dma_wait3A_650 = arith.constant 0 : i32
      %dma_wait3A_651 = tpu.memref_slice %arg7[%dma_wait3A_645, %dma_wait3A_650] : memref<16x128xi32, #tpu.memory_space<vmem>> -> memref<1x128xi32, #tpu.memory_space<vmem>>
      %dma_wait3A_652 = tpu.memref_squeeze %dma_wait3A_651 : memref<1x128xi32, #tpu.memory_space<vmem>> -> memref<128xi32, #tpu.memory_space<vmem>>
      %dma_wait3A_653 = arith.constant 0 : i32
      %dma_wait3A_654 = arith.constant 0 : i32
      %dma_wait3A_655 = tpu.memref_slice %arg10[%dma_wait3A_653, %dma_wait3A_654] : memref<100096x8xf32, #tpu.memory_space<vmem_shared>> -> memref<100096x8xf32, #tpu.memory_space<vmem_shared>>
      tpu.wait_indirect_dma semaphore(%arg12 : memref<!tpu.dma_semaphore, #tpu.memory_space<semaphore_mem>>) src(%dma_wait3A_649 : memref<128x8xf32, #tpu.memory_space<vmem>>) dst(%dma_wait3A_655 : memref<100096x8xf32, #tpu.memory_space<vmem_shared>>)
      %dma_wait3A_656 = arith.constant 5 : i32
      %dma_wait3A_657 = arith.constant 5 : i32
      %dma_wait3A_658 = arith.constant 0 : i32
      %dma_wait3A_659 = arith.constant 0 : i32
      %dma_wait3A_660 = tpu.memref_slice %arg8[%dma_wait3A_656, %dma_wait3A_658, %dma_wait3A_659] : memref<16x128x8xf32, #tpu.memory_space<vmem>> -> memref<1x128x8xf32, #tpu.memory_space<vmem>>
      %dma_wait3A_661 = tpu.memref_squeeze %dma_wait3A_660 : memref<1x128x8xf32, #tpu.memory_space<vmem>> -> memref<128x8xf32, #tpu.memory_space<vmem>>
      %dma_wait3A_662 = arith.constant 0 : i32
      %dma_wait3A_663 = tpu.memref_slice %arg7[%dma_wait3A_657, %dma_wait3A_662] : memref<16x128xi32, #tpu.memory_space<vmem>> -> memref<1x128xi32, #tpu.memory_space<vmem>>
      %dma_wait3A_664 = tpu.memref_squeeze %dma_wait3A_663 : memref<1x128xi32, #tpu.memory_space<vmem>> -> memref<128xi32, #tpu.memory_space<vmem>>
      %dma_wait3A_665 = arith.constant 0 : i32
      %dma_wait3A_666 = arith.constant 0 : i32
      %dma_wait3A_667 = tpu.memref_slice %arg10[%dma_wait3A_665, %dma_wait3A_666] : memref<100096x8xf32, #tpu.memory_space<vmem_shared>> -> memref<100096x8xf32, #tpu.memory_space<vmem_shared>>
      tpu.wait_indirect_dma semaphore(%arg12 : memref<!tpu.dma_semaphore, #tpu.memory_space<semaphore_mem>>) src(%dma_wait3A_661 : memref<128x8xf32, #tpu.memory_space<vmem>>) dst(%dma_wait3A_667 : memref<100096x8xf32, #tpu.memory_space<vmem_shared>>)
      %dma_wait3A_668 = arith.constant 6 : i32
      %dma_wait3A_669 = arith.constant 6 : i32
      %dma_wait3A_670 = arith.constant 0 : i32
      %dma_wait3A_671 = arith.constant 0 : i32
      %dma_wait3A_672 = tpu.memref_slice %arg8[%dma_wait3A_668, %dma_wait3A_670, %dma_wait3A_671] : memref<16x128x8xf32, #tpu.memory_space<vmem>> -> memref<1x128x8xf32, #tpu.memory_space<vmem>>
      %dma_wait3A_673 = tpu.memref_squeeze %dma_wait3A_672 : memref<1x128x8xf32, #tpu.memory_space<vmem>> -> memref<128x8xf32, #tpu.memory_space<vmem>>
      %dma_wait3A_674 = arith.constant 0 : i32
      %dma_wait3A_675 = tpu.memref_slice %arg7[%dma_wait3A_669, %dma_wait3A_674] : memref<16x128xi32, #tpu.memory_space<vmem>> -> memref<1x128xi32, #tpu.memory_space<vmem>>
      %dma_wait3A_676 = tpu.memref_squeeze %dma_wait3A_675 : memref<1x128xi32, #tpu.memory_space<vmem>> -> memref<128xi32, #tpu.memory_space<vmem>>
      %dma_wait3A_677 = arith.constant 0 : i32
      %dma_wait3A_678 = arith.constant 0 : i32
      %dma_wait3A_679 = tpu.memref_slice %arg10[%dma_wait3A_677, %dma_wait3A_678] : memref<100096x8xf32, #tpu.memory_space<vmem_shared>> -> memref<100096x8xf32, #tpu.memory_space<vmem_shared>>
      tpu.wait_indirect_dma semaphore(%arg12 : memref<!tpu.dma_semaphore, #tpu.memory_space<semaphore_mem>>) src(%dma_wait3A_673 : memref<128x8xf32, #tpu.memory_space<vmem>>) dst(%dma_wait3A_679 : memref<100096x8xf32, #tpu.memory_space<vmem_shared>>)
      %dma_wait3A_680 = arith.constant 7 : i32
      %dma_wait3A_681 = arith.constant 7 : i32
      %dma_wait3A_682 = arith.constant 0 : i32
      %dma_wait3A_683 = arith.constant 0 : i32
      %dma_wait3A_684 = tpu.memref_slice %arg8[%dma_wait3A_680, %dma_wait3A_682, %dma_wait3A_683] : memref<16x128x8xf32, #tpu.memory_space<vmem>> -> memref<1x128x8xf32, #tpu.memory_space<vmem>>
      %dma_wait3A_685 = tpu.memref_squeeze %dma_wait3A_684 : memref<1x128x8xf32, #tpu.memory_space<vmem>> -> memref<128x8xf32, #tpu.memory_space<vmem>>
      %dma_wait3A_686 = arith.constant 0 : i32
      %dma_wait3A_687 = tpu.memref_slice %arg7[%dma_wait3A_681, %dma_wait3A_686] : memref<16x128xi32, #tpu.memory_space<vmem>> -> memref<1x128xi32, #tpu.memory_space<vmem>>
      %dma_wait3A_688 = tpu.memref_squeeze %dma_wait3A_687 : memref<1x128xi32, #tpu.memory_space<vmem>> -> memref<128xi32, #tpu.memory_space<vmem>>
      %dma_wait3A_689 = arith.constant 0 : i32
      %dma_wait3A_690 = arith.constant 0 : i32
      %dma_wait3A_691 = tpu.memref_slice %arg10[%dma_wait3A_689, %dma_wait3A_690] : memref<100096x8xf32, #tpu.memory_space<vmem_shared>> -> memref<100096x8xf32, #tpu.memory_space<vmem_shared>>
      tpu.wait_indirect_dma semaphore(%arg12 : memref<!tpu.dma_semaphore, #tpu.memory_space<semaphore_mem>>) src(%dma_wait3A_685 : memref<128x8xf32, #tpu.memory_space<vmem>>) dst(%dma_wait3A_691 : memref<100096x8xf32, #tpu.memory_space<vmem_shared>>)
      %dma_wait3A_692 = arith.constant 8 : i32
      %dma_wait3A_693 = arith.constant 8 : i32
      %dma_wait3A_694 = arith.constant 0 : i32
      %dma_wait3A_695 = arith.constant 0 : i32
      %dma_wait3A_696 = tpu.memref_slice %arg8[%dma_wait3A_692, %dma_wait3A_694, %dma_wait3A_695] : memref<16x128x8xf32, #tpu.memory_space<vmem>> -> memref<1x128x8xf32, #tpu.memory_space<vmem>>
      %dma_wait3A_697 = tpu.memref_squeeze %dma_wait3A_696 : memref<1x128x8xf32, #tpu.memory_space<vmem>> -> memref<128x8xf32, #tpu.memory_space<vmem>>
      %dma_wait3A_698 = arith.constant 0 : i32
      %dma_wait3A_699 = tpu.memref_slice %arg7[%dma_wait3A_693, %dma_wait3A_698] : memref<16x128xi32, #tpu.memory_space<vmem>> -> memref<1x128xi32, #tpu.memory_space<vmem>>
      %dma_wait3A_700 = tpu.memref_squeeze %dma_wait3A_699 : memref<1x128xi32, #tpu.memory_space<vmem>> -> memref<128xi32, #tpu.memory_space<vmem>>
      %dma_wait3A_701 = arith.constant 0 : i32
      %dma_wait3A_702 = arith.constant 0 : i32
      %dma_wait3A_703 = tpu.memref_slice %arg10[%dma_wait3A_701, %dma_wait3A_702] : memref<100096x8xf32, #tpu.memory_space<vmem_shared>> -> memref<100096x8xf32, #tpu.memory_space<vmem_shared>>
      tpu.wait_indirect_dma semaphore(%arg12 : memref<!tpu.dma_semaphore, #tpu.memory_space<semaphore_mem>>) src(%dma_wait3A_697 : memref<128x8xf32, #tpu.memory_space<vmem>>) dst(%dma_wait3A_703 : memref<100096x8xf32, #tpu.memory_space<vmem_shared>>)
      %dma_wait3A_704 = arith.constant 9 : i32
      %dma_wait3A_705 = arith.constant 9 : i32
      %dma_wait3A_706 = arith.constant 0 : i32
      %dma_wait3A_707 = arith.constant 0 : i32
      %dma_wait3A_708 = tpu.memref_slice %arg8[%dma_wait3A_704, %dma_wait3A_706, %dma_wait3A_707] : memref<16x128x8xf32, #tpu.memory_space<vmem>> -> memref<1x128x8xf32, #tpu.memory_space<vmem>>
      %dma_wait3A_709 = tpu.memref_squeeze %dma_wait3A_708 : memref<1x128x8xf32, #tpu.memory_space<vmem>> -> memref<128x8xf32, #tpu.memory_space<vmem>>
      %dma_wait3A_710 = arith.constant 0 : i32
      %dma_wait3A_711 = tpu.memref_slice %arg7[%dma_wait3A_705, %dma_wait3A_710] : memref<16x128xi32, #tpu.memory_space<vmem>> -> memref<1x128xi32, #tpu.memory_space<vmem>>
      %dma_wait3A_712 = tpu.memref_squeeze %dma_wait3A_711 : memref<1x128xi32, #tpu.memory_space<vmem>> -> memref<128xi32, #tpu.memory_space<vmem>>
      %dma_wait3A_713 = arith.constant 0 : i32
      %dma_wait3A_714 = arith.constant 0 : i32
      %dma_wait3A_715 = tpu.memref_slice %arg10[%dma_wait3A_713, %dma_wait3A_714] : memref<100096x8xf32, #tpu.memory_space<vmem_shared>> -> memref<100096x8xf32, #tpu.memory_space<vmem_shared>>
      tpu.wait_indirect_dma semaphore(%arg12 : memref<!tpu.dma_semaphore, #tpu.memory_space<semaphore_mem>>) src(%dma_wait3A_709 : memref<128x8xf32, #tpu.memory_space<vmem>>) dst(%dma_wait3A_715 : memref<100096x8xf32, #tpu.memory_space<vmem_shared>>)
      %dma_wait3A_716 = arith.constant 10 : i32
      %dma_wait3A_717 = arith.constant 10 : i32
      %dma_wait3A_718 = arith.constant 0 : i32
      %dma_wait3A_719 = arith.constant 0 : i32
      %dma_wait3A_720 = tpu.memref_slice %arg8[%dma_wait3A_716, %dma_wait3A_718, %dma_wait3A_719] : memref<16x128x8xf32, #tpu.memory_space<vmem>> -> memref<1x128x8xf32, #tpu.memory_space<vmem>>
      %dma_wait3A_721 = tpu.memref_squeeze %dma_wait3A_720 : memref<1x128x8xf32, #tpu.memory_space<vmem>> -> memref<128x8xf32, #tpu.memory_space<vmem>>
      %dma_wait3A_722 = arith.constant 0 : i32
      %dma_wait3A_723 = tpu.memref_slice %arg7[%dma_wait3A_717, %dma_wait3A_722] : memref<16x128xi32, #tpu.memory_space<vmem>> -> memref<1x128xi32, #tpu.memory_space<vmem>>
      %dma_wait3A_724 = tpu.memref_squeeze %dma_wait3A_723 : memref<1x128xi32, #tpu.memory_space<vmem>> -> memref<128xi32, #tpu.memory_space<vmem>>
      %dma_wait3A_725 = arith.constant 0 : i32
      %dma_wait3A_726 = arith.constant 0 : i32
      %dma_wait3A_727 = tpu.memref_slice %arg10[%dma_wait3A_725, %dma_wait3A_726] : memref<100096x8xf32, #tpu.memory_space<vmem_shared>> -> memref<100096x8xf32, #tpu.memory_space<vmem_shared>>
      tpu.wait_indirect_dma semaphore(%arg12 : memref<!tpu.dma_semaphore, #tpu.memory_space<semaphore_mem>>) src(%dma_wait3A_721 : memref<128x8xf32, #tpu.memory_space<vmem>>) dst(%dma_wait3A_727 : memref<100096x8xf32, #tpu.memory_space<vmem_shared>>)
      %dma_wait3A_728 = arith.constant 11 : i32
      %dma_wait3A_729 = arith.constant 11 : i32
      %dma_wait3A_730 = arith.constant 0 : i32
      %dma_wait3A_731 = arith.constant 0 : i32
      %dma_wait3A_732 = tpu.memref_slice %arg8[%dma_wait3A_728, %dma_wait3A_730, %dma_wait3A_731] : memref<16x128x8xf32, #tpu.memory_space<vmem>> -> memref<1x128x8xf32, #tpu.memory_space<vmem>>
      %dma_wait3A_733 = tpu.memref_squeeze %dma_wait3A_732 : memref<1x128x8xf32, #tpu.memory_space<vmem>> -> memref<128x8xf32, #tpu.memory_space<vmem>>
      %dma_wait3A_734 = arith.constant 0 : i32
      %dma_wait3A_735 = tpu.memref_slice %arg7[%dma_wait3A_729, %dma_wait3A_734] : memref<16x128xi32, #tpu.memory_space<vmem>> -> memref<1x128xi32, #tpu.memory_space<vmem>>
      %dma_wait3A_736 = tpu.memref_squeeze %dma_wait3A_735 : memref<1x128xi32, #tpu.memory_space<vmem>> -> memref<128xi32, #tpu.memory_space<vmem>>
      %dma_wait3A_737 = arith.constant 0 : i32
      %dma_wait3A_738 = arith.constant 0 : i32
      %dma_wait3A_739 = tpu.memref_slice %arg10[%dma_wait3A_737, %dma_wait3A_738] : memref<100096x8xf32, #tpu.memory_space<vmem_shared>> -> memref<100096x8xf32, #tpu.memory_space<vmem_shared>>
      tpu.wait_indirect_dma semaphore(%arg12 : memref<!tpu.dma_semaphore, #tpu.memory_space<semaphore_mem>>) src(%dma_wait3A_733 : memref<128x8xf32, #tpu.memory_space<vmem>>) dst(%dma_wait3A_739 : memref<100096x8xf32, #tpu.memory_space<vmem_shared>>)
      %dma_wait3A_740 = arith.constant 12 : i32
      %dma_wait3A_741 = arith.constant 12 : i32
      %dma_wait3A_742 = arith.constant 0 : i32
      %dma_wait3A_743 = arith.constant 0 : i32
      %dma_wait3A_744 = tpu.memref_slice %arg8[%dma_wait3A_740, %dma_wait3A_742, %dma_wait3A_743] : memref<16x128x8xf32, #tpu.memory_space<vmem>> -> memref<1x128x8xf32, #tpu.memory_space<vmem>>
      %dma_wait3A_745 = tpu.memref_squeeze %dma_wait3A_744 : memref<1x128x8xf32, #tpu.memory_space<vmem>> -> memref<128x8xf32, #tpu.memory_space<vmem>>
      %dma_wait3A_746 = arith.constant 0 : i32
      %dma_wait3A_747 = tpu.memref_slice %arg7[%dma_wait3A_741, %dma_wait3A_746] : memref<16x128xi32, #tpu.memory_space<vmem>> -> memref<1x128xi32, #tpu.memory_space<vmem>>
      %dma_wait3A_748 = tpu.memref_squeeze %dma_wait3A_747 : memref<1x128xi32, #tpu.memory_space<vmem>> -> memref<128xi32, #tpu.memory_space<vmem>>
      %dma_wait3A_749 = arith.constant 0 : i32
      %dma_wait3A_750 = arith.constant 0 : i32
      %dma_wait3A_751 = tpu.memref_slice %arg10[%dma_wait3A_749, %dma_wait3A_750] : memref<100096x8xf32, #tpu.memory_space<vmem_shared>> -> memref<100096x8xf32, #tpu.memory_space<vmem_shared>>
      tpu.wait_indirect_dma semaphore(%arg12 : memref<!tpu.dma_semaphore, #tpu.memory_space<semaphore_mem>>) src(%dma_wait3A_745 : memref<128x8xf32, #tpu.memory_space<vmem>>) dst(%dma_wait3A_751 : memref<100096x8xf32, #tpu.memory_space<vmem_shared>>)
      %dma_wait3A_752 = arith.constant 13 : i32
      %dma_wait3A_753 = arith.constant 13 : i32
      %dma_wait3A_754 = arith.constant 0 : i32
      %dma_wait3A_755 = arith.constant 0 : i32
      %dma_wait3A_756 = tpu.memref_slice %arg8[%dma_wait3A_752, %dma_wait3A_754, %dma_wait3A_755] : memref<16x128x8xf32, #tpu.memory_space<vmem>> -> memref<1x128x8xf32, #tpu.memory_space<vmem>>
      %dma_wait3A_757 = tpu.memref_squeeze %dma_wait3A_756 : memref<1x128x8xf32, #tpu.memory_space<vmem>> -> memref<128x8xf32, #tpu.memory_space<vmem>>
      %dma_wait3A_758 = arith.constant 0 : i32
      %dma_wait3A_759 = tpu.memref_slice %arg7[%dma_wait3A_753, %dma_wait3A_758] : memref<16x128xi32, #tpu.memory_space<vmem>> -> memref<1x128xi32, #tpu.memory_space<vmem>>
      %dma_wait3A_760 = tpu.memref_squeeze %dma_wait3A_759 : memref<1x128xi32, #tpu.memory_space<vmem>> -> memref<128xi32, #tpu.memory_space<vmem>>
      %dma_wait3A_761 = arith.constant 0 : i32
      %dma_wait3A_762 = arith.constant 0 : i32
      %dma_wait3A_763 = tpu.memref_slice %arg10[%dma_wait3A_761, %dma_wait3A_762] : memref<100096x8xf32, #tpu.memory_space<vmem_shared>> -> memref<100096x8xf32, #tpu.memory_space<vmem_shared>>
      tpu.wait_indirect_dma semaphore(%arg12 : memref<!tpu.dma_semaphore, #tpu.memory_space<semaphore_mem>>) src(%dma_wait3A_757 : memref<128x8xf32, #tpu.memory_space<vmem>>) dst(%dma_wait3A_763 : memref<100096x8xf32, #tpu.memory_space<vmem_shared>>)
      %dma_wait3A_764 = arith.constant 14 : i32
      %dma_wait3A_765 = arith.constant 14 : i32
      %dma_wait3A_766 = arith.constant 0 : i32
      %dma_wait3A_767 = arith.constant 0 : i32
      %dma_wait3A_768 = tpu.memref_slice %arg8[%dma_wait3A_764, %dma_wait3A_766, %dma_wait3A_767] : memref<16x128x8xf32, #tpu.memory_space<vmem>> -> memref<1x128x8xf32, #tpu.memory_space<vmem>>
      %dma_wait3A_769 = tpu.memref_squeeze %dma_wait3A_768 : memref<1x128x8xf32, #tpu.memory_space<vmem>> -> memref<128x8xf32, #tpu.memory_space<vmem>>
      %dma_wait3A_770 = arith.constant 0 : i32
      %dma_wait3A_771 = tpu.memref_slice %arg7[%dma_wait3A_765, %dma_wait3A_770] : memref<16x128xi32, #tpu.memory_space<vmem>> -> memref<1x128xi32, #tpu.memory_space<vmem>>
      %dma_wait3A_772 = tpu.memref_squeeze %dma_wait3A_771 : memref<1x128xi32, #tpu.memory_space<vmem>> -> memref<128xi32, #tpu.memory_space<vmem>>
      %dma_wait3A_773 = arith.constant 0 : i32
      %dma_wait3A_774 = arith.constant 0 : i32
      %dma_wait3A_775 = tpu.memref_slice %arg10[%dma_wait3A_773, %dma_wait3A_774] : memref<100096x8xf32, #tpu.memory_space<vmem_shared>> -> memref<100096x8xf32, #tpu.memory_space<vmem_shared>>
      tpu.wait_indirect_dma semaphore(%arg12 : memref<!tpu.dma_semaphore, #tpu.memory_space<semaphore_mem>>) src(%dma_wait3A_769 : memref<128x8xf32, #tpu.memory_space<vmem>>) dst(%dma_wait3A_775 : memref<100096x8xf32, #tpu.memory_space<vmem_shared>>)
      %dma_wait3A_776 = arith.constant 15 : i32
      %dma_wait3A_777 = arith.constant 15 : i32
      %dma_wait3A_778 = arith.constant 0 : i32
      %dma_wait3A_779 = arith.constant 0 : i32
      %dma_wait3A_780 = tpu.memref_slice %arg8[%dma_wait3A_776, %dma_wait3A_778, %dma_wait3A_779] : memref<16x128x8xf32, #tpu.memory_space<vmem>> -> memref<1x128x8xf32, #tpu.memory_space<vmem>>
      %dma_wait3A_781 = tpu.memref_squeeze %dma_wait3A_780 : memref<1x128x8xf32, #tpu.memory_space<vmem>> -> memref<128x8xf32, #tpu.memory_space<vmem>>
      %dma_wait3A_782 = arith.constant 0 : i32
      %dma_wait3A_783 = tpu.memref_slice %arg7[%dma_wait3A_777, %dma_wait3A_782] : memref<16x128xi32, #tpu.memory_space<vmem>> -> memref<1x128xi32, #tpu.memory_space<vmem>>
      %dma_wait3A_784 = tpu.memref_squeeze %dma_wait3A_783 : memref<1x128xi32, #tpu.memory_space<vmem>> -> memref<128xi32, #tpu.memory_space<vmem>>
      %dma_wait3A_785 = arith.constant 0 : i32
      %dma_wait3A_786 = arith.constant 0 : i32
      %dma_wait3A_787 = tpu.memref_slice %arg10[%dma_wait3A_785, %dma_wait3A_786] : memref<100096x8xf32, #tpu.memory_space<vmem_shared>> -> memref<100096x8xf32, #tpu.memory_space<vmem_shared>>
      tpu.wait_indirect_dma semaphore(%arg12 : memref<!tpu.dma_semaphore, #tpu.memory_space<semaphore_mem>>) src(%dma_wait3A_781 : memref<128x8xf32, #tpu.memory_space<vmem>>) dst(%dma_wait3A_787 : memref<100096x8xf32, #tpu.memory_space<vmem_shared>>)
    }
    %while3A_15 = arith.constant 1 : i32
    scf.for %while3A_17 = %while3A_13 to %while3A_9 step %while3A_15  : i32 {
      %mul3A_18 = arith.constant 32 : i32
      %mul3A_19 = arith.muli %while3A_17, %mul3A_18 : i32
      %add3A_20 = arith.addi %add3A, %mul3A_19 : i32
      %run_scoped3A = arith.constant 0 : i32
      "tpu.region"() ({
        %run_scoped3A_788 = tpu.sem_alloc : memref<!tpu.dma_semaphore, #tpu.memory_space<semaphore_mem>>
        %dma_start3A_789 = arith.constant 0 : i32
        %dma_start3A_790 = arith.constant 0 : i32
        %dma_start3A_791 = tpu.memref_slice %arg2[%run_scoped3A, %add3A_20, %dma_start3A_789, %dma_start3A_790] : memref<2x3125x16x128xi32, #tpu.memory_space<hbm>> -> memref<1x1x16x128xi32, #tpu.memory_space<hbm>>
        %dma_start3A_792 = tpu.memref_squeeze %dma_start3A_791 : memref<1x1x16x128xi32, #tpu.memory_space<hbm>> -> memref<16x128xi32, #tpu.memory_space<hbm>>
        %dma_start3A_793 = arith.constant 0 : i32
        %dma_start3A_794 = arith.constant 0 : i32
        %dma_start3A_795 = tpu.memref_slice %arg2[%run_scoped3A, %add3A_20, %dma_start3A_793, %dma_start3A_794] : memref<2x3125x16x128xi32, #tpu.memory_space<hbm>> -> memref<1x1x16x128xi32, #tpu.memory_space<hbm>>
        %dma_start3A_796 = tpu.memref_squeeze %dma_start3A_795 : memref<1x1x16x128xi32, #tpu.memory_space<hbm>> -> memref<16x128xi32, #tpu.memory_space<hbm>>
        tpu.enqueue_dma source(%dma_start3A_796 : memref<16x128xi32, #tpu.memory_space<hbm>>) target(%arg6 : memref<16x128xi32, #tpu.memory_space<vmem>>) target_semaphore(%run_scoped3A_788 : memref<!tpu.dma_semaphore, #tpu.memory_space<semaphore_mem>>)
        %dma_wait3A_797 = arith.constant 0 : i32
        %dma_wait3A_798 = arith.constant 0 : i32
        %dma_wait3A_799 = tpu.memref_slice %arg2[%run_scoped3A, %add3A_20, %dma_wait3A_797, %dma_wait3A_798] : memref<2x3125x16x128xi32, #tpu.memory_space<hbm>> -> memref<1x1x16x128xi32, #tpu.memory_space<hbm>>
        %dma_wait3A_800 = tpu.memref_squeeze %dma_wait3A_799 : memref<1x1x16x128xi32, #tpu.memory_space<hbm>> -> memref<16x128xi32, #tpu.memory_space<hbm>>
        %dma_wait3A_801 = arith.constant 0 : i32
        %dma_wait3A_802 = arith.constant 0 : i32
        %dma_wait3A_803 = tpu.memref_slice %arg2[%run_scoped3A, %add3A_20, %dma_wait3A_801, %dma_wait3A_802] : memref<2x3125x16x128xi32, #tpu.memory_space<hbm>> -> memref<1x1x16x128xi32, #tpu.memory_space<hbm>>
        %dma_wait3A_804 = tpu.memref_squeeze %dma_wait3A_803 : memref<1x1x16x128xi32, #tpu.memory_space<hbm>> -> memref<16x128xi32, #tpu.memory_space<hbm>>
        tpu.wait_dma2 semaphore(%run_scoped3A_788 : memref<!tpu.dma_semaphore, #tpu.memory_space<semaphore_mem>>) src(%dma_wait3A_804 : memref<16x128xi32, #tpu.memory_space<hbm>>) dst(%arg6 : memref<16x128xi32, #tpu.memory_space<vmem>>)
        tpu.yield
      }) : () -> ()
      %run_scoped3A_21 = arith.constant 1 : i32
      "tpu.region"() ({
        %run_scoped3A_788 = tpu.sem_alloc : memref<!tpu.dma_semaphore, #tpu.memory_space<semaphore_mem>>
        %dma_start3A_789 = arith.constant 0 : i32
        %dma_start3A_790 = arith.constant 0 : i32
        %dma_start3A_791 = tpu.memref_slice %arg2[%run_scoped3A_21, %add3A_20, %dma_start3A_789, %dma_start3A_790] : memref<2x3125x16x128xi32, #tpu.memory_space<hbm>> -> memref<1x1x16x128xi32, #tpu.memory_space<hbm>>
        %dma_start3A_792 = tpu.memref_squeeze %dma_start3A_791 : memref<1x1x16x128xi32, #tpu.memory_space<hbm>> -> memref<16x128xi32, #tpu.memory_space<hbm>>
        %dma_start3A_793 = arith.constant 0 : i32
        %dma_start3A_794 = arith.constant 0 : i32
        %dma_start3A_795 = tpu.memref_slice %arg2[%run_scoped3A_21, %add3A_20, %dma_start3A_793, %dma_start3A_794] : memref<2x3125x16x128xi32, #tpu.memory_space<hbm>> -> memref<1x1x16x128xi32, #tpu.memory_space<hbm>>
        %dma_start3A_796 = tpu.memref_squeeze %dma_start3A_795 : memref<1x1x16x128xi32, #tpu.memory_space<hbm>> -> memref<16x128xi32, #tpu.memory_space<hbm>>
        tpu.enqueue_dma source(%dma_start3A_796 : memref<16x128xi32, #tpu.memory_space<hbm>>) target(%arg7 : memref<16x128xi32, #tpu.memory_space<vmem>>) target_semaphore(%run_scoped3A_788 : memref<!tpu.dma_semaphore, #tpu.memory_space<semaphore_mem>>)
        %dma_wait3A_797 = arith.constant 0 : i32
        %dma_wait3A_798 = arith.constant 0 : i32
        %dma_wait3A_799 = tpu.memref_slice %arg2[%run_scoped3A_21, %add3A_20, %dma_wait3A_797, %dma_wait3A_798] : memref<2x3125x16x128xi32, #tpu.memory_space<hbm>> -> memref<1x1x16x128xi32, #tpu.memory_space<hbm>>
        %dma_wait3A_800 = tpu.memref_squeeze %dma_wait3A_799 : memref<1x1x16x128xi32, #tpu.memory_space<hbm>> -> memref<16x128xi32, #tpu.memory_space<hbm>>
        %dma_wait3A_801 = arith.constant 0 : i32
        %dma_wait3A_802 = arith.constant 0 : i32
        %dma_wait3A_803 = tpu.memref_slice %arg2[%run_scoped3A_21, %add3A_20, %dma_wait3A_801, %dma_wait3A_802] : memref<2x3125x16x128xi32, #tpu.memory_space<hbm>> -> memref<1x1x16x128xi32, #tpu.memory_space<hbm>>
        %dma_wait3A_804 = tpu.memref_squeeze %dma_wait3A_803 : memref<1x1x16x128xi32, #tpu.memory_space<hbm>> -> memref<16x128xi32, #tpu.memory_space<hbm>>
        tpu.wait_dma2 semaphore(%run_scoped3A_788 : memref<!tpu.dma_semaphore, #tpu.memory_space<semaphore_mem>>) src(%dma_wait3A_804 : memref<16x128xi32, #tpu.memory_space<hbm>>) dst(%arg7 : memref<16x128xi32, #tpu.memory_space<vmem>>)
        tpu.yield
      }) : () -> ()
      %dma_start3A = arith.constant 0 : i32
      %dma_start3A_22 = arith.constant 0 : i32
      %dma_start3A_23 = arith.constant 0 : i32
      %dma_start3A_24 = arith.constant 0 : i32
      %dma_start3A_25 = tpu.memref_slice %arg8[%dma_start3A_22, %dma_start3A_23, %dma_start3A_24] : memref<16x128x8xf32, #tpu.memory_space<vmem>> -> memref<1x128x8xf32, #tpu.memory_space<vmem>>
      %dma_start3A_26 = tpu.memref_squeeze %dma_start3A_25 : memref<1x128x8xf32, #tpu.memory_space<vmem>> -> memref<128x8xf32, #tpu.memory_space<vmem>>
      %dma_start3A_27 = arith.constant 0 : i32
      %dma_start3A_28 = tpu.memref_slice %arg6[%dma_start3A, %dma_start3A_27] : memref<16x128xi32, #tpu.memory_space<vmem>> -> memref<1x128xi32, #tpu.memory_space<vmem>>
      %dma_start3A_29 = tpu.memref_squeeze %dma_start3A_28 : memref<1x128xi32, #tpu.memory_space<vmem>> -> memref<128xi32, #tpu.memory_space<vmem>>
      %dma_start3A_30 = arith.constant 0 : i32
      %dma_start3A_31 = arith.constant 0 : i32
      %dma_start3A_32 = tpu.memref_slice %arg9[%dma_start3A_30, %dma_start3A_31] : memref<100096x8xf32, #tpu.memory_space<vmem_shared>> -> memref<100096x8xf32, #tpu.memory_space<vmem_shared>>
      tpu.enqueue_indirect_dma source(%dma_start3A_32 : memref<100096x8xf32, #tpu.memory_space<vmem_shared>>) target(%dma_start3A_26 : memref<128x8xf32, #tpu.memory_space<vmem>>) offsets(%dma_start3A_29 : memref<128xi32, #tpu.memory_space<vmem>>) semaphore(%arg11 : memref<!tpu.dma_semaphore, #tpu.memory_space<semaphore_mem>>)
      %dma_start3A_33 = arith.constant 1 : i32
      %dma_start3A_34 = arith.constant 1 : i32
      %dma_start3A_35 = arith.constant 0 : i32
      %dma_start3A_36 = arith.constant 0 : i32
      %dma_start3A_37 = tpu.memref_slice %arg8[%dma_start3A_34, %dma_start3A_35, %dma_start3A_36] : memref<16x128x8xf32, #tpu.memory_space<vmem>> -> memref<1x128x8xf32, #tpu.memory_space<vmem>>
      %dma_start3A_38 = tpu.memref_squeeze %dma_start3A_37 : memref<1x128x8xf32, #tpu.memory_space<vmem>> -> memref<128x8xf32, #tpu.memory_space<vmem>>
      %dma_start3A_39 = arith.constant 0 : i32
      %dma_start3A_40 = tpu.memref_slice %arg6[%dma_start3A_33, %dma_start3A_39] : memref<16x128xi32, #tpu.memory_space<vmem>> -> memref<1x128xi32, #tpu.memory_space<vmem>>
      %dma_start3A_41 = tpu.memref_squeeze %dma_start3A_40 : memref<1x128xi32, #tpu.memory_space<vmem>> -> memref<128xi32, #tpu.memory_space<vmem>>
      %dma_start3A_42 = arith.constant 0 : i32
      %dma_start3A_43 = arith.constant 0 : i32
      %dma_start3A_44 = tpu.memref_slice %arg9[%dma_start3A_42, %dma_start3A_43] : memref<100096x8xf32, #tpu.memory_space<vmem_shared>> -> memref<100096x8xf32, #tpu.memory_space<vmem_shared>>
      tpu.enqueue_indirect_dma source(%dma_start3A_44 : memref<100096x8xf32, #tpu.memory_space<vmem_shared>>) target(%dma_start3A_38 : memref<128x8xf32, #tpu.memory_space<vmem>>) offsets(%dma_start3A_41 : memref<128xi32, #tpu.memory_space<vmem>>) semaphore(%arg11 : memref<!tpu.dma_semaphore, #tpu.memory_space<semaphore_mem>>)
      %dma_start3A_45 = arith.constant 2 : i32
      %dma_start3A_46 = arith.constant 2 : i32
      %dma_start3A_47 = arith.constant 0 : i32
      %dma_start3A_48 = arith.constant 0 : i32
      %dma_start3A_49 = tpu.memref_slice %arg8[%dma_start3A_46, %dma_start3A_47, %dma_start3A_48] : memref<16x128x8xf32, #tpu.memory_space<vmem>> -> memref<1x128x8xf32, #tpu.memory_space<vmem>>
      %dma_start3A_50 = tpu.memref_squeeze %dma_start3A_49 : memref<1x128x8xf32, #tpu.memory_space<vmem>> -> memref<128x8xf32, #tpu.memory_space<vmem>>
      %dma_start3A_51 = arith.constant 0 : i32
      %dma_start3A_52 = tpu.memref_slice %arg6[%dma_start3A_45, %dma_start3A_51] : memref<16x128xi32, #tpu.memory_space<vmem>> -> memref<1x128xi32, #tpu.memory_space<vmem>>
      %dma_start3A_53 = tpu.memref_squeeze %dma_start3A_52 : memref<1x128xi32, #tpu.memory_space<vmem>> -> memref<128xi32, #tpu.memory_space<vmem>>
      %dma_start3A_54 = arith.constant 0 : i32
      %dma_start3A_55 = arith.constant 0 : i32
      %dma_start3A_56 = tpu.memref_slice %arg9[%dma_start3A_54, %dma_start3A_55] : memref<100096x8xf32, #tpu.memory_space<vmem_shared>> -> memref<100096x8xf32, #tpu.memory_space<vmem_shared>>
      tpu.enqueue_indirect_dma source(%dma_start3A_56 : memref<100096x8xf32, #tpu.memory_space<vmem_shared>>) target(%dma_start3A_50 : memref<128x8xf32, #tpu.memory_space<vmem>>) offsets(%dma_start3A_53 : memref<128xi32, #tpu.memory_space<vmem>>) semaphore(%arg11 : memref<!tpu.dma_semaphore, #tpu.memory_space<semaphore_mem>>)
      %dma_start3A_57 = arith.constant 3 : i32
      %dma_start3A_58 = arith.constant 3 : i32
      %dma_start3A_59 = arith.constant 0 : i32
      %dma_start3A_60 = arith.constant 0 : i32
      %dma_start3A_61 = tpu.memref_slice %arg8[%dma_start3A_58, %dma_start3A_59, %dma_start3A_60] : memref<16x128x8xf32, #tpu.memory_space<vmem>> -> memref<1x128x8xf32, #tpu.memory_space<vmem>>
      %dma_start3A_62 = tpu.memref_squeeze %dma_start3A_61 : memref<1x128x8xf32, #tpu.memory_space<vmem>> -> memref<128x8xf32, #tpu.memory_space<vmem>>
      %dma_start3A_63 = arith.constant 0 : i32
      %dma_start3A_64 = tpu.memref_slice %arg6[%dma_start3A_57, %dma_start3A_63] : memref<16x128xi32, #tpu.memory_space<vmem>> -> memref<1x128xi32, #tpu.memory_space<vmem>>
      %dma_start3A_65 = tpu.memref_squeeze %dma_start3A_64 : memref<1x128xi32, #tpu.memory_space<vmem>> -> memref<128xi32, #tpu.memory_space<vmem>>
      %dma_start3A_66 = arith.constant 0 : i32
      %dma_start3A_67 = arith.constant 0 : i32
      %dma_start3A_68 = tpu.memref_slice %arg9[%dma_start3A_66, %dma_start3A_67] : memref<100096x8xf32, #tpu.memory_space<vmem_shared>> -> memref<100096x8xf32, #tpu.memory_space<vmem_shared>>
      tpu.enqueue_indirect_dma source(%dma_start3A_68 : memref<100096x8xf32, #tpu.memory_space<vmem_shared>>) target(%dma_start3A_62 : memref<128x8xf32, #tpu.memory_space<vmem>>) offsets(%dma_start3A_65 : memref<128xi32, #tpu.memory_space<vmem>>) semaphore(%arg11 : memref<!tpu.dma_semaphore, #tpu.memory_space<semaphore_mem>>)
      %dma_start3A_69 = arith.constant 4 : i32
      %dma_start3A_70 = arith.constant 4 : i32
      %dma_start3A_71 = arith.constant 0 : i32
      %dma_start3A_72 = arith.constant 0 : i32
      %dma_start3A_73 = tpu.memref_slice %arg8[%dma_start3A_70, %dma_start3A_71, %dma_start3A_72] : memref<16x128x8xf32, #tpu.memory_space<vmem>> -> memref<1x128x8xf32, #tpu.memory_space<vmem>>
      %dma_start3A_74 = tpu.memref_squeeze %dma_start3A_73 : memref<1x128x8xf32, #tpu.memory_space<vmem>> -> memref<128x8xf32, #tpu.memory_space<vmem>>
      %dma_start3A_75 = arith.constant 0 : i32
      %dma_start3A_76 = tpu.memref_slice %arg6[%dma_start3A_69, %dma_start3A_75] : memref<16x128xi32, #tpu.memory_space<vmem>> -> memref<1x128xi32, #tpu.memory_space<vmem>>
      %dma_start3A_77 = tpu.memref_squeeze %dma_start3A_76 : memref<1x128xi32, #tpu.memory_space<vmem>> -> memref<128xi32, #tpu.memory_space<vmem>>
      %dma_start3A_78 = arith.constant 0 : i32
      %dma_start3A_79 = arith.constant 0 : i32
      %dma_start3A_80 = tpu.memref_slice %arg9[%dma_start3A_78, %dma_start3A_79] : memref<100096x8xf32, #tpu.memory_space<vmem_shared>> -> memref<100096x8xf32, #tpu.memory_space<vmem_shared>>
      tpu.enqueue_indirect_dma source(%dma_start3A_80 : memref<100096x8xf32, #tpu.memory_space<vmem_shared>>) target(%dma_start3A_74 : memref<128x8xf32, #tpu.memory_space<vmem>>) offsets(%dma_start3A_77 : memref<128xi32, #tpu.memory_space<vmem>>) semaphore(%arg11 : memref<!tpu.dma_semaphore, #tpu.memory_space<semaphore_mem>>)
      %dma_start3A_81 = arith.constant 5 : i32
      %dma_start3A_82 = arith.constant 5 : i32
      %dma_start3A_83 = arith.constant 0 : i32
      %dma_start3A_84 = arith.constant 0 : i32
      %dma_start3A_85 = tpu.memref_slice %arg8[%dma_start3A_82, %dma_start3A_83, %dma_start3A_84] : memref<16x128x8xf32, #tpu.memory_space<vmem>> -> memref<1x128x8xf32, #tpu.memory_space<vmem>>
      %dma_start3A_86 = tpu.memref_squeeze %dma_start3A_85 : memref<1x128x8xf32, #tpu.memory_space<vmem>> -> memref<128x8xf32, #tpu.memory_space<vmem>>
      %dma_start3A_87 = arith.constant 0 : i32
      %dma_start3A_88 = tpu.memref_slice %arg6[%dma_start3A_81, %dma_start3A_87] : memref<16x128xi32, #tpu.memory_space<vmem>> -> memref<1x128xi32, #tpu.memory_space<vmem>>
      %dma_start3A_89 = tpu.memref_squeeze %dma_start3A_88 : memref<1x128xi32, #tpu.memory_space<vmem>> -> memref<128xi32, #tpu.memory_space<vmem>>
      %dma_start3A_90 = arith.constant 0 : i32
      %dma_start3A_91 = arith.constant 0 : i32
      %dma_start3A_92 = tpu.memref_slice %arg9[%dma_start3A_90, %dma_start3A_91] : memref<100096x8xf32, #tpu.memory_space<vmem_shared>> -> memref<100096x8xf32, #tpu.memory_space<vmem_shared>>
      tpu.enqueue_indirect_dma source(%dma_start3A_92 : memref<100096x8xf32, #tpu.memory_space<vmem_shared>>) target(%dma_start3A_86 : memref<128x8xf32, #tpu.memory_space<vmem>>) offsets(%dma_start3A_89 : memref<128xi32, #tpu.memory_space<vmem>>) semaphore(%arg11 : memref<!tpu.dma_semaphore, #tpu.memory_space<semaphore_mem>>)
      %dma_start3A_93 = arith.constant 6 : i32
      %dma_start3A_94 = arith.constant 6 : i32
      %dma_start3A_95 = arith.constant 0 : i32
      %dma_start3A_96 = arith.constant 0 : i32
      %dma_start3A_97 = tpu.memref_slice %arg8[%dma_start3A_94, %dma_start3A_95, %dma_start3A_96] : memref<16x128x8xf32, #tpu.memory_space<vmem>> -> memref<1x128x8xf32, #tpu.memory_space<vmem>>
      %dma_start3A_98 = tpu.memref_squeeze %dma_start3A_97 : memref<1x128x8xf32, #tpu.memory_space<vmem>> -> memref<128x8xf32, #tpu.memory_space<vmem>>
      %dma_start3A_99 = arith.constant 0 : i32
      %dma_start3A_100 = tpu.memref_slice %arg6[%dma_start3A_93, %dma_start3A_99] : memref<16x128xi32, #tpu.memory_space<vmem>> -> memref<1x128xi32, #tpu.memory_space<vmem>>
      %dma_start3A_101 = tpu.memref_squeeze %dma_start3A_100 : memref<1x128xi32, #tpu.memory_space<vmem>> -> memref<128xi32, #tpu.memory_space<vmem>>
      %dma_start3A_102 = arith.constant 0 : i32
      %dma_start3A_103 = arith.constant 0 : i32
      %dma_start3A_104 = tpu.memref_slice %arg9[%dma_start3A_102, %dma_start3A_103] : memref<100096x8xf32, #tpu.memory_space<vmem_shared>> -> memref<100096x8xf32, #tpu.memory_space<vmem_shared>>
      tpu.enqueue_indirect_dma source(%dma_start3A_104 : memref<100096x8xf32, #tpu.memory_space<vmem_shared>>) target(%dma_start3A_98 : memref<128x8xf32, #tpu.memory_space<vmem>>) offsets(%dma_start3A_101 : memref<128xi32, #tpu.memory_space<vmem>>) semaphore(%arg11 : memref<!tpu.dma_semaphore, #tpu.memory_space<semaphore_mem>>)
      %dma_start3A_105 = arith.constant 7 : i32
      %dma_start3A_106 = arith.constant 7 : i32
      %dma_start3A_107 = arith.constant 0 : i32
      %dma_start3A_108 = arith.constant 0 : i32
      %dma_start3A_109 = tpu.memref_slice %arg8[%dma_start3A_106, %dma_start3A_107, %dma_start3A_108] : memref<16x128x8xf32, #tpu.memory_space<vmem>> -> memref<1x128x8xf32, #tpu.memory_space<vmem>>
      %dma_start3A_110 = tpu.memref_squeeze %dma_start3A_109 : memref<1x128x8xf32, #tpu.memory_space<vmem>> -> memref<128x8xf32, #tpu.memory_space<vmem>>
      %dma_start3A_111 = arith.constant 0 : i32
      %dma_start3A_112 = tpu.memref_slice %arg6[%dma_start3A_105, %dma_start3A_111] : memref<16x128xi32, #tpu.memory_space<vmem>> -> memref<1x128xi32, #tpu.memory_space<vmem>>
      %dma_start3A_113 = tpu.memref_squeeze %dma_start3A_112 : memref<1x128xi32, #tpu.memory_space<vmem>> -> memref<128xi32, #tpu.memory_space<vmem>>
      %dma_start3A_114 = arith.constant 0 : i32
      %dma_start3A_115 = arith.constant 0 : i32
      %dma_start3A_116 = tpu.memref_slice %arg9[%dma_start3A_114, %dma_start3A_115] : memref<100096x8xf32, #tpu.memory_space<vmem_shared>> -> memref<100096x8xf32, #tpu.memory_space<vmem_shared>>
      tpu.enqueue_indirect_dma source(%dma_start3A_116 : memref<100096x8xf32, #tpu.memory_space<vmem_shared>>) target(%dma_start3A_110 : memref<128x8xf32, #tpu.memory_space<vmem>>) offsets(%dma_start3A_113 : memref<128xi32, #tpu.memory_space<vmem>>) semaphore(%arg11 : memref<!tpu.dma_semaphore, #tpu.memory_space<semaphore_mem>>)
      %dma_start3A_117 = arith.constant 8 : i32
      %dma_start3A_118 = arith.constant 8 : i32
      %dma_start3A_119 = arith.constant 0 : i32
      %dma_start3A_120 = arith.constant 0 : i32
      %dma_start3A_121 = tpu.memref_slice %arg8[%dma_start3A_118, %dma_start3A_119, %dma_start3A_120] : memref<16x128x8xf32, #tpu.memory_space<vmem>> -> memref<1x128x8xf32, #tpu.memory_space<vmem>>
      %dma_start3A_122 = tpu.memref_squeeze %dma_start3A_121 : memref<1x128x8xf32, #tpu.memory_space<vmem>> -> memref<128x8xf32, #tpu.memory_space<vmem>>
      %dma_start3A_123 = arith.constant 0 : i32
      %dma_start3A_124 = tpu.memref_slice %arg6[%dma_start3A_117, %dma_start3A_123] : memref<16x128xi32, #tpu.memory_space<vmem>> -> memref<1x128xi32, #tpu.memory_space<vmem>>
      %dma_start3A_125 = tpu.memref_squeeze %dma_start3A_124 : memref<1x128xi32, #tpu.memory_space<vmem>> -> memref<128xi32, #tpu.memory_space<vmem>>
      %dma_start3A_126 = arith.constant 0 : i32
      %dma_start3A_127 = arith.constant 0 : i32
      %dma_start3A_128 = tpu.memref_slice %arg9[%dma_start3A_126, %dma_start3A_127] : memref<100096x8xf32, #tpu.memory_space<vmem_shared>> -> memref<100096x8xf32, #tpu.memory_space<vmem_shared>>
      tpu.enqueue_indirect_dma source(%dma_start3A_128 : memref<100096x8xf32, #tpu.memory_space<vmem_shared>>) target(%dma_start3A_122 : memref<128x8xf32, #tpu.memory_space<vmem>>) offsets(%dma_start3A_125 : memref<128xi32, #tpu.memory_space<vmem>>) semaphore(%arg11 : memref<!tpu.dma_semaphore, #tpu.memory_space<semaphore_mem>>)
      %dma_start3A_129 = arith.constant 9 : i32
      %dma_start3A_130 = arith.constant 9 : i32
      %dma_start3A_131 = arith.constant 0 : i32
      %dma_start3A_132 = arith.constant 0 : i32
      %dma_start3A_133 = tpu.memref_slice %arg8[%dma_start3A_130, %dma_start3A_131, %dma_start3A_132] : memref<16x128x8xf32, #tpu.memory_space<vmem>> -> memref<1x128x8xf32, #tpu.memory_space<vmem>>
      %dma_start3A_134 = tpu.memref_squeeze %dma_start3A_133 : memref<1x128x8xf32, #tpu.memory_space<vmem>> -> memref<128x8xf32, #tpu.memory_space<vmem>>
      %dma_start3A_135 = arith.constant 0 : i32
      %dma_start3A_136 = tpu.memref_slice %arg6[%dma_start3A_129, %dma_start3A_135] : memref<16x128xi32, #tpu.memory_space<vmem>> -> memref<1x128xi32, #tpu.memory_space<vmem>>
      %dma_start3A_137 = tpu.memref_squeeze %dma_start3A_136 : memref<1x128xi32, #tpu.memory_space<vmem>> -> memref<128xi32, #tpu.memory_space<vmem>>
      %dma_start3A_138 = arith.constant 0 : i32
      %dma_start3A_139 = arith.constant 0 : i32
      %dma_start3A_140 = tpu.memref_slice %arg9[%dma_start3A_138, %dma_start3A_139] : memref<100096x8xf32, #tpu.memory_space<vmem_shared>> -> memref<100096x8xf32, #tpu.memory_space<vmem_shared>>
      tpu.enqueue_indirect_dma source(%dma_start3A_140 : memref<100096x8xf32, #tpu.memory_space<vmem_shared>>) target(%dma_start3A_134 : memref<128x8xf32, #tpu.memory_space<vmem>>) offsets(%dma_start3A_137 : memref<128xi32, #tpu.memory_space<vmem>>) semaphore(%arg11 : memref<!tpu.dma_semaphore, #tpu.memory_space<semaphore_mem>>)
      %dma_start3A_141 = arith.constant 10 : i32
      %dma_start3A_142 = arith.constant 10 : i32
      %dma_start3A_143 = arith.constant 0 : i32
      %dma_start3A_144 = arith.constant 0 : i32
      %dma_start3A_145 = tpu.memref_slice %arg8[%dma_start3A_142, %dma_start3A_143, %dma_start3A_144] : memref<16x128x8xf32, #tpu.memory_space<vmem>> -> memref<1x128x8xf32, #tpu.memory_space<vmem>>
      %dma_start3A_146 = tpu.memref_squeeze %dma_start3A_145 : memref<1x128x8xf32, #tpu.memory_space<vmem>> -> memref<128x8xf32, #tpu.memory_space<vmem>>
      %dma_start3A_147 = arith.constant 0 : i32
      %dma_start3A_148 = tpu.memref_slice %arg6[%dma_start3A_141, %dma_start3A_147] : memref<16x128xi32, #tpu.memory_space<vmem>> -> memref<1x128xi32, #tpu.memory_space<vmem>>
      %dma_start3A_149 = tpu.memref_squeeze %dma_start3A_148 : memref<1x128xi32, #tpu.memory_space<vmem>> -> memref<128xi32, #tpu.memory_space<vmem>>
      %dma_start3A_150 = arith.constant 0 : i32
      %dma_start3A_151 = arith.constant 0 : i32
      %dma_start3A_152 = tpu.memref_slice %arg9[%dma_start3A_150, %dma_start3A_151] : memref<100096x8xf32, #tpu.memory_space<vmem_shared>> -> memref<100096x8xf32, #tpu.memory_space<vmem_shared>>
      tpu.enqueue_indirect_dma source(%dma_start3A_152 : memref<100096x8xf32, #tpu.memory_space<vmem_shared>>) target(%dma_start3A_146 : memref<128x8xf32, #tpu.memory_space<vmem>>) offsets(%dma_start3A_149 : memref<128xi32, #tpu.memory_space<vmem>>) semaphore(%arg11 : memref<!tpu.dma_semaphore, #tpu.memory_space<semaphore_mem>>)
      %dma_start3A_153 = arith.constant 11 : i32
      %dma_start3A_154 = arith.constant 11 : i32
      %dma_start3A_155 = arith.constant 0 : i32
      %dma_start3A_156 = arith.constant 0 : i32
      %dma_start3A_157 = tpu.memref_slice %arg8[%dma_start3A_154, %dma_start3A_155, %dma_start3A_156] : memref<16x128x8xf32, #tpu.memory_space<vmem>> -> memref<1x128x8xf32, #tpu.memory_space<vmem>>
      %dma_start3A_158 = tpu.memref_squeeze %dma_start3A_157 : memref<1x128x8xf32, #tpu.memory_space<vmem>> -> memref<128x8xf32, #tpu.memory_space<vmem>>
      %dma_start3A_159 = arith.constant 0 : i32
      %dma_start3A_160 = tpu.memref_slice %arg6[%dma_start3A_153, %dma_start3A_159] : memref<16x128xi32, #tpu.memory_space<vmem>> -> memref<1x128xi32, #tpu.memory_space<vmem>>
      %dma_start3A_161 = tpu.memref_squeeze %dma_start3A_160 : memref<1x128xi32, #tpu.memory_space<vmem>> -> memref<128xi32, #tpu.memory_space<vmem>>
      %dma_start3A_162 = arith.constant 0 : i32
      %dma_start3A_163 = arith.constant 0 : i32
      %dma_start3A_164 = tpu.memref_slice %arg9[%dma_start3A_162, %dma_start3A_163] : memref<100096x8xf32, #tpu.memory_space<vmem_shared>> -> memref<100096x8xf32, #tpu.memory_space<vmem_shared>>
      tpu.enqueue_indirect_dma source(%dma_start3A_164 : memref<100096x8xf32, #tpu.memory_space<vmem_shared>>) target(%dma_start3A_158 : memref<128x8xf32, #tpu.memory_space<vmem>>) offsets(%dma_start3A_161 : memref<128xi32, #tpu.memory_space<vmem>>) semaphore(%arg11 : memref<!tpu.dma_semaphore, #tpu.memory_space<semaphore_mem>>)
      %dma_start3A_165 = arith.constant 12 : i32
      %dma_start3A_166 = arith.constant 12 : i32
      %dma_start3A_167 = arith.constant 0 : i32
      %dma_start3A_168 = arith.constant 0 : i32
      %dma_start3A_169 = tpu.memref_slice %arg8[%dma_start3A_166, %dma_start3A_167, %dma_start3A_168] : memref<16x128x8xf32, #tpu.memory_space<vmem>> -> memref<1x128x8xf32, #tpu.memory_space<vmem>>
      %dma_start3A_170 = tpu.memref_squeeze %dma_start3A_169 : memref<1x128x8xf32, #tpu.memory_space<vmem>> -> memref<128x8xf32, #tpu.memory_space<vmem>>
      %dma_start3A_171 = arith.constant 0 : i32
      %dma_start3A_172 = tpu.memref_slice %arg6[%dma_start3A_165, %dma_start3A_171] : memref<16x128xi32, #tpu.memory_space<vmem>> -> memref<1x128xi32, #tpu.memory_space<vmem>>
      %dma_start3A_173 = tpu.memref_squeeze %dma_start3A_172 : memref<1x128xi32, #tpu.memory_space<vmem>> -> memref<128xi32, #tpu.memory_space<vmem>>
      %dma_start3A_174 = arith.constant 0 : i32
      %dma_start3A_175 = arith.constant 0 : i32
      %dma_start3A_176 = tpu.memref_slice %arg9[%dma_start3A_174, %dma_start3A_175] : memref<100096x8xf32, #tpu.memory_space<vmem_shared>> -> memref<100096x8xf32, #tpu.memory_space<vmem_shared>>
      tpu.enqueue_indirect_dma source(%dma_start3A_176 : memref<100096x8xf32, #tpu.memory_space<vmem_shared>>) target(%dma_start3A_170 : memref<128x8xf32, #tpu.memory_space<vmem>>) offsets(%dma_start3A_173 : memref<128xi32, #tpu.memory_space<vmem>>) semaphore(%arg11 : memref<!tpu.dma_semaphore, #tpu.memory_space<semaphore_mem>>)
      %dma_start3A_177 = arith.constant 13 : i32
      %dma_start3A_178 = arith.constant 13 : i32
      %dma_start3A_179 = arith.constant 0 : i32
      %dma_start3A_180 = arith.constant 0 : i32
      %dma_start3A_181 = tpu.memref_slice %arg8[%dma_start3A_178, %dma_start3A_179, %dma_start3A_180] : memref<16x128x8xf32, #tpu.memory_space<vmem>> -> memref<1x128x8xf32, #tpu.memory_space<vmem>>
      %dma_start3A_182 = tpu.memref_squeeze %dma_start3A_181 : memref<1x128x8xf32, #tpu.memory_space<vmem>> -> memref<128x8xf32, #tpu.memory_space<vmem>>
      %dma_start3A_183 = arith.constant 0 : i32
      %dma_start3A_184 = tpu.memref_slice %arg6[%dma_start3A_177, %dma_start3A_183] : memref<16x128xi32, #tpu.memory_space<vmem>> -> memref<1x128xi32, #tpu.memory_space<vmem>>
      %dma_start3A_185 = tpu.memref_squeeze %dma_start3A_184 : memref<1x128xi32, #tpu.memory_space<vmem>> -> memref<128xi32, #tpu.memory_space<vmem>>
      %dma_start3A_186 = arith.constant 0 : i32
      %dma_start3A_187 = arith.constant 0 : i32
      %dma_start3A_188 = tpu.memref_slice %arg9[%dma_start3A_186, %dma_start3A_187] : memref<100096x8xf32, #tpu.memory_space<vmem_shared>> -> memref<100096x8xf32, #tpu.memory_space<vmem_shared>>
      tpu.enqueue_indirect_dma source(%dma_start3A_188 : memref<100096x8xf32, #tpu.memory_space<vmem_shared>>) target(%dma_start3A_182 : memref<128x8xf32, #tpu.memory_space<vmem>>) offsets(%dma_start3A_185 : memref<128xi32, #tpu.memory_space<vmem>>) semaphore(%arg11 : memref<!tpu.dma_semaphore, #tpu.memory_space<semaphore_mem>>)
      %dma_start3A_189 = arith.constant 14 : i32
      %dma_start3A_190 = arith.constant 14 : i32
      %dma_start3A_191 = arith.constant 0 : i32
      %dma_start3A_192 = arith.constant 0 : i32
      %dma_start3A_193 = tpu.memref_slice %arg8[%dma_start3A_190, %dma_start3A_191, %dma_start3A_192] : memref<16x128x8xf32, #tpu.memory_space<vmem>> -> memref<1x128x8xf32, #tpu.memory_space<vmem>>
      %dma_start3A_194 = tpu.memref_squeeze %dma_start3A_193 : memref<1x128x8xf32, #tpu.memory_space<vmem>> -> memref<128x8xf32, #tpu.memory_space<vmem>>
      %dma_start3A_195 = arith.constant 0 : i32
      %dma_start3A_196 = tpu.memref_slice %arg6[%dma_start3A_189, %dma_start3A_195] : memref<16x128xi32, #tpu.memory_space<vmem>> -> memref<1x128xi32, #tpu.memory_space<vmem>>
      %dma_start3A_197 = tpu.memref_squeeze %dma_start3A_196 : memref<1x128xi32, #tpu.memory_space<vmem>> -> memref<128xi32, #tpu.memory_space<vmem>>
      %dma_start3A_198 = arith.constant 0 : i32
      %dma_start3A_199 = arith.constant 0 : i32
      %dma_start3A_200 = tpu.memref_slice %arg9[%dma_start3A_198, %dma_start3A_199] : memref<100096x8xf32, #tpu.memory_space<vmem_shared>> -> memref<100096x8xf32, #tpu.memory_space<vmem_shared>>
      tpu.enqueue_indirect_dma source(%dma_start3A_200 : memref<100096x8xf32, #tpu.memory_space<vmem_shared>>) target(%dma_start3A_194 : memref<128x8xf32, #tpu.memory_space<vmem>>) offsets(%dma_start3A_197 : memref<128xi32, #tpu.memory_space<vmem>>) semaphore(%arg11 : memref<!tpu.dma_semaphore, #tpu.memory_space<semaphore_mem>>)
      %dma_start3A_201 = arith.constant 15 : i32
      %dma_start3A_202 = arith.constant 15 : i32
      %dma_start3A_203 = arith.constant 0 : i32
      %dma_start3A_204 = arith.constant 0 : i32
      %dma_start3A_205 = tpu.memref_slice %arg8[%dma_start3A_202, %dma_start3A_203, %dma_start3A_204] : memref<16x128x8xf32, #tpu.memory_space<vmem>> -> memref<1x128x8xf32, #tpu.memory_space<vmem>>
      %dma_start3A_206 = tpu.memref_squeeze %dma_start3A_205 : memref<1x128x8xf32, #tpu.memory_space<vmem>> -> memref<128x8xf32, #tpu.memory_space<vmem>>
      %dma_start3A_207 = arith.constant 0 : i32
      %dma_start3A_208 = tpu.memref_slice %arg6[%dma_start3A_201, %dma_start3A_207] : memref<16x128xi32, #tpu.memory_space<vmem>> -> memref<1x128xi32, #tpu.memory_space<vmem>>
      %dma_start3A_209 = tpu.memref_squeeze %dma_start3A_208 : memref<1x128xi32, #tpu.memory_space<vmem>> -> memref<128xi32, #tpu.memory_space<vmem>>
      %dma_start3A_210 = arith.constant 0 : i32
      %dma_start3A_211 = arith.constant 0 : i32
      %dma_start3A_212 = tpu.memref_slice %arg9[%dma_start3A_210, %dma_start3A_211] : memref<100096x8xf32, #tpu.memory_space<vmem_shared>> -> memref<100096x8xf32, #tpu.memory_space<vmem_shared>>
      tpu.enqueue_indirect_dma source(%dma_start3A_212 : memref<100096x8xf32, #tpu.memory_space<vmem_shared>>) target(%dma_start3A_206 : memref<128x8xf32, #tpu.memory_space<vmem>>) offsets(%dma_start3A_209 : memref<128xi32, #tpu.memory_space<vmem>>) semaphore(%arg11 : memref<!tpu.dma_semaphore, #tpu.memory_space<semaphore_mem>>)
      %dma_wait3A = arith.constant 0 : i32
      %dma_wait3A_213 = arith.constant 0 : i32
      %dma_wait3A_214 = arith.constant 0 : i32
      %dma_wait3A_215 = arith.constant 0 : i32
      %dma_wait3A_216 = tpu.memref_slice %arg8[%dma_wait3A_213, %dma_wait3A_214, %dma_wait3A_215] : memref<16x128x8xf32, #tpu.memory_space<vmem>> -> memref<1x128x8xf32, #tpu.memory_space<vmem>>
      %dma_wait3A_217 = tpu.memref_squeeze %dma_wait3A_216 : memref<1x128x8xf32, #tpu.memory_space<vmem>> -> memref<128x8xf32, #tpu.memory_space<vmem>>
      %dma_wait3A_218 = arith.constant 0 : i32
      %dma_wait3A_219 = tpu.memref_slice %arg6[%dma_wait3A, %dma_wait3A_218] : memref<16x128xi32, #tpu.memory_space<vmem>> -> memref<1x128xi32, #tpu.memory_space<vmem>>
      %dma_wait3A_220 = tpu.memref_squeeze %dma_wait3A_219 : memref<1x128xi32, #tpu.memory_space<vmem>> -> memref<128xi32, #tpu.memory_space<vmem>>
      %dma_wait3A_221 = arith.constant 0 : i32
      %dma_wait3A_222 = arith.constant 0 : i32
      %dma_wait3A_223 = tpu.memref_slice %arg9[%dma_wait3A_221, %dma_wait3A_222] : memref<100096x8xf32, #tpu.memory_space<vmem_shared>> -> memref<100096x8xf32, #tpu.memory_space<vmem_shared>>
      tpu.wait_indirect_dma semaphore(%arg11 : memref<!tpu.dma_semaphore, #tpu.memory_space<semaphore_mem>>) src(%dma_wait3A_223 : memref<100096x8xf32, #tpu.memory_space<vmem_shared>>) dst(%dma_wait3A_217 : memref<128x8xf32, #tpu.memory_space<vmem>>)
      %dma_start3A_224 = arith.constant 0 : i32
      %dma_start3A_225 = arith.constant 0 : i32
      %dma_start3A_226 = arith.constant 0 : i32
      %dma_start3A_227 = arith.constant 0 : i32
      %dma_start3A_228 = tpu.memref_slice %arg8[%dma_start3A_224, %dma_start3A_226, %dma_start3A_227] : memref<16x128x8xf32, #tpu.memory_space<vmem>> -> memref<1x128x8xf32, #tpu.memory_space<vmem>>
      %dma_start3A_229 = tpu.memref_squeeze %dma_start3A_228 : memref<1x128x8xf32, #tpu.memory_space<vmem>> -> memref<128x8xf32, #tpu.memory_space<vmem>>
      %dma_start3A_230 = arith.constant 0 : i32
      %dma_start3A_231 = tpu.memref_slice %arg7[%dma_start3A_225, %dma_start3A_230] : memref<16x128xi32, #tpu.memory_space<vmem>> -> memref<1x128xi32, #tpu.memory_space<vmem>>
      %dma_start3A_232 = tpu.memref_squeeze %dma_start3A_231 : memref<1x128xi32, #tpu.memory_space<vmem>> -> memref<128xi32, #tpu.memory_space<vmem>>
      %dma_start3A_233 = arith.constant 0 : i32
      %dma_start3A_234 = arith.constant 0 : i32
      %dma_start3A_235 = tpu.memref_slice %arg10[%dma_start3A_233, %dma_start3A_234] : memref<100096x8xf32, #tpu.memory_space<vmem_shared>> -> memref<100096x8xf32, #tpu.memory_space<vmem_shared>>
      tpu.enqueue_indirect_dma source(%dma_start3A_229 : memref<128x8xf32, #tpu.memory_space<vmem>>) target(%dma_start3A_235 : memref<100096x8xf32, #tpu.memory_space<vmem_shared>>) offsets(%dma_start3A_232 : memref<128xi32, #tpu.memory_space<vmem>>) semaphore(%arg12 : memref<!tpu.dma_semaphore, #tpu.memory_space<semaphore_mem>>) {add = true}
      %dma_wait3A_236 = arith.constant 1 : i32
      %dma_wait3A_237 = arith.constant 1 : i32
      %dma_wait3A_238 = arith.constant 0 : i32
      %dma_wait3A_239 = arith.constant 0 : i32
      %dma_wait3A_240 = tpu.memref_slice %arg8[%dma_wait3A_237, %dma_wait3A_238, %dma_wait3A_239] : memref<16x128x8xf32, #tpu.memory_space<vmem>> -> memref<1x128x8xf32, #tpu.memory_space<vmem>>
      %dma_wait3A_241 = tpu.memref_squeeze %dma_wait3A_240 : memref<1x128x8xf32, #tpu.memory_space<vmem>> -> memref<128x8xf32, #tpu.memory_space<vmem>>
      %dma_wait3A_242 = arith.constant 0 : i32
      %dma_wait3A_243 = tpu.memref_slice %arg6[%dma_wait3A_236, %dma_wait3A_242] : memref<16x128xi32, #tpu.memory_space<vmem>> -> memref<1x128xi32, #tpu.memory_space<vmem>>
      %dma_wait3A_244 = tpu.memref_squeeze %dma_wait3A_243 : memref<1x128xi32, #tpu.memory_space<vmem>> -> memref<128xi32, #tpu.memory_space<vmem>>
      %dma_wait3A_245 = arith.constant 0 : i32
      %dma_wait3A_246 = arith.constant 0 : i32
      %dma_wait3A_247 = tpu.memref_slice %arg9[%dma_wait3A_245, %dma_wait3A_246] : memref<100096x8xf32, #tpu.memory_space<vmem_shared>> -> memref<100096x8xf32, #tpu.memory_space<vmem_shared>>
      tpu.wait_indirect_dma semaphore(%arg11 : memref<!tpu.dma_semaphore, #tpu.memory_space<semaphore_mem>>) src(%dma_wait3A_247 : memref<100096x8xf32, #tpu.memory_space<vmem_shared>>) dst(%dma_wait3A_241 : memref<128x8xf32, #tpu.memory_space<vmem>>)
      %dma_start3A_248 = arith.constant 1 : i32
      %dma_start3A_249 = arith.constant 1 : i32
      %dma_start3A_250 = arith.constant 0 : i32
      %dma_start3A_251 = arith.constant 0 : i32
      %dma_start3A_252 = tpu.memref_slice %arg8[%dma_start3A_248, %dma_start3A_250, %dma_start3A_251] : memref<16x128x8xf32, #tpu.memory_space<vmem>> -> memref<1x128x8xf32, #tpu.memory_space<vmem>>
      %dma_start3A_253 = tpu.memref_squeeze %dma_start3A_252 : memref<1x128x8xf32, #tpu.memory_space<vmem>> -> memref<128x8xf32, #tpu.memory_space<vmem>>
      %dma_start3A_254 = arith.constant 0 : i32
      %dma_start3A_255 = tpu.memref_slice %arg7[%dma_start3A_249, %dma_start3A_254] : memref<16x128xi32, #tpu.memory_space<vmem>> -> memref<1x128xi32, #tpu.memory_space<vmem>>
      %dma_start3A_256 = tpu.memref_squeeze %dma_start3A_255 : memref<1x128xi32, #tpu.memory_space<vmem>> -> memref<128xi32, #tpu.memory_space<vmem>>
      %dma_start3A_257 = arith.constant 0 : i32
      %dma_start3A_258 = arith.constant 0 : i32
      %dma_start3A_259 = tpu.memref_slice %arg10[%dma_start3A_257, %dma_start3A_258] : memref<100096x8xf32, #tpu.memory_space<vmem_shared>> -> memref<100096x8xf32, #tpu.memory_space<vmem_shared>>
      tpu.enqueue_indirect_dma source(%dma_start3A_253 : memref<128x8xf32, #tpu.memory_space<vmem>>) target(%dma_start3A_259 : memref<100096x8xf32, #tpu.memory_space<vmem_shared>>) offsets(%dma_start3A_256 : memref<128xi32, #tpu.memory_space<vmem>>) semaphore(%arg12 : memref<!tpu.dma_semaphore, #tpu.memory_space<semaphore_mem>>) {add = true}
      %dma_wait3A_260 = arith.constant 2 : i32
      %dma_wait3A_261 = arith.constant 2 : i32
      %dma_wait3A_262 = arith.constant 0 : i32
      %dma_wait3A_263 = arith.constant 0 : i32
      %dma_wait3A_264 = tpu.memref_slice %arg8[%dma_wait3A_261, %dma_wait3A_262, %dma_wait3A_263] : memref<16x128x8xf32, #tpu.memory_space<vmem>> -> memref<1x128x8xf32, #tpu.memory_space<vmem>>
      %dma_wait3A_265 = tpu.memref_squeeze %dma_wait3A_264 : memref<1x128x8xf32, #tpu.memory_space<vmem>> -> memref<128x8xf32, #tpu.memory_space<vmem>>
      %dma_wait3A_266 = arith.constant 0 : i32
      %dma_wait3A_267 = tpu.memref_slice %arg6[%dma_wait3A_260, %dma_wait3A_266] : memref<16x128xi32, #tpu.memory_space<vmem>> -> memref<1x128xi32, #tpu.memory_space<vmem>>
      %dma_wait3A_268 = tpu.memref_squeeze %dma_wait3A_267 : memref<1x128xi32, #tpu.memory_space<vmem>> -> memref<128xi32, #tpu.memory_space<vmem>>
      %dma_wait3A_269 = arith.constant 0 : i32
      %dma_wait3A_270 = arith.constant 0 : i32
      %dma_wait3A_271 = tpu.memref_slice %arg9[%dma_wait3A_269, %dma_wait3A_270] : memref<100096x8xf32, #tpu.memory_space<vmem_shared>> -> memref<100096x8xf32, #tpu.memory_space<vmem_shared>>
      tpu.wait_indirect_dma semaphore(%arg11 : memref<!tpu.dma_semaphore, #tpu.memory_space<semaphore_mem>>) src(%dma_wait3A_271 : memref<100096x8xf32, #tpu.memory_space<vmem_shared>>) dst(%dma_wait3A_265 : memref<128x8xf32, #tpu.memory_space<vmem>>)
      %dma_start3A_272 = arith.constant 2 : i32
      %dma_start3A_273 = arith.constant 2 : i32
      %dma_start3A_274 = arith.constant 0 : i32
      %dma_start3A_275 = arith.constant 0 : i32
      %dma_start3A_276 = tpu.memref_slice %arg8[%dma_start3A_272, %dma_start3A_274, %dma_start3A_275] : memref<16x128x8xf32, #tpu.memory_space<vmem>> -> memref<1x128x8xf32, #tpu.memory_space<vmem>>
      %dma_start3A_277 = tpu.memref_squeeze %dma_start3A_276 : memref<1x128x8xf32, #tpu.memory_space<vmem>> -> memref<128x8xf32, #tpu.memory_space<vmem>>
      %dma_start3A_278 = arith.constant 0 : i32
      %dma_start3A_279 = tpu.memref_slice %arg7[%dma_start3A_273, %dma_start3A_278] : memref<16x128xi32, #tpu.memory_space<vmem>> -> memref<1x128xi32, #tpu.memory_space<vmem>>
      %dma_start3A_280 = tpu.memref_squeeze %dma_start3A_279 : memref<1x128xi32, #tpu.memory_space<vmem>> -> memref<128xi32, #tpu.memory_space<vmem>>
      %dma_start3A_281 = arith.constant 0 : i32
      %dma_start3A_282 = arith.constant 0 : i32
      %dma_start3A_283 = tpu.memref_slice %arg10[%dma_start3A_281, %dma_start3A_282] : memref<100096x8xf32, #tpu.memory_space<vmem_shared>> -> memref<100096x8xf32, #tpu.memory_space<vmem_shared>>
      tpu.enqueue_indirect_dma source(%dma_start3A_277 : memref<128x8xf32, #tpu.memory_space<vmem>>) target(%dma_start3A_283 : memref<100096x8xf32, #tpu.memory_space<vmem_shared>>) offsets(%dma_start3A_280 : memref<128xi32, #tpu.memory_space<vmem>>) semaphore(%arg12 : memref<!tpu.dma_semaphore, #tpu.memory_space<semaphore_mem>>) {add = true}
      %dma_wait3A_284 = arith.constant 3 : i32
      %dma_wait3A_285 = arith.constant 3 : i32
      %dma_wait3A_286 = arith.constant 0 : i32
      %dma_wait3A_287 = arith.constant 0 : i32
      %dma_wait3A_288 = tpu.memref_slice %arg8[%dma_wait3A_285, %dma_wait3A_286, %dma_wait3A_287] : memref<16x128x8xf32, #tpu.memory_space<vmem>> -> memref<1x128x8xf32, #tpu.memory_space<vmem>>
      %dma_wait3A_289 = tpu.memref_squeeze %dma_wait3A_288 : memref<1x128x8xf32, #tpu.memory_space<vmem>> -> memref<128x8xf32, #tpu.memory_space<vmem>>
      %dma_wait3A_290 = arith.constant 0 : i32
      %dma_wait3A_291 = tpu.memref_slice %arg6[%dma_wait3A_284, %dma_wait3A_290] : memref<16x128xi32, #tpu.memory_space<vmem>> -> memref<1x128xi32, #tpu.memory_space<vmem>>
      %dma_wait3A_292 = tpu.memref_squeeze %dma_wait3A_291 : memref<1x128xi32, #tpu.memory_space<vmem>> -> memref<128xi32, #tpu.memory_space<vmem>>
      %dma_wait3A_293 = arith.constant 0 : i32
      %dma_wait3A_294 = arith.constant 0 : i32
      %dma_wait3A_295 = tpu.memref_slice %arg9[%dma_wait3A_293, %dma_wait3A_294] : memref<100096x8xf32, #tpu.memory_space<vmem_shared>> -> memref<100096x8xf32, #tpu.memory_space<vmem_shared>>
      tpu.wait_indirect_dma semaphore(%arg11 : memref<!tpu.dma_semaphore, #tpu.memory_space<semaphore_mem>>) src(%dma_wait3A_295 : memref<100096x8xf32, #tpu.memory_space<vmem_shared>>) dst(%dma_wait3A_289 : memref<128x8xf32, #tpu.memory_space<vmem>>)
      %dma_start3A_296 = arith.constant 3 : i32
      %dma_start3A_297 = arith.constant 3 : i32
      %dma_start3A_298 = arith.constant 0 : i32
      %dma_start3A_299 = arith.constant 0 : i32
      %dma_start3A_300 = tpu.memref_slice %arg8[%dma_start3A_296, %dma_start3A_298, %dma_start3A_299] : memref<16x128x8xf32, #tpu.memory_space<vmem>> -> memref<1x128x8xf32, #tpu.memory_space<vmem>>
      %dma_start3A_301 = tpu.memref_squeeze %dma_start3A_300 : memref<1x128x8xf32, #tpu.memory_space<vmem>> -> memref<128x8xf32, #tpu.memory_space<vmem>>
      %dma_start3A_302 = arith.constant 0 : i32
      %dma_start3A_303 = tpu.memref_slice %arg7[%dma_start3A_297, %dma_start3A_302] : memref<16x128xi32, #tpu.memory_space<vmem>> -> memref<1x128xi32, #tpu.memory_space<vmem>>
      %dma_start3A_304 = tpu.memref_squeeze %dma_start3A_303 : memref<1x128xi32, #tpu.memory_space<vmem>> -> memref<128xi32, #tpu.memory_space<vmem>>
      %dma_start3A_305 = arith.constant 0 : i32
      %dma_start3A_306 = arith.constant 0 : i32
      %dma_start3A_307 = tpu.memref_slice %arg10[%dma_start3A_305, %dma_start3A_306] : memref<100096x8xf32, #tpu.memory_space<vmem_shared>> -> memref<100096x8xf32, #tpu.memory_space<vmem_shared>>
      tpu.enqueue_indirect_dma source(%dma_start3A_301 : memref<128x8xf32, #tpu.memory_space<vmem>>) target(%dma_start3A_307 : memref<100096x8xf32, #tpu.memory_space<vmem_shared>>) offsets(%dma_start3A_304 : memref<128xi32, #tpu.memory_space<vmem>>) semaphore(%arg12 : memref<!tpu.dma_semaphore, #tpu.memory_space<semaphore_mem>>) {add = true}
      %dma_wait3A_308 = arith.constant 4 : i32
      %dma_wait3A_309 = arith.constant 4 : i32
      %dma_wait3A_310 = arith.constant 0 : i32
      %dma_wait3A_311 = arith.constant 0 : i32
      %dma_wait3A_312 = tpu.memref_slice %arg8[%dma_wait3A_309, %dma_wait3A_310, %dma_wait3A_311] : memref<16x128x8xf32, #tpu.memory_space<vmem>> -> memref<1x128x8xf32, #tpu.memory_space<vmem>>
      %dma_wait3A_313 = tpu.memref_squeeze %dma_wait3A_312 : memref<1x128x8xf32, #tpu.memory_space<vmem>> -> memref<128x8xf32, #tpu.memory_space<vmem>>
      %dma_wait3A_314 = arith.constant 0 : i32
      %dma_wait3A_315 = tpu.memref_slice %arg6[%dma_wait3A_308, %dma_wait3A_314] : memref<16x128xi32, #tpu.memory_space<vmem>> -> memref<1x128xi32, #tpu.memory_space<vmem>>
      %dma_wait3A_316 = tpu.memref_squeeze %dma_wait3A_315 : memref<1x128xi32, #tpu.memory_space<vmem>> -> memref<128xi32, #tpu.memory_space<vmem>>
      %dma_wait3A_317 = arith.constant 0 : i32
      %dma_wait3A_318 = arith.constant 0 : i32
      %dma_wait3A_319 = tpu.memref_slice %arg9[%dma_wait3A_317, %dma_wait3A_318] : memref<100096x8xf32, #tpu.memory_space<vmem_shared>> -> memref<100096x8xf32, #tpu.memory_space<vmem_shared>>
      tpu.wait_indirect_dma semaphore(%arg11 : memref<!tpu.dma_semaphore, #tpu.memory_space<semaphore_mem>>) src(%dma_wait3A_319 : memref<100096x8xf32, #tpu.memory_space<vmem_shared>>) dst(%dma_wait3A_313 : memref<128x8xf32, #tpu.memory_space<vmem>>)
      %dma_start3A_320 = arith.constant 4 : i32
      %dma_start3A_321 = arith.constant 4 : i32
      %dma_start3A_322 = arith.constant 0 : i32
      %dma_start3A_323 = arith.constant 0 : i32
      %dma_start3A_324 = tpu.memref_slice %arg8[%dma_start3A_320, %dma_start3A_322, %dma_start3A_323] : memref<16x128x8xf32, #tpu.memory_space<vmem>> -> memref<1x128x8xf32, #tpu.memory_space<vmem>>
      %dma_start3A_325 = tpu.memref_squeeze %dma_start3A_324 : memref<1x128x8xf32, #tpu.memory_space<vmem>> -> memref<128x8xf32, #tpu.memory_space<vmem>>
      %dma_start3A_326 = arith.constant 0 : i32
      %dma_start3A_327 = tpu.memref_slice %arg7[%dma_start3A_321, %dma_start3A_326] : memref<16x128xi32, #tpu.memory_space<vmem>> -> memref<1x128xi32, #tpu.memory_space<vmem>>
      %dma_start3A_328 = tpu.memref_squeeze %dma_start3A_327 : memref<1x128xi32, #tpu.memory_space<vmem>> -> memref<128xi32, #tpu.memory_space<vmem>>
      %dma_start3A_329 = arith.constant 0 : i32
      %dma_start3A_330 = arith.constant 0 : i32
      %dma_start3A_331 = tpu.memref_slice %arg10[%dma_start3A_329, %dma_start3A_330] : memref<100096x8xf32, #tpu.memory_space<vmem_shared>> -> memref<100096x8xf32, #tpu.memory_space<vmem_shared>>
      tpu.enqueue_indirect_dma source(%dma_start3A_325 : memref<128x8xf32, #tpu.memory_space<vmem>>) target(%dma_start3A_331 : memref<100096x8xf32, #tpu.memory_space<vmem_shared>>) offsets(%dma_start3A_328 : memref<128xi32, #tpu.memory_space<vmem>>) semaphore(%arg12 : memref<!tpu.dma_semaphore, #tpu.memory_space<semaphore_mem>>) {add = true}
      %dma_wait3A_332 = arith.constant 5 : i32
      %dma_wait3A_333 = arith.constant 5 : i32
      %dma_wait3A_334 = arith.constant 0 : i32
      %dma_wait3A_335 = arith.constant 0 : i32
      %dma_wait3A_336 = tpu.memref_slice %arg8[%dma_wait3A_333, %dma_wait3A_334, %dma_wait3A_335] : memref<16x128x8xf32, #tpu.memory_space<vmem>> -> memref<1x128x8xf32, #tpu.memory_space<vmem>>
      %dma_wait3A_337 = tpu.memref_squeeze %dma_wait3A_336 : memref<1x128x8xf32, #tpu.memory_space<vmem>> -> memref<128x8xf32, #tpu.memory_space<vmem>>
      %dma_wait3A_338 = arith.constant 0 : i32
      %dma_wait3A_339 = tpu.memref_slice %arg6[%dma_wait3A_332, %dma_wait3A_338] : memref<16x128xi32, #tpu.memory_space<vmem>> -> memref<1x128xi32, #tpu.memory_space<vmem>>
      %dma_wait3A_340 = tpu.memref_squeeze %dma_wait3A_339 : memref<1x128xi32, #tpu.memory_space<vmem>> -> memref<128xi32, #tpu.memory_space<vmem>>
      %dma_wait3A_341 = arith.constant 0 : i32
      %dma_wait3A_342 = arith.constant 0 : i32
      %dma_wait3A_343 = tpu.memref_slice %arg9[%dma_wait3A_341, %dma_wait3A_342] : memref<100096x8xf32, #tpu.memory_space<vmem_shared>> -> memref<100096x8xf32, #tpu.memory_space<vmem_shared>>
      tpu.wait_indirect_dma semaphore(%arg11 : memref<!tpu.dma_semaphore, #tpu.memory_space<semaphore_mem>>) src(%dma_wait3A_343 : memref<100096x8xf32, #tpu.memory_space<vmem_shared>>) dst(%dma_wait3A_337 : memref<128x8xf32, #tpu.memory_space<vmem>>)
      %dma_start3A_344 = arith.constant 5 : i32
      %dma_start3A_345 = arith.constant 5 : i32
      %dma_start3A_346 = arith.constant 0 : i32
      %dma_start3A_347 = arith.constant 0 : i32
      %dma_start3A_348 = tpu.memref_slice %arg8[%dma_start3A_344, %dma_start3A_346, %dma_start3A_347] : memref<16x128x8xf32, #tpu.memory_space<vmem>> -> memref<1x128x8xf32, #tpu.memory_space<vmem>>
      %dma_start3A_349 = tpu.memref_squeeze %dma_start3A_348 : memref<1x128x8xf32, #tpu.memory_space<vmem>> -> memref<128x8xf32, #tpu.memory_space<vmem>>
      %dma_start3A_350 = arith.constant 0 : i32
      %dma_start3A_351 = tpu.memref_slice %arg7[%dma_start3A_345, %dma_start3A_350] : memref<16x128xi32, #tpu.memory_space<vmem>> -> memref<1x128xi32, #tpu.memory_space<vmem>>
      %dma_start3A_352 = tpu.memref_squeeze %dma_start3A_351 : memref<1x128xi32, #tpu.memory_space<vmem>> -> memref<128xi32, #tpu.memory_space<vmem>>
      %dma_start3A_353 = arith.constant 0 : i32
      %dma_start3A_354 = arith.constant 0 : i32
      %dma_start3A_355 = tpu.memref_slice %arg10[%dma_start3A_353, %dma_start3A_354] : memref<100096x8xf32, #tpu.memory_space<vmem_shared>> -> memref<100096x8xf32, #tpu.memory_space<vmem_shared>>
      tpu.enqueue_indirect_dma source(%dma_start3A_349 : memref<128x8xf32, #tpu.memory_space<vmem>>) target(%dma_start3A_355 : memref<100096x8xf32, #tpu.memory_space<vmem_shared>>) offsets(%dma_start3A_352 : memref<128xi32, #tpu.memory_space<vmem>>) semaphore(%arg12 : memref<!tpu.dma_semaphore, #tpu.memory_space<semaphore_mem>>) {add = true}
      %dma_wait3A_356 = arith.constant 6 : i32
      %dma_wait3A_357 = arith.constant 6 : i32
      %dma_wait3A_358 = arith.constant 0 : i32
      %dma_wait3A_359 = arith.constant 0 : i32
      %dma_wait3A_360 = tpu.memref_slice %arg8[%dma_wait3A_357, %dma_wait3A_358, %dma_wait3A_359] : memref<16x128x8xf32, #tpu.memory_space<vmem>> -> memref<1x128x8xf32, #tpu.memory_space<vmem>>
      %dma_wait3A_361 = tpu.memref_squeeze %dma_wait3A_360 : memref<1x128x8xf32, #tpu.memory_space<vmem>> -> memref<128x8xf32, #tpu.memory_space<vmem>>
      %dma_wait3A_362 = arith.constant 0 : i32
      %dma_wait3A_363 = tpu.memref_slice %arg6[%dma_wait3A_356, %dma_wait3A_362] : memref<16x128xi32, #tpu.memory_space<vmem>> -> memref<1x128xi32, #tpu.memory_space<vmem>>
      %dma_wait3A_364 = tpu.memref_squeeze %dma_wait3A_363 : memref<1x128xi32, #tpu.memory_space<vmem>> -> memref<128xi32, #tpu.memory_space<vmem>>
      %dma_wait3A_365 = arith.constant 0 : i32
      %dma_wait3A_366 = arith.constant 0 : i32
      %dma_wait3A_367 = tpu.memref_slice %arg9[%dma_wait3A_365, %dma_wait3A_366] : memref<100096x8xf32, #tpu.memory_space<vmem_shared>> -> memref<100096x8xf32, #tpu.memory_space<vmem_shared>>
      tpu.wait_indirect_dma semaphore(%arg11 : memref<!tpu.dma_semaphore, #tpu.memory_space<semaphore_mem>>) src(%dma_wait3A_367 : memref<100096x8xf32, #tpu.memory_space<vmem_shared>>) dst(%dma_wait3A_361 : memref<128x8xf32, #tpu.memory_space<vmem>>)
      %dma_start3A_368 = arith.constant 6 : i32
      %dma_start3A_369 = arith.constant 6 : i32
      %dma_start3A_370 = arith.constant 0 : i32
      %dma_start3A_371 = arith.constant 0 : i32
      %dma_start3A_372 = tpu.memref_slice %arg8[%dma_start3A_368, %dma_start3A_370, %dma_start3A_371] : memref<16x128x8xf32, #tpu.memory_space<vmem>> -> memref<1x128x8xf32, #tpu.memory_space<vmem>>
      %dma_start3A_373 = tpu.memref_squeeze %dma_start3A_372 : memref<1x128x8xf32, #tpu.memory_space<vmem>> -> memref<128x8xf32, #tpu.memory_space<vmem>>
      %dma_start3A_374 = arith.constant 0 : i32
      %dma_start3A_375 = tpu.memref_slice %arg7[%dma_start3A_369, %dma_start3A_374] : memref<16x128xi32, #tpu.memory_space<vmem>> -> memref<1x128xi32, #tpu.memory_space<vmem>>
      %dma_start3A_376 = tpu.memref_squeeze %dma_start3A_375 : memref<1x128xi32, #tpu.memory_space<vmem>> -> memref<128xi32, #tpu.memory_space<vmem>>
      %dma_start3A_377 = arith.constant 0 : i32
      %dma_start3A_378 = arith.constant 0 : i32
      %dma_start3A_379 = tpu.memref_slice %arg10[%dma_start3A_377, %dma_start3A_378] : memref<100096x8xf32, #tpu.memory_space<vmem_shared>> -> memref<100096x8xf32, #tpu.memory_space<vmem_shared>>
      tpu.enqueue_indirect_dma source(%dma_start3A_373 : memref<128x8xf32, #tpu.memory_space<vmem>>) target(%dma_start3A_379 : memref<100096x8xf32, #tpu.memory_space<vmem_shared>>) offsets(%dma_start3A_376 : memref<128xi32, #tpu.memory_space<vmem>>) semaphore(%arg12 : memref<!tpu.dma_semaphore, #tpu.memory_space<semaphore_mem>>) {add = true}
      %dma_wait3A_380 = arith.constant 7 : i32
      %dma_wait3A_381 = arith.constant 7 : i32
      %dma_wait3A_382 = arith.constant 0 : i32
      %dma_wait3A_383 = arith.constant 0 : i32
      %dma_wait3A_384 = tpu.memref_slice %arg8[%dma_wait3A_381, %dma_wait3A_382, %dma_wait3A_383] : memref<16x128x8xf32, #tpu.memory_space<vmem>> -> memref<1x128x8xf32, #tpu.memory_space<vmem>>
      %dma_wait3A_385 = tpu.memref_squeeze %dma_wait3A_384 : memref<1x128x8xf32, #tpu.memory_space<vmem>> -> memref<128x8xf32, #tpu.memory_space<vmem>>
      %dma_wait3A_386 = arith.constant 0 : i32
      %dma_wait3A_387 = tpu.memref_slice %arg6[%dma_wait3A_380, %dma_wait3A_386] : memref<16x128xi32, #tpu.memory_space<vmem>> -> memref<1x128xi32, #tpu.memory_space<vmem>>
      %dma_wait3A_388 = tpu.memref_squeeze %dma_wait3A_387 : memref<1x128xi32, #tpu.memory_space<vmem>> -> memref<128xi32, #tpu.memory_space<vmem>>
      %dma_wait3A_389 = arith.constant 0 : i32
      %dma_wait3A_390 = arith.constant 0 : i32
      %dma_wait3A_391 = tpu.memref_slice %arg9[%dma_wait3A_389, %dma_wait3A_390] : memref<100096x8xf32, #tpu.memory_space<vmem_shared>> -> memref<100096x8xf32, #tpu.memory_space<vmem_shared>>
      tpu.wait_indirect_dma semaphore(%arg11 : memref<!tpu.dma_semaphore, #tpu.memory_space<semaphore_mem>>) src(%dma_wait3A_391 : memref<100096x8xf32, #tpu.memory_space<vmem_shared>>) dst(%dma_wait3A_385 : memref<128x8xf32, #tpu.memory_space<vmem>>)
      %dma_start3A_392 = arith.constant 7 : i32
      %dma_start3A_393 = arith.constant 7 : i32
      %dma_start3A_394 = arith.constant 0 : i32
      %dma_start3A_395 = arith.constant 0 : i32
      %dma_start3A_396 = tpu.memref_slice %arg8[%dma_start3A_392, %dma_start3A_394, %dma_start3A_395] : memref<16x128x8xf32, #tpu.memory_space<vmem>> -> memref<1x128x8xf32, #tpu.memory_space<vmem>>
      %dma_start3A_397 = tpu.memref_squeeze %dma_start3A_396 : memref<1x128x8xf32, #tpu.memory_space<vmem>> -> memref<128x8xf32, #tpu.memory_space<vmem>>
      %dma_start3A_398 = arith.constant 0 : i32
      %dma_start3A_399 = tpu.memref_slice %arg7[%dma_start3A_393, %dma_start3A_398] : memref<16x128xi32, #tpu.memory_space<vmem>> -> memref<1x128xi32, #tpu.memory_space<vmem>>
      %dma_start3A_400 = tpu.memref_squeeze %dma_start3A_399 : memref<1x128xi32, #tpu.memory_space<vmem>> -> memref<128xi32, #tpu.memory_space<vmem>>
      %dma_start3A_401 = arith.constant 0 : i32
      %dma_start3A_402 = arith.constant 0 : i32
      %dma_start3A_403 = tpu.memref_slice %arg10[%dma_start3A_401, %dma_start3A_402] : memref<100096x8xf32, #tpu.memory_space<vmem_shared>> -> memref<100096x8xf32, #tpu.memory_space<vmem_shared>>
      tpu.enqueue_indirect_dma source(%dma_start3A_397 : memref<128x8xf32, #tpu.memory_space<vmem>>) target(%dma_start3A_403 : memref<100096x8xf32, #tpu.memory_space<vmem_shared>>) offsets(%dma_start3A_400 : memref<128xi32, #tpu.memory_space<vmem>>) semaphore(%arg12 : memref<!tpu.dma_semaphore, #tpu.memory_space<semaphore_mem>>) {add = true}
      %dma_wait3A_404 = arith.constant 8 : i32
      %dma_wait3A_405 = arith.constant 8 : i32
      %dma_wait3A_406 = arith.constant 0 : i32
      %dma_wait3A_407 = arith.constant 0 : i32
      %dma_wait3A_408 = tpu.memref_slice %arg8[%dma_wait3A_405, %dma_wait3A_406, %dma_wait3A_407] : memref<16x128x8xf32, #tpu.memory_space<vmem>> -> memref<1x128x8xf32, #tpu.memory_space<vmem>>
      %dma_wait3A_409 = tpu.memref_squeeze %dma_wait3A_408 : memref<1x128x8xf32, #tpu.memory_space<vmem>> -> memref<128x8xf32, #tpu.memory_space<vmem>>
      %dma_wait3A_410 = arith.constant 0 : i32
      %dma_wait3A_411 = tpu.memref_slice %arg6[%dma_wait3A_404, %dma_wait3A_410] : memref<16x128xi32, #tpu.memory_space<vmem>> -> memref<1x128xi32, #tpu.memory_space<vmem>>
      %dma_wait3A_412 = tpu.memref_squeeze %dma_wait3A_411 : memref<1x128xi32, #tpu.memory_space<vmem>> -> memref<128xi32, #tpu.memory_space<vmem>>
      %dma_wait3A_413 = arith.constant 0 : i32
      %dma_wait3A_414 = arith.constant 0 : i32
      %dma_wait3A_415 = tpu.memref_slice %arg9[%dma_wait3A_413, %dma_wait3A_414] : memref<100096x8xf32, #tpu.memory_space<vmem_shared>> -> memref<100096x8xf32, #tpu.memory_space<vmem_shared>>
      tpu.wait_indirect_dma semaphore(%arg11 : memref<!tpu.dma_semaphore, #tpu.memory_space<semaphore_mem>>) src(%dma_wait3A_415 : memref<100096x8xf32, #tpu.memory_space<vmem_shared>>) dst(%dma_wait3A_409 : memref<128x8xf32, #tpu.memory_space<vmem>>)
      %dma_start3A_416 = arith.constant 8 : i32
      %dma_start3A_417 = arith.constant 8 : i32
      %dma_start3A_418 = arith.constant 0 : i32
      %dma_start3A_419 = arith.constant 0 : i32
      %dma_start3A_420 = tpu.memref_slice %arg8[%dma_start3A_416, %dma_start3A_418, %dma_start3A_419] : memref<16x128x8xf32, #tpu.memory_space<vmem>> -> memref<1x128x8xf32, #tpu.memory_space<vmem>>
      %dma_start3A_421 = tpu.memref_squeeze %dma_start3A_420 : memref<1x128x8xf32, #tpu.memory_space<vmem>> -> memref<128x8xf32, #tpu.memory_space<vmem>>
      %dma_start3A_422 = arith.constant 0 : i32
      %dma_start3A_423 = tpu.memref_slice %arg7[%dma_start3A_417, %dma_start3A_422] : memref<16x128xi32, #tpu.memory_space<vmem>> -> memref<1x128xi32, #tpu.memory_space<vmem>>
      %dma_start3A_424 = tpu.memref_squeeze %dma_start3A_423 : memref<1x128xi32, #tpu.memory_space<vmem>> -> memref<128xi32, #tpu.memory_space<vmem>>
      %dma_start3A_425 = arith.constant 0 : i32
      %dma_start3A_426 = arith.constant 0 : i32
      %dma_start3A_427 = tpu.memref_slice %arg10[%dma_start3A_425, %dma_start3A_426] : memref<100096x8xf32, #tpu.memory_space<vmem_shared>> -> memref<100096x8xf32, #tpu.memory_space<vmem_shared>>
      tpu.enqueue_indirect_dma source(%dma_start3A_421 : memref<128x8xf32, #tpu.memory_space<vmem>>) target(%dma_start3A_427 : memref<100096x8xf32, #tpu.memory_space<vmem_shared>>) offsets(%dma_start3A_424 : memref<128xi32, #tpu.memory_space<vmem>>) semaphore(%arg12 : memref<!tpu.dma_semaphore, #tpu.memory_space<semaphore_mem>>) {add = true}
      %dma_wait3A_428 = arith.constant 9 : i32
      %dma_wait3A_429 = arith.constant 9 : i32
      %dma_wait3A_430 = arith.constant 0 : i32
      %dma_wait3A_431 = arith.constant 0 : i32
      %dma_wait3A_432 = tpu.memref_slice %arg8[%dma_wait3A_429, %dma_wait3A_430, %dma_wait3A_431] : memref<16x128x8xf32, #tpu.memory_space<vmem>> -> memref<1x128x8xf32, #tpu.memory_space<vmem>>
      %dma_wait3A_433 = tpu.memref_squeeze %dma_wait3A_432 : memref<1x128x8xf32, #tpu.memory_space<vmem>> -> memref<128x8xf32, #tpu.memory_space<vmem>>
      %dma_wait3A_434 = arith.constant 0 : i32
      %dma_wait3A_435 = tpu.memref_slice %arg6[%dma_wait3A_428, %dma_wait3A_434] : memref<16x128xi32, #tpu.memory_space<vmem>> -> memref<1x128xi32, #tpu.memory_space<vmem>>
      %dma_wait3A_436 = tpu.memref_squeeze %dma_wait3A_435 : memref<1x128xi32, #tpu.memory_space<vmem>> -> memref<128xi32, #tpu.memory_space<vmem>>
      %dma_wait3A_437 = arith.constant 0 : i32
      %dma_wait3A_438 = arith.constant 0 : i32
      %dma_wait3A_439 = tpu.memref_slice %arg9[%dma_wait3A_437, %dma_wait3A_438] : memref<100096x8xf32, #tpu.memory_space<vmem_shared>> -> memref<100096x8xf32, #tpu.memory_space<vmem_shared>>
      tpu.wait_indirect_dma semaphore(%arg11 : memref<!tpu.dma_semaphore, #tpu.memory_space<semaphore_mem>>) src(%dma_wait3A_439 : memref<100096x8xf32, #tpu.memory_space<vmem_shared>>) dst(%dma_wait3A_433 : memref<128x8xf32, #tpu.memory_space<vmem>>)
      %dma_start3A_440 = arith.constant 9 : i32
      %dma_start3A_441 = arith.constant 9 : i32
      %dma_start3A_442 = arith.constant 0 : i32
      %dma_start3A_443 = arith.constant 0 : i32
      %dma_start3A_444 = tpu.memref_slice %arg8[%dma_start3A_440, %dma_start3A_442, %dma_start3A_443] : memref<16x128x8xf32, #tpu.memory_space<vmem>> -> memref<1x128x8xf32, #tpu.memory_space<vmem>>
      %dma_start3A_445 = tpu.memref_squeeze %dma_start3A_444 : memref<1x128x8xf32, #tpu.memory_space<vmem>> -> memref<128x8xf32, #tpu.memory_space<vmem>>
      %dma_start3A_446 = arith.constant 0 : i32
      %dma_start3A_447 = tpu.memref_slice %arg7[%dma_start3A_441, %dma_start3A_446] : memref<16x128xi32, #tpu.memory_space<vmem>> -> memref<1x128xi32, #tpu.memory_space<vmem>>
      %dma_start3A_448 = tpu.memref_squeeze %dma_start3A_447 : memref<1x128xi32, #tpu.memory_space<vmem>> -> memref<128xi32, #tpu.memory_space<vmem>>
      %dma_start3A_449 = arith.constant 0 : i32
      %dma_start3A_450 = arith.constant 0 : i32
      %dma_start3A_451 = tpu.memref_slice %arg10[%dma_start3A_449, %dma_start3A_450] : memref<100096x8xf32, #tpu.memory_space<vmem_shared>> -> memref<100096x8xf32, #tpu.memory_space<vmem_shared>>
      tpu.enqueue_indirect_dma source(%dma_start3A_445 : memref<128x8xf32, #tpu.memory_space<vmem>>) target(%dma_start3A_451 : memref<100096x8xf32, #tpu.memory_space<vmem_shared>>) offsets(%dma_start3A_448 : memref<128xi32, #tpu.memory_space<vmem>>) semaphore(%arg12 : memref<!tpu.dma_semaphore, #tpu.memory_space<semaphore_mem>>) {add = true}
      %dma_wait3A_452 = arith.constant 10 : i32
      %dma_wait3A_453 = arith.constant 10 : i32
      %dma_wait3A_454 = arith.constant 0 : i32
      %dma_wait3A_455 = arith.constant 0 : i32
      %dma_wait3A_456 = tpu.memref_slice %arg8[%dma_wait3A_453, %dma_wait3A_454, %dma_wait3A_455] : memref<16x128x8xf32, #tpu.memory_space<vmem>> -> memref<1x128x8xf32, #tpu.memory_space<vmem>>
      %dma_wait3A_457 = tpu.memref_squeeze %dma_wait3A_456 : memref<1x128x8xf32, #tpu.memory_space<vmem>> -> memref<128x8xf32, #tpu.memory_space<vmem>>
      %dma_wait3A_458 = arith.constant 0 : i32
      %dma_wait3A_459 = tpu.memref_slice %arg6[%dma_wait3A_452, %dma_wait3A_458] : memref<16x128xi32, #tpu.memory_space<vmem>> -> memref<1x128xi32, #tpu.memory_space<vmem>>
      %dma_wait3A_460 = tpu.memref_squeeze %dma_wait3A_459 : memref<1x128xi32, #tpu.memory_space<vmem>> -> memref<128xi32, #tpu.memory_space<vmem>>
      %dma_wait3A_461 = arith.constant 0 : i32
      %dma_wait3A_462 = arith.constant 0 : i32
      %dma_wait3A_463 = tpu.memref_slice %arg9[%dma_wait3A_461, %dma_wait3A_462] : memref<100096x8xf32, #tpu.memory_space<vmem_shared>> -> memref<100096x8xf32, #tpu.memory_space<vmem_shared>>
      tpu.wait_indirect_dma semaphore(%arg11 : memref<!tpu.dma_semaphore, #tpu.memory_space<semaphore_mem>>) src(%dma_wait3A_463 : memref<100096x8xf32, #tpu.memory_space<vmem_shared>>) dst(%dma_wait3A_457 : memref<128x8xf32, #tpu.memory_space<vmem>>)
      %dma_start3A_464 = arith.constant 10 : i32
      %dma_start3A_465 = arith.constant 10 : i32
      %dma_start3A_466 = arith.constant 0 : i32
      %dma_start3A_467 = arith.constant 0 : i32
      %dma_start3A_468 = tpu.memref_slice %arg8[%dma_start3A_464, %dma_start3A_466, %dma_start3A_467] : memref<16x128x8xf32, #tpu.memory_space<vmem>> -> memref<1x128x8xf32, #tpu.memory_space<vmem>>
      %dma_start3A_469 = tpu.memref_squeeze %dma_start3A_468 : memref<1x128x8xf32, #tpu.memory_space<vmem>> -> memref<128x8xf32, #tpu.memory_space<vmem>>
      %dma_start3A_470 = arith.constant 0 : i32
      %dma_start3A_471 = tpu.memref_slice %arg7[%dma_start3A_465, %dma_start3A_470] : memref<16x128xi32, #tpu.memory_space<vmem>> -> memref<1x128xi32, #tpu.memory_space<vmem>>
      %dma_start3A_472 = tpu.memref_squeeze %dma_start3A_471 : memref<1x128xi32, #tpu.memory_space<vmem>> -> memref<128xi32, #tpu.memory_space<vmem>>
      %dma_start3A_473 = arith.constant 0 : i32
      %dma_start3A_474 = arith.constant 0 : i32
      %dma_start3A_475 = tpu.memref_slice %arg10[%dma_start3A_473, %dma_start3A_474] : memref<100096x8xf32, #tpu.memory_space<vmem_shared>> -> memref<100096x8xf32, #tpu.memory_space<vmem_shared>>
      tpu.enqueue_indirect_dma source(%dma_start3A_469 : memref<128x8xf32, #tpu.memory_space<vmem>>) target(%dma_start3A_475 : memref<100096x8xf32, #tpu.memory_space<vmem_shared>>) offsets(%dma_start3A_472 : memref<128xi32, #tpu.memory_space<vmem>>) semaphore(%arg12 : memref<!tpu.dma_semaphore, #tpu.memory_space<semaphore_mem>>) {add = true}
      %dma_wait3A_476 = arith.constant 11 : i32
      %dma_wait3A_477 = arith.constant 11 : i32
      %dma_wait3A_478 = arith.constant 0 : i32
      %dma_wait3A_479 = arith.constant 0 : i32
      %dma_wait3A_480 = tpu.memref_slice %arg8[%dma_wait3A_477, %dma_wait3A_478, %dma_wait3A_479] : memref<16x128x8xf32, #tpu.memory_space<vmem>> -> memref<1x128x8xf32, #tpu.memory_space<vmem>>
      %dma_wait3A_481 = tpu.memref_squeeze %dma_wait3A_480 : memref<1x128x8xf32, #tpu.memory_space<vmem>> -> memref<128x8xf32, #tpu.memory_space<vmem>>
      %dma_wait3A_482 = arith.constant 0 : i32
      %dma_wait3A_483 = tpu.memref_slice %arg6[%dma_wait3A_476, %dma_wait3A_482] : memref<16x128xi32, #tpu.memory_space<vmem>> -> memref<1x128xi32, #tpu.memory_space<vmem>>
      %dma_wait3A_484 = tpu.memref_squeeze %dma_wait3A_483 : memref<1x128xi32, #tpu.memory_space<vmem>> -> memref<128xi32, #tpu.memory_space<vmem>>
      %dma_wait3A_485 = arith.constant 0 : i32
      %dma_wait3A_486 = arith.constant 0 : i32
      %dma_wait3A_487 = tpu.memref_slice %arg9[%dma_wait3A_485, %dma_wait3A_486] : memref<100096x8xf32, #tpu.memory_space<vmem_shared>> -> memref<100096x8xf32, #tpu.memory_space<vmem_shared>>
      tpu.wait_indirect_dma semaphore(%arg11 : memref<!tpu.dma_semaphore, #tpu.memory_space<semaphore_mem>>) src(%dma_wait3A_487 : memref<100096x8xf32, #tpu.memory_space<vmem_shared>>) dst(%dma_wait3A_481 : memref<128x8xf32, #tpu.memory_space<vmem>>)
      %dma_start3A_488 = arith.constant 11 : i32
      %dma_start3A_489 = arith.constant 11 : i32
      %dma_start3A_490 = arith.constant 0 : i32
      %dma_start3A_491 = arith.constant 0 : i32
      %dma_start3A_492 = tpu.memref_slice %arg8[%dma_start3A_488, %dma_start3A_490, %dma_start3A_491] : memref<16x128x8xf32, #tpu.memory_space<vmem>> -> memref<1x128x8xf32, #tpu.memory_space<vmem>>
      %dma_start3A_493 = tpu.memref_squeeze %dma_start3A_492 : memref<1x128x8xf32, #tpu.memory_space<vmem>> -> memref<128x8xf32, #tpu.memory_space<vmem>>
      %dma_start3A_494 = arith.constant 0 : i32
      %dma_start3A_495 = tpu.memref_slice %arg7[%dma_start3A_489, %dma_start3A_494] : memref<16x128xi32, #tpu.memory_space<vmem>> -> memref<1x128xi32, #tpu.memory_space<vmem>>
      %dma_start3A_496 = tpu.memref_squeeze %dma_start3A_495 : memref<1x128xi32, #tpu.memory_space<vmem>> -> memref<128xi32, #tpu.memory_space<vmem>>
      %dma_start3A_497 = arith.constant 0 : i32
      %dma_start3A_498 = arith.constant 0 : i32
      %dma_start3A_499 = tpu.memref_slice %arg10[%dma_start3A_497, %dma_start3A_498] : memref<100096x8xf32, #tpu.memory_space<vmem_shared>> -> memref<100096x8xf32, #tpu.memory_space<vmem_shared>>
      tpu.enqueue_indirect_dma source(%dma_start3A_493 : memref<128x8xf32, #tpu.memory_space<vmem>>) target(%dma_start3A_499 : memref<100096x8xf32, #tpu.memory_space<vmem_shared>>) offsets(%dma_start3A_496 : memref<128xi32, #tpu.memory_space<vmem>>) semaphore(%arg12 : memref<!tpu.dma_semaphore, #tpu.memory_space<semaphore_mem>>) {add = true}
      %dma_wait3A_500 = arith.constant 12 : i32
      %dma_wait3A_501 = arith.constant 12 : i32
      %dma_wait3A_502 = arith.constant 0 : i32
      %dma_wait3A_503 = arith.constant 0 : i32
      %dma_wait3A_504 = tpu.memref_slice %arg8[%dma_wait3A_501, %dma_wait3A_502, %dma_wait3A_503] : memref<16x128x8xf32, #tpu.memory_space<vmem>> -> memref<1x128x8xf32, #tpu.memory_space<vmem>>
      %dma_wait3A_505 = tpu.memref_squeeze %dma_wait3A_504 : memref<1x128x8xf32, #tpu.memory_space<vmem>> -> memref<128x8xf32, #tpu.memory_space<vmem>>
      %dma_wait3A_506 = arith.constant 0 : i32
      %dma_wait3A_507 = tpu.memref_slice %arg6[%dma_wait3A_500, %dma_wait3A_506] : memref<16x128xi32, #tpu.memory_space<vmem>> -> memref<1x128xi32, #tpu.memory_space<vmem>>
      %dma_wait3A_508 = tpu.memref_squeeze %dma_wait3A_507 : memref<1x128xi32, #tpu.memory_space<vmem>> -> memref<128xi32, #tpu.memory_space<vmem>>
      %dma_wait3A_509 = arith.constant 0 : i32
      %dma_wait3A_510 = arith.constant 0 : i32
      %dma_wait3A_511 = tpu.memref_slice %arg9[%dma_wait3A_509, %dma_wait3A_510] : memref<100096x8xf32, #tpu.memory_space<vmem_shared>> -> memref<100096x8xf32, #tpu.memory_space<vmem_shared>>
      tpu.wait_indirect_dma semaphore(%arg11 : memref<!tpu.dma_semaphore, #tpu.memory_space<semaphore_mem>>) src(%dma_wait3A_511 : memref<100096x8xf32, #tpu.memory_space<vmem_shared>>) dst(%dma_wait3A_505 : memref<128x8xf32, #tpu.memory_space<vmem>>)
      %dma_start3A_512 = arith.constant 12 : i32
      %dma_start3A_513 = arith.constant 12 : i32
      %dma_start3A_514 = arith.constant 0 : i32
      %dma_start3A_515 = arith.constant 0 : i32
      %dma_start3A_516 = tpu.memref_slice %arg8[%dma_start3A_512, %dma_start3A_514, %dma_start3A_515] : memref<16x128x8xf32, #tpu.memory_space<vmem>> -> memref<1x128x8xf32, #tpu.memory_space<vmem>>
      %dma_start3A_517 = tpu.memref_squeeze %dma_start3A_516 : memref<1x128x8xf32, #tpu.memory_space<vmem>> -> memref<128x8xf32, #tpu.memory_space<vmem>>
      %dma_start3A_518 = arith.constant 0 : i32
      %dma_start3A_519 = tpu.memref_slice %arg7[%dma_start3A_513, %dma_start3A_518] : memref<16x128xi32, #tpu.memory_space<vmem>> -> memref<1x128xi32, #tpu.memory_space<vmem>>
      %dma_start3A_520 = tpu.memref_squeeze %dma_start3A_519 : memref<1x128xi32, #tpu.memory_space<vmem>> -> memref<128xi32, #tpu.memory_space<vmem>>
      %dma_start3A_521 = arith.constant 0 : i32
      %dma_start3A_522 = arith.constant 0 : i32
      %dma_start3A_523 = tpu.memref_slice %arg10[%dma_start3A_521, %dma_start3A_522] : memref<100096x8xf32, #tpu.memory_space<vmem_shared>> -> memref<100096x8xf32, #tpu.memory_space<vmem_shared>>
      tpu.enqueue_indirect_dma source(%dma_start3A_517 : memref<128x8xf32, #tpu.memory_space<vmem>>) target(%dma_start3A_523 : memref<100096x8xf32, #tpu.memory_space<vmem_shared>>) offsets(%dma_start3A_520 : memref<128xi32, #tpu.memory_space<vmem>>) semaphore(%arg12 : memref<!tpu.dma_semaphore, #tpu.memory_space<semaphore_mem>>) {add = true}
      %dma_wait3A_524 = arith.constant 13 : i32
      %dma_wait3A_525 = arith.constant 13 : i32
      %dma_wait3A_526 = arith.constant 0 : i32
      %dma_wait3A_527 = arith.constant 0 : i32
      %dma_wait3A_528 = tpu.memref_slice %arg8[%dma_wait3A_525, %dma_wait3A_526, %dma_wait3A_527] : memref<16x128x8xf32, #tpu.memory_space<vmem>> -> memref<1x128x8xf32, #tpu.memory_space<vmem>>
      %dma_wait3A_529 = tpu.memref_squeeze %dma_wait3A_528 : memref<1x128x8xf32, #tpu.memory_space<vmem>> -> memref<128x8xf32, #tpu.memory_space<vmem>>
      %dma_wait3A_530 = arith.constant 0 : i32
      %dma_wait3A_531 = tpu.memref_slice %arg6[%dma_wait3A_524, %dma_wait3A_530] : memref<16x128xi32, #tpu.memory_space<vmem>> -> memref<1x128xi32, #tpu.memory_space<vmem>>
      %dma_wait3A_532 = tpu.memref_squeeze %dma_wait3A_531 : memref<1x128xi32, #tpu.memory_space<vmem>> -> memref<128xi32, #tpu.memory_space<vmem>>
      %dma_wait3A_533 = arith.constant 0 : i32
      %dma_wait3A_534 = arith.constant 0 : i32
      %dma_wait3A_535 = tpu.memref_slice %arg9[%dma_wait3A_533, %dma_wait3A_534] : memref<100096x8xf32, #tpu.memory_space<vmem_shared>> -> memref<100096x8xf32, #tpu.memory_space<vmem_shared>>
      tpu.wait_indirect_dma semaphore(%arg11 : memref<!tpu.dma_semaphore, #tpu.memory_space<semaphore_mem>>) src(%dma_wait3A_535 : memref<100096x8xf32, #tpu.memory_space<vmem_shared>>) dst(%dma_wait3A_529 : memref<128x8xf32, #tpu.memory_space<vmem>>)
      %dma_start3A_536 = arith.constant 13 : i32
      %dma_start3A_537 = arith.constant 13 : i32
      %dma_start3A_538 = arith.constant 0 : i32
      %dma_start3A_539 = arith.constant 0 : i32
      %dma_start3A_540 = tpu.memref_slice %arg8[%dma_start3A_536, %dma_start3A_538, %dma_start3A_539] : memref<16x128x8xf32, #tpu.memory_space<vmem>> -> memref<1x128x8xf32, #tpu.memory_space<vmem>>
      %dma_start3A_541 = tpu.memref_squeeze %dma_start3A_540 : memref<1x128x8xf32, #tpu.memory_space<vmem>> -> memref<128x8xf32, #tpu.memory_space<vmem>>
      %dma_start3A_542 = arith.constant 0 : i32
      %dma_start3A_543 = tpu.memref_slice %arg7[%dma_start3A_537, %dma_start3A_542] : memref<16x128xi32, #tpu.memory_space<vmem>> -> memref<1x128xi32, #tpu.memory_space<vmem>>
      %dma_start3A_544 = tpu.memref_squeeze %dma_start3A_543 : memref<1x128xi32, #tpu.memory_space<vmem>> -> memref<128xi32, #tpu.memory_space<vmem>>
      %dma_start3A_545 = arith.constant 0 : i32
      %dma_start3A_546 = arith.constant 0 : i32
      %dma_start3A_547 = tpu.memref_slice %arg10[%dma_start3A_545, %dma_start3A_546] : memref<100096x8xf32, #tpu.memory_space<vmem_shared>> -> memref<100096x8xf32, #tpu.memory_space<vmem_shared>>
      tpu.enqueue_indirect_dma source(%dma_start3A_541 : memref<128x8xf32, #tpu.memory_space<vmem>>) target(%dma_start3A_547 : memref<100096x8xf32, #tpu.memory_space<vmem_shared>>) offsets(%dma_start3A_544 : memref<128xi32, #tpu.memory_space<vmem>>) semaphore(%arg12 : memref<!tpu.dma_semaphore, #tpu.memory_space<semaphore_mem>>) {add = true}
      %dma_wait3A_548 = arith.constant 14 : i32
      %dma_wait3A_549 = arith.constant 14 : i32
      %dma_wait3A_550 = arith.constant 0 : i32
      %dma_wait3A_551 = arith.constant 0 : i32
      %dma_wait3A_552 = tpu.memref_slice %arg8[%dma_wait3A_549, %dma_wait3A_550, %dma_wait3A_551] : memref<16x128x8xf32, #tpu.memory_space<vmem>> -> memref<1x128x8xf32, #tpu.memory_space<vmem>>
      %dma_wait3A_553 = tpu.memref_squeeze %dma_wait3A_552 : memref<1x128x8xf32, #tpu.memory_space<vmem>> -> memref<128x8xf32, #tpu.memory_space<vmem>>
      %dma_wait3A_554 = arith.constant 0 : i32
      %dma_wait3A_555 = tpu.memref_slice %arg6[%dma_wait3A_548, %dma_wait3A_554] : memref<16x128xi32, #tpu.memory_space<vmem>> -> memref<1x128xi32, #tpu.memory_space<vmem>>
      %dma_wait3A_556 = tpu.memref_squeeze %dma_wait3A_555 : memref<1x128xi32, #tpu.memory_space<vmem>> -> memref<128xi32, #tpu.memory_space<vmem>>
      %dma_wait3A_557 = arith.constant 0 : i32
      %dma_wait3A_558 = arith.constant 0 : i32
      %dma_wait3A_559 = tpu.memref_slice %arg9[%dma_wait3A_557, %dma_wait3A_558] : memref<100096x8xf32, #tpu.memory_space<vmem_shared>> -> memref<100096x8xf32, #tpu.memory_space<vmem_shared>>
      tpu.wait_indirect_dma semaphore(%arg11 : memref<!tpu.dma_semaphore, #tpu.memory_space<semaphore_mem>>) src(%dma_wait3A_559 : memref<100096x8xf32, #tpu.memory_space<vmem_shared>>) dst(%dma_wait3A_553 : memref<128x8xf32, #tpu.memory_space<vmem>>)
      %dma_start3A_560 = arith.constant 14 : i32
      %dma_start3A_561 = arith.constant 14 : i32
      %dma_start3A_562 = arith.constant 0 : i32
      %dma_start3A_563 = arith.constant 0 : i32
      %dma_start3A_564 = tpu.memref_slice %arg8[%dma_start3A_560, %dma_start3A_562, %dma_start3A_563] : memref<16x128x8xf32, #tpu.memory_space<vmem>> -> memref<1x128x8xf32, #tpu.memory_space<vmem>>
      %dma_start3A_565 = tpu.memref_squeeze %dma_start3A_564 : memref<1x128x8xf32, #tpu.memory_space<vmem>> -> memref<128x8xf32, #tpu.memory_space<vmem>>
      %dma_start3A_566 = arith.constant 0 : i32
      %dma_start3A_567 = tpu.memref_slice %arg7[%dma_start3A_561, %dma_start3A_566] : memref<16x128xi32, #tpu.memory_space<vmem>> -> memref<1x128xi32, #tpu.memory_space<vmem>>
      %dma_start3A_568 = tpu.memref_squeeze %dma_start3A_567 : memref<1x128xi32, #tpu.memory_space<vmem>> -> memref<128xi32, #tpu.memory_space<vmem>>
      %dma_start3A_569 = arith.constant 0 : i32
      %dma_start3A_570 = arith.constant 0 : i32
      %dma_start3A_571 = tpu.memref_slice %arg10[%dma_start3A_569, %dma_start3A_570] : memref<100096x8xf32, #tpu.memory_space<vmem_shared>> -> memref<100096x8xf32, #tpu.memory_space<vmem_shared>>
      tpu.enqueue_indirect_dma source(%dma_start3A_565 : memref<128x8xf32, #tpu.memory_space<vmem>>) target(%dma_start3A_571 : memref<100096x8xf32, #tpu.memory_space<vmem_shared>>) offsets(%dma_start3A_568 : memref<128xi32, #tpu.memory_space<vmem>>) semaphore(%arg12 : memref<!tpu.dma_semaphore, #tpu.memory_space<semaphore_mem>>) {add = true}
      %dma_wait3A_572 = arith.constant 15 : i32
      %dma_wait3A_573 = arith.constant 15 : i32
      %dma_wait3A_574 = arith.constant 0 : i32
      %dma_wait3A_575 = arith.constant 0 : i32
      %dma_wait3A_576 = tpu.memref_slice %arg8[%dma_wait3A_573, %dma_wait3A_574, %dma_wait3A_575] : memref<16x128x8xf32, #tpu.memory_space<vmem>> -> memref<1x128x8xf32, #tpu.memory_space<vmem>>
      %dma_wait3A_577 = tpu.memref_squeeze %dma_wait3A_576 : memref<1x128x8xf32, #tpu.memory_space<vmem>> -> memref<128x8xf32, #tpu.memory_space<vmem>>
      %dma_wait3A_578 = arith.constant 0 : i32
      %dma_wait3A_579 = tpu.memref_slice %arg6[%dma_wait3A_572, %dma_wait3A_578] : memref<16x128xi32, #tpu.memory_space<vmem>> -> memref<1x128xi32, #tpu.memory_space<vmem>>
      %dma_wait3A_580 = tpu.memref_squeeze %dma_wait3A_579 : memref<1x128xi32, #tpu.memory_space<vmem>> -> memref<128xi32, #tpu.memory_space<vmem>>
      %dma_wait3A_581 = arith.constant 0 : i32
      %dma_wait3A_582 = arith.constant 0 : i32
      %dma_wait3A_583 = tpu.memref_slice %arg9[%dma_wait3A_581, %dma_wait3A_582] : memref<100096x8xf32, #tpu.memory_space<vmem_shared>> -> memref<100096x8xf32, #tpu.memory_space<vmem_shared>>
      tpu.wait_indirect_dma semaphore(%arg11 : memref<!tpu.dma_semaphore, #tpu.memory_space<semaphore_mem>>) src(%dma_wait3A_583 : memref<100096x8xf32, #tpu.memory_space<vmem_shared>>) dst(%dma_wait3A_577 : memref<128x8xf32, #tpu.memory_space<vmem>>)
      %dma_start3A_584 = arith.constant 15 : i32
      %dma_start3A_585 = arith.constant 15 : i32
      %dma_start3A_586 = arith.constant 0 : i32
      %dma_start3A_587 = arith.constant 0 : i32
      %dma_start3A_588 = tpu.memref_slice %arg8[%dma_start3A_584, %dma_start3A_586, %dma_start3A_587] : memref<16x128x8xf32, #tpu.memory_space<vmem>> -> memref<1x128x8xf32, #tpu.memory_space<vmem>>
      %dma_start3A_589 = tpu.memref_squeeze %dma_start3A_588 : memref<1x128x8xf32, #tpu.memory_space<vmem>> -> memref<128x8xf32, #tpu.memory_space<vmem>>
      %dma_start3A_590 = arith.constant 0 : i32
      %dma_start3A_591 = tpu.memref_slice %arg7[%dma_start3A_585, %dma_start3A_590] : memref<16x128xi32, #tpu.memory_space<vmem>> -> memref<1x128xi32, #tpu.memory_space<vmem>>
      %dma_start3A_592 = tpu.memref_squeeze %dma_start3A_591 : memref<1x128xi32, #tpu.memory_space<vmem>> -> memref<128xi32, #tpu.memory_space<vmem>>
      %dma_start3A_593 = arith.constant 0 : i32
      %dma_start3A_594 = arith.constant 0 : i32
      %dma_start3A_595 = tpu.memref_slice %arg10[%dma_start3A_593, %dma_start3A_594] : memref<100096x8xf32, #tpu.memory_space<vmem_shared>> -> memref<100096x8xf32, #tpu.memory_space<vmem_shared>>
      tpu.enqueue_indirect_dma source(%dma_start3A_589 : memref<128x8xf32, #tpu.memory_space<vmem>>) target(%dma_start3A_595 : memref<100096x8xf32, #tpu.memory_space<vmem_shared>>) offsets(%dma_start3A_592 : memref<128xi32, #tpu.memory_space<vmem>>) semaphore(%arg12 : memref<!tpu.dma_semaphore, #tpu.memory_space<semaphore_mem>>) {add = true}
      %dma_wait3A_596 = arith.constant 0 : i32
      %dma_wait3A_597 = arith.constant 0 : i32
      %dma_wait3A_598 = arith.constant 0 : i32
      %dma_wait3A_599 = arith.constant 0 : i32
      %dma_wait3A_600 = tpu.memref_slice %arg8[%dma_wait3A_596, %dma_wait3A_598, %dma_wait3A_599] : memref<16x128x8xf32, #tpu.memory_space<vmem>> -> memref<1x128x8xf32, #tpu.memory_space<vmem>>
      %dma_wait3A_601 = tpu.memref_squeeze %dma_wait3A_600 : memref<1x128x8xf32, #tpu.memory_space<vmem>> -> memref<128x8xf32, #tpu.memory_space<vmem>>
      %dma_wait3A_602 = arith.constant 0 : i32
      %dma_wait3A_603 = tpu.memref_slice %arg7[%dma_wait3A_597, %dma_wait3A_602] : memref<16x128xi32, #tpu.memory_space<vmem>> -> memref<1x128xi32, #tpu.memory_space<vmem>>
      %dma_wait3A_604 = tpu.memref_squeeze %dma_wait3A_603 : memref<1x128xi32, #tpu.memory_space<vmem>> -> memref<128xi32, #tpu.memory_space<vmem>>
      %dma_wait3A_605 = arith.constant 0 : i32
      %dma_wait3A_606 = arith.constant 0 : i32
      %dma_wait3A_607 = tpu.memref_slice %arg10[%dma_wait3A_605, %dma_wait3A_606] : memref<100096x8xf32, #tpu.memory_space<vmem_shared>> -> memref<100096x8xf32, #tpu.memory_space<vmem_shared>>
      tpu.wait_indirect_dma semaphore(%arg12 : memref<!tpu.dma_semaphore, #tpu.memory_space<semaphore_mem>>) src(%dma_wait3A_601 : memref<128x8xf32, #tpu.memory_space<vmem>>) dst(%dma_wait3A_607 : memref<100096x8xf32, #tpu.memory_space<vmem_shared>>)
      %dma_wait3A_608 = arith.constant 1 : i32
      %dma_wait3A_609 = arith.constant 1 : i32
      %dma_wait3A_610 = arith.constant 0 : i32
      %dma_wait3A_611 = arith.constant 0 : i32
      %dma_wait3A_612 = tpu.memref_slice %arg8[%dma_wait3A_608, %dma_wait3A_610, %dma_wait3A_611] : memref<16x128x8xf32, #tpu.memory_space<vmem>> -> memref<1x128x8xf32, #tpu.memory_space<vmem>>
      %dma_wait3A_613 = tpu.memref_squeeze %dma_wait3A_612 : memref<1x128x8xf32, #tpu.memory_space<vmem>> -> memref<128x8xf32, #tpu.memory_space<vmem>>
      %dma_wait3A_614 = arith.constant 0 : i32
      %dma_wait3A_615 = tpu.memref_slice %arg7[%dma_wait3A_609, %dma_wait3A_614] : memref<16x128xi32, #tpu.memory_space<vmem>> -> memref<1x128xi32, #tpu.memory_space<vmem>>
      %dma_wait3A_616 = tpu.memref_squeeze %dma_wait3A_615 : memref<1x128xi32, #tpu.memory_space<vmem>> -> memref<128xi32, #tpu.memory_space<vmem>>
      %dma_wait3A_617 = arith.constant 0 : i32
      %dma_wait3A_618 = arith.constant 0 : i32
      %dma_wait3A_619 = tpu.memref_slice %arg10[%dma_wait3A_617, %dma_wait3A_618] : memref<100096x8xf32, #tpu.memory_space<vmem_shared>> -> memref<100096x8xf32, #tpu.memory_space<vmem_shared>>
      tpu.wait_indirect_dma semaphore(%arg12 : memref<!tpu.dma_semaphore, #tpu.memory_space<semaphore_mem>>) src(%dma_wait3A_613 : memref<128x8xf32, #tpu.memory_space<vmem>>) dst(%dma_wait3A_619 : memref<100096x8xf32, #tpu.memory_space<vmem_shared>>)
      %dma_wait3A_620 = arith.constant 2 : i32
      %dma_wait3A_621 = arith.constant 2 : i32
      %dma_wait3A_622 = arith.constant 0 : i32
      %dma_wait3A_623 = arith.constant 0 : i32
      %dma_wait3A_624 = tpu.memref_slice %arg8[%dma_wait3A_620, %dma_wait3A_622, %dma_wait3A_623] : memref<16x128x8xf32, #tpu.memory_space<vmem>> -> memref<1x128x8xf32, #tpu.memory_space<vmem>>
      %dma_wait3A_625 = tpu.memref_squeeze %dma_wait3A_624 : memref<1x128x8xf32, #tpu.memory_space<vmem>> -> memref<128x8xf32, #tpu.memory_space<vmem>>
      %dma_wait3A_626 = arith.constant 0 : i32
      %dma_wait3A_627 = tpu.memref_slice %arg7[%dma_wait3A_621, %dma_wait3A_626] : memref<16x128xi32, #tpu.memory_space<vmem>> -> memref<1x128xi32, #tpu.memory_space<vmem>>
      %dma_wait3A_628 = tpu.memref_squeeze %dma_wait3A_627 : memref<1x128xi32, #tpu.memory_space<vmem>> -> memref<128xi32, #tpu.memory_space<vmem>>
      %dma_wait3A_629 = arith.constant 0 : i32
      %dma_wait3A_630 = arith.constant 0 : i32
      %dma_wait3A_631 = tpu.memref_slice %arg10[%dma_wait3A_629, %dma_wait3A_630] : memref<100096x8xf32, #tpu.memory_space<vmem_shared>> -> memref<100096x8xf32, #tpu.memory_space<vmem_shared>>
      tpu.wait_indirect_dma semaphore(%arg12 : memref<!tpu.dma_semaphore, #tpu.memory_space<semaphore_mem>>) src(%dma_wait3A_625 : memref<128x8xf32, #tpu.memory_space<vmem>>) dst(%dma_wait3A_631 : memref<100096x8xf32, #tpu.memory_space<vmem_shared>>)
      %dma_wait3A_632 = arith.constant 3 : i32
      %dma_wait3A_633 = arith.constant 3 : i32
      %dma_wait3A_634 = arith.constant 0 : i32
      %dma_wait3A_635 = arith.constant 0 : i32
      %dma_wait3A_636 = tpu.memref_slice %arg8[%dma_wait3A_632, %dma_wait3A_634, %dma_wait3A_635] : memref<16x128x8xf32, #tpu.memory_space<vmem>> -> memref<1x128x8xf32, #tpu.memory_space<vmem>>
      %dma_wait3A_637 = tpu.memref_squeeze %dma_wait3A_636 : memref<1x128x8xf32, #tpu.memory_space<vmem>> -> memref<128x8xf32, #tpu.memory_space<vmem>>
      %dma_wait3A_638 = arith.constant 0 : i32
      %dma_wait3A_639 = tpu.memref_slice %arg7[%dma_wait3A_633, %dma_wait3A_638] : memref<16x128xi32, #tpu.memory_space<vmem>> -> memref<1x128xi32, #tpu.memory_space<vmem>>
      %dma_wait3A_640 = tpu.memref_squeeze %dma_wait3A_639 : memref<1x128xi32, #tpu.memory_space<vmem>> -> memref<128xi32, #tpu.memory_space<vmem>>
      %dma_wait3A_641 = arith.constant 0 : i32
      %dma_wait3A_642 = arith.constant 0 : i32
      %dma_wait3A_643 = tpu.memref_slice %arg10[%dma_wait3A_641, %dma_wait3A_642] : memref<100096x8xf32, #tpu.memory_space<vmem_shared>> -> memref<100096x8xf32, #tpu.memory_space<vmem_shared>>
      tpu.wait_indirect_dma semaphore(%arg12 : memref<!tpu.dma_semaphore, #tpu.memory_space<semaphore_mem>>) src(%dma_wait3A_637 : memref<128x8xf32, #tpu.memory_space<vmem>>) dst(%dma_wait3A_643 : memref<100096x8xf32, #tpu.memory_space<vmem_shared>>)
      %dma_wait3A_644 = arith.constant 4 : i32
      %dma_wait3A_645 = arith.constant 4 : i32
      %dma_wait3A_646 = arith.constant 0 : i32
      %dma_wait3A_647 = arith.constant 0 : i32
      %dma_wait3A_648 = tpu.memref_slice %arg8[%dma_wait3A_644, %dma_wait3A_646, %dma_wait3A_647] : memref<16x128x8xf32, #tpu.memory_space<vmem>> -> memref<1x128x8xf32, #tpu.memory_space<vmem>>
      %dma_wait3A_649 = tpu.memref_squeeze %dma_wait3A_648 : memref<1x128x8xf32, #tpu.memory_space<vmem>> -> memref<128x8xf32, #tpu.memory_space<vmem>>
      %dma_wait3A_650 = arith.constant 0 : i32
      %dma_wait3A_651 = tpu.memref_slice %arg7[%dma_wait3A_645, %dma_wait3A_650] : memref<16x128xi32, #tpu.memory_space<vmem>> -> memref<1x128xi32, #tpu.memory_space<vmem>>
      %dma_wait3A_652 = tpu.memref_squeeze %dma_wait3A_651 : memref<1x128xi32, #tpu.memory_space<vmem>> -> memref<128xi32, #tpu.memory_space<vmem>>
      %dma_wait3A_653 = arith.constant 0 : i32
      %dma_wait3A_654 = arith.constant 0 : i32
      %dma_wait3A_655 = tpu.memref_slice %arg10[%dma_wait3A_653, %dma_wait3A_654] : memref<100096x8xf32, #tpu.memory_space<vmem_shared>> -> memref<100096x8xf32, #tpu.memory_space<vmem_shared>>
      tpu.wait_indirect_dma semaphore(%arg12 : memref<!tpu.dma_semaphore, #tpu.memory_space<semaphore_mem>>) src(%dma_wait3A_649 : memref<128x8xf32, #tpu.memory_space<vmem>>) dst(%dma_wait3A_655 : memref<100096x8xf32, #tpu.memory_space<vmem_shared>>)
      %dma_wait3A_656 = arith.constant 5 : i32
      %dma_wait3A_657 = arith.constant 5 : i32
      %dma_wait3A_658 = arith.constant 0 : i32
      %dma_wait3A_659 = arith.constant 0 : i32
      %dma_wait3A_660 = tpu.memref_slice %arg8[%dma_wait3A_656, %dma_wait3A_658, %dma_wait3A_659] : memref<16x128x8xf32, #tpu.memory_space<vmem>> -> memref<1x128x8xf32, #tpu.memory_space<vmem>>
      %dma_wait3A_661 = tpu.memref_squeeze %dma_wait3A_660 : memref<1x128x8xf32, #tpu.memory_space<vmem>> -> memref<128x8xf32, #tpu.memory_space<vmem>>
      %dma_wait3A_662 = arith.constant 0 : i32
      %dma_wait3A_663 = tpu.memref_slice %arg7[%dma_wait3A_657, %dma_wait3A_662] : memref<16x128xi32, #tpu.memory_space<vmem>> -> memref<1x128xi32, #tpu.memory_space<vmem>>
      %dma_wait3A_664 = tpu.memref_squeeze %dma_wait3A_663 : memref<1x128xi32, #tpu.memory_space<vmem>> -> memref<128xi32, #tpu.memory_space<vmem>>
      %dma_wait3A_665 = arith.constant 0 : i32
      %dma_wait3A_666 = arith.constant 0 : i32
      %dma_wait3A_667 = tpu.memref_slice %arg10[%dma_wait3A_665, %dma_wait3A_666] : memref<100096x8xf32, #tpu.memory_space<vmem_shared>> -> memref<100096x8xf32, #tpu.memory_space<vmem_shared>>
      tpu.wait_indirect_dma semaphore(%arg12 : memref<!tpu.dma_semaphore, #tpu.memory_space<semaphore_mem>>) src(%dma_wait3A_661 : memref<128x8xf32, #tpu.memory_space<vmem>>) dst(%dma_wait3A_667 : memref<100096x8xf32, #tpu.memory_space<vmem_shared>>)
      %dma_wait3A_668 = arith.constant 6 : i32
      %dma_wait3A_669 = arith.constant 6 : i32
      %dma_wait3A_670 = arith.constant 0 : i32
      %dma_wait3A_671 = arith.constant 0 : i32
      %dma_wait3A_672 = tpu.memref_slice %arg8[%dma_wait3A_668, %dma_wait3A_670, %dma_wait3A_671] : memref<16x128x8xf32, #tpu.memory_space<vmem>> -> memref<1x128x8xf32, #tpu.memory_space<vmem>>
      %dma_wait3A_673 = tpu.memref_squeeze %dma_wait3A_672 : memref<1x128x8xf32, #tpu.memory_space<vmem>> -> memref<128x8xf32, #tpu.memory_space<vmem>>
      %dma_wait3A_674 = arith.constant 0 : i32
      %dma_wait3A_675 = tpu.memref_slice %arg7[%dma_wait3A_669, %dma_wait3A_674] : memref<16x128xi32, #tpu.memory_space<vmem>> -> memref<1x128xi32, #tpu.memory_space<vmem>>
      %dma_wait3A_676 = tpu.memref_squeeze %dma_wait3A_675 : memref<1x128xi32, #tpu.memory_space<vmem>> -> memref<128xi32, #tpu.memory_space<vmem>>
      %dma_wait3A_677 = arith.constant 0 : i32
      %dma_wait3A_678 = arith.constant 0 : i32
      %dma_wait3A_679 = tpu.memref_slice %arg10[%dma_wait3A_677, %dma_wait3A_678] : memref<100096x8xf32, #tpu.memory_space<vmem_shared>> -> memref<100096x8xf32, #tpu.memory_space<vmem_shared>>
      tpu.wait_indirect_dma semaphore(%arg12 : memref<!tpu.dma_semaphore, #tpu.memory_space<semaphore_mem>>) src(%dma_wait3A_673 : memref<128x8xf32, #tpu.memory_space<vmem>>) dst(%dma_wait3A_679 : memref<100096x8xf32, #tpu.memory_space<vmem_shared>>)
      %dma_wait3A_680 = arith.constant 7 : i32
      %dma_wait3A_681 = arith.constant 7 : i32
      %dma_wait3A_682 = arith.constant 0 : i32
      %dma_wait3A_683 = arith.constant 0 : i32
      %dma_wait3A_684 = tpu.memref_slice %arg8[%dma_wait3A_680, %dma_wait3A_682, %dma_wait3A_683] : memref<16x128x8xf32, #tpu.memory_space<vmem>> -> memref<1x128x8xf32, #tpu.memory_space<vmem>>
      %dma_wait3A_685 = tpu.memref_squeeze %dma_wait3A_684 : memref<1x128x8xf32, #tpu.memory_space<vmem>> -> memref<128x8xf32, #tpu.memory_space<vmem>>
      %dma_wait3A_686 = arith.constant 0 : i32
      %dma_wait3A_687 = tpu.memref_slice %arg7[%dma_wait3A_681, %dma_wait3A_686] : memref<16x128xi32, #tpu.memory_space<vmem>> -> memref<1x128xi32, #tpu.memory_space<vmem>>
      %dma_wait3A_688 = tpu.memref_squeeze %dma_wait3A_687 : memref<1x128xi32, #tpu.memory_space<vmem>> -> memref<128xi32, #tpu.memory_space<vmem>>
      %dma_wait3A_689 = arith.constant 0 : i32
      %dma_wait3A_690 = arith.constant 0 : i32
      %dma_wait3A_691 = tpu.memref_slice %arg10[%dma_wait3A_689, %dma_wait3A_690] : memref<100096x8xf32, #tpu.memory_space<vmem_shared>> -> memref<100096x8xf32, #tpu.memory_space<vmem_shared>>
      tpu.wait_indirect_dma semaphore(%arg12 : memref<!tpu.dma_semaphore, #tpu.memory_space<semaphore_mem>>) src(%dma_wait3A_685 : memref<128x8xf32, #tpu.memory_space<vmem>>) dst(%dma_wait3A_691 : memref<100096x8xf32, #tpu.memory_space<vmem_shared>>)
      %dma_wait3A_692 = arith.constant 8 : i32
      %dma_wait3A_693 = arith.constant 8 : i32
      %dma_wait3A_694 = arith.constant 0 : i32
      %dma_wait3A_695 = arith.constant 0 : i32
      %dma_wait3A_696 = tpu.memref_slice %arg8[%dma_wait3A_692, %dma_wait3A_694, %dma_wait3A_695] : memref<16x128x8xf32, #tpu.memory_space<vmem>> -> memref<1x128x8xf32, #tpu.memory_space<vmem>>
      %dma_wait3A_697 = tpu.memref_squeeze %dma_wait3A_696 : memref<1x128x8xf32, #tpu.memory_space<vmem>> -> memref<128x8xf32, #tpu.memory_space<vmem>>
      %dma_wait3A_698 = arith.constant 0 : i32
      %dma_wait3A_699 = tpu.memref_slice %arg7[%dma_wait3A_693, %dma_wait3A_698] : memref<16x128xi32, #tpu.memory_space<vmem>> -> memref<1x128xi32, #tpu.memory_space<vmem>>
      %dma_wait3A_700 = tpu.memref_squeeze %dma_wait3A_699 : memref<1x128xi32, #tpu.memory_space<vmem>> -> memref<128xi32, #tpu.memory_space<vmem>>
      %dma_wait3A_701 = arith.constant 0 : i32
      %dma_wait3A_702 = arith.constant 0 : i32
      %dma_wait3A_703 = tpu.memref_slice %arg10[%dma_wait3A_701, %dma_wait3A_702] : memref<100096x8xf32, #tpu.memory_space<vmem_shared>> -> memref<100096x8xf32, #tpu.memory_space<vmem_shared>>
      tpu.wait_indirect_dma semaphore(%arg12 : memref<!tpu.dma_semaphore, #tpu.memory_space<semaphore_mem>>) src(%dma_wait3A_697 : memref<128x8xf32, #tpu.memory_space<vmem>>) dst(%dma_wait3A_703 : memref<100096x8xf32, #tpu.memory_space<vmem_shared>>)
      %dma_wait3A_704 = arith.constant 9 : i32
      %dma_wait3A_705 = arith.constant 9 : i32
      %dma_wait3A_706 = arith.constant 0 : i32
      %dma_wait3A_707 = arith.constant 0 : i32
      %dma_wait3A_708 = tpu.memref_slice %arg8[%dma_wait3A_704, %dma_wait3A_706, %dma_wait3A_707] : memref<16x128x8xf32, #tpu.memory_space<vmem>> -> memref<1x128x8xf32, #tpu.memory_space<vmem>>
      %dma_wait3A_709 = tpu.memref_squeeze %dma_wait3A_708 : memref<1x128x8xf32, #tpu.memory_space<vmem>> -> memref<128x8xf32, #tpu.memory_space<vmem>>
      %dma_wait3A_710 = arith.constant 0 : i32
      %dma_wait3A_711 = tpu.memref_slice %arg7[%dma_wait3A_705, %dma_wait3A_710] : memref<16x128xi32, #tpu.memory_space<vmem>> -> memref<1x128xi32, #tpu.memory_space<vmem>>
      %dma_wait3A_712 = tpu.memref_squeeze %dma_wait3A_711 : memref<1x128xi32, #tpu.memory_space<vmem>> -> memref<128xi32, #tpu.memory_space<vmem>>
      %dma_wait3A_713 = arith.constant 0 : i32
      %dma_wait3A_714 = arith.constant 0 : i32
      %dma_wait3A_715 = tpu.memref_slice %arg10[%dma_wait3A_713, %dma_wait3A_714] : memref<100096x8xf32, #tpu.memory_space<vmem_shared>> -> memref<100096x8xf32, #tpu.memory_space<vmem_shared>>
      tpu.wait_indirect_dma semaphore(%arg12 : memref<!tpu.dma_semaphore, #tpu.memory_space<semaphore_mem>>) src(%dma_wait3A_709 : memref<128x8xf32, #tpu.memory_space<vmem>>) dst(%dma_wait3A_715 : memref<100096x8xf32, #tpu.memory_space<vmem_shared>>)
      %dma_wait3A_716 = arith.constant 10 : i32
      %dma_wait3A_717 = arith.constant 10 : i32
      %dma_wait3A_718 = arith.constant 0 : i32
      %dma_wait3A_719 = arith.constant 0 : i32
      %dma_wait3A_720 = tpu.memref_slice %arg8[%dma_wait3A_716, %dma_wait3A_718, %dma_wait3A_719] : memref<16x128x8xf32, #tpu.memory_space<vmem>> -> memref<1x128x8xf32, #tpu.memory_space<vmem>>
      %dma_wait3A_721 = tpu.memref_squeeze %dma_wait3A_720 : memref<1x128x8xf32, #tpu.memory_space<vmem>> -> memref<128x8xf32, #tpu.memory_space<vmem>>
      %dma_wait3A_722 = arith.constant 0 : i32
      %dma_wait3A_723 = tpu.memref_slice %arg7[%dma_wait3A_717, %dma_wait3A_722] : memref<16x128xi32, #tpu.memory_space<vmem>> -> memref<1x128xi32, #tpu.memory_space<vmem>>
      %dma_wait3A_724 = tpu.memref_squeeze %dma_wait3A_723 : memref<1x128xi32, #tpu.memory_space<vmem>> -> memref<128xi32, #tpu.memory_space<vmem>>
      %dma_wait3A_725 = arith.constant 0 : i32
      %dma_wait3A_726 = arith.constant 0 : i32
      %dma_wait3A_727 = tpu.memref_slice %arg10[%dma_wait3A_725, %dma_wait3A_726] : memref<100096x8xf32, #tpu.memory_space<vmem_shared>> -> memref<100096x8xf32, #tpu.memory_space<vmem_shared>>
      tpu.wait_indirect_dma semaphore(%arg12 : memref<!tpu.dma_semaphore, #tpu.memory_space<semaphore_mem>>) src(%dma_wait3A_721 : memref<128x8xf32, #tpu.memory_space<vmem>>) dst(%dma_wait3A_727 : memref<100096x8xf32, #tpu.memory_space<vmem_shared>>)
      %dma_wait3A_728 = arith.constant 11 : i32
      %dma_wait3A_729 = arith.constant 11 : i32
      %dma_wait3A_730 = arith.constant 0 : i32
      %dma_wait3A_731 = arith.constant 0 : i32
      %dma_wait3A_732 = tpu.memref_slice %arg8[%dma_wait3A_728, %dma_wait3A_730, %dma_wait3A_731] : memref<16x128x8xf32, #tpu.memory_space<vmem>> -> memref<1x128x8xf32, #tpu.memory_space<vmem>>
      %dma_wait3A_733 = tpu.memref_squeeze %dma_wait3A_732 : memref<1x128x8xf32, #tpu.memory_space<vmem>> -> memref<128x8xf32, #tpu.memory_space<vmem>>
      %dma_wait3A_734 = arith.constant 0 : i32
      %dma_wait3A_735 = tpu.memref_slice %arg7[%dma_wait3A_729, %dma_wait3A_734] : memref<16x128xi32, #tpu.memory_space<vmem>> -> memref<1x128xi32, #tpu.memory_space<vmem>>
      %dma_wait3A_736 = tpu.memref_squeeze %dma_wait3A_735 : memref<1x128xi32, #tpu.memory_space<vmem>> -> memref<128xi32, #tpu.memory_space<vmem>>
      %dma_wait3A_737 = arith.constant 0 : i32
      %dma_wait3A_738 = arith.constant 0 : i32
      %dma_wait3A_739 = tpu.memref_slice %arg10[%dma_wait3A_737, %dma_wait3A_738] : memref<100096x8xf32, #tpu.memory_space<vmem_shared>> -> memref<100096x8xf32, #tpu.memory_space<vmem_shared>>
      tpu.wait_indirect_dma semaphore(%arg12 : memref<!tpu.dma_semaphore, #tpu.memory_space<semaphore_mem>>) src(%dma_wait3A_733 : memref<128x8xf32, #tpu.memory_space<vmem>>) dst(%dma_wait3A_739 : memref<100096x8xf32, #tpu.memory_space<vmem_shared>>)
      %dma_wait3A_740 = arith.constant 12 : i32
      %dma_wait3A_741 = arith.constant 12 : i32
      %dma_wait3A_742 = arith.constant 0 : i32
      %dma_wait3A_743 = arith.constant 0 : i32
      %dma_wait3A_744 = tpu.memref_slice %arg8[%dma_wait3A_740, %dma_wait3A_742, %dma_wait3A_743] : memref<16x128x8xf32, #tpu.memory_space<vmem>> -> memref<1x128x8xf32, #tpu.memory_space<vmem>>
      %dma_wait3A_745 = tpu.memref_squeeze %dma_wait3A_744 : memref<1x128x8xf32, #tpu.memory_space<vmem>> -> memref<128x8xf32, #tpu.memory_space<vmem>>
      %dma_wait3A_746 = arith.constant 0 : i32
      %dma_wait3A_747 = tpu.memref_slice %arg7[%dma_wait3A_741, %dma_wait3A_746] : memref<16x128xi32, #tpu.memory_space<vmem>> -> memref<1x128xi32, #tpu.memory_space<vmem>>
      %dma_wait3A_748 = tpu.memref_squeeze %dma_wait3A_747 : memref<1x128xi32, #tpu.memory_space<vmem>> -> memref<128xi32, #tpu.memory_space<vmem>>
      %dma_wait3A_749 = arith.constant 0 : i32
      %dma_wait3A_750 = arith.constant 0 : i32
      %dma_wait3A_751 = tpu.memref_slice %arg10[%dma_wait3A_749, %dma_wait3A_750] : memref<100096x8xf32, #tpu.memory_space<vmem_shared>> -> memref<100096x8xf32, #tpu.memory_space<vmem_shared>>
      tpu.wait_indirect_dma semaphore(%arg12 : memref<!tpu.dma_semaphore, #tpu.memory_space<semaphore_mem>>) src(%dma_wait3A_745 : memref<128x8xf32, #tpu.memory_space<vmem>>) dst(%dma_wait3A_751 : memref<100096x8xf32, #tpu.memory_space<vmem_shared>>)
      %dma_wait3A_752 = arith.constant 13 : i32
      %dma_wait3A_753 = arith.constant 13 : i32
      %dma_wait3A_754 = arith.constant 0 : i32
      %dma_wait3A_755 = arith.constant 0 : i32
      %dma_wait3A_756 = tpu.memref_slice %arg8[%dma_wait3A_752, %dma_wait3A_754, %dma_wait3A_755] : memref<16x128x8xf32, #tpu.memory_space<vmem>> -> memref<1x128x8xf32, #tpu.memory_space<vmem>>
      %dma_wait3A_757 = tpu.memref_squeeze %dma_wait3A_756 : memref<1x128x8xf32, #tpu.memory_space<vmem>> -> memref<128x8xf32, #tpu.memory_space<vmem>>
      %dma_wait3A_758 = arith.constant 0 : i32
      %dma_wait3A_759 = tpu.memref_slice %arg7[%dma_wait3A_753, %dma_wait3A_758] : memref<16x128xi32, #tpu.memory_space<vmem>> -> memref<1x128xi32, #tpu.memory_space<vmem>>
      %dma_wait3A_760 = tpu.memref_squeeze %dma_wait3A_759 : memref<1x128xi32, #tpu.memory_space<vmem>> -> memref<128xi32, #tpu.memory_space<vmem>>
      %dma_wait3A_761 = arith.constant 0 : i32
      %dma_wait3A_762 = arith.constant 0 : i32
      %dma_wait3A_763 = tpu.memref_slice %arg10[%dma_wait3A_761, %dma_wait3A_762] : memref<100096x8xf32, #tpu.memory_space<vmem_shared>> -> memref<100096x8xf32, #tpu.memory_space<vmem_shared>>
      tpu.wait_indirect_dma semaphore(%arg12 : memref<!tpu.dma_semaphore, #tpu.memory_space<semaphore_mem>>) src(%dma_wait3A_757 : memref<128x8xf32, #tpu.memory_space<vmem>>) dst(%dma_wait3A_763 : memref<100096x8xf32, #tpu.memory_space<vmem_shared>>)
      %dma_wait3A_764 = arith.constant 14 : i32
      %dma_wait3A_765 = arith.constant 14 : i32
      %dma_wait3A_766 = arith.constant 0 : i32
      %dma_wait3A_767 = arith.constant 0 : i32
      %dma_wait3A_768 = tpu.memref_slice %arg8[%dma_wait3A_764, %dma_wait3A_766, %dma_wait3A_767] : memref<16x128x8xf32, #tpu.memory_space<vmem>> -> memref<1x128x8xf32, #tpu.memory_space<vmem>>
      %dma_wait3A_769 = tpu.memref_squeeze %dma_wait3A_768 : memref<1x128x8xf32, #tpu.memory_space<vmem>> -> memref<128x8xf32, #tpu.memory_space<vmem>>
      %dma_wait3A_770 = arith.constant 0 : i32
      %dma_wait3A_771 = tpu.memref_slice %arg7[%dma_wait3A_765, %dma_wait3A_770] : memref<16x128xi32, #tpu.memory_space<vmem>> -> memref<1x128xi32, #tpu.memory_space<vmem>>
      %dma_wait3A_772 = tpu.memref_squeeze %dma_wait3A_771 : memref<1x128xi32, #tpu.memory_space<vmem>> -> memref<128xi32, #tpu.memory_space<vmem>>
      %dma_wait3A_773 = arith.constant 0 : i32
      %dma_wait3A_774 = arith.constant 0 : i32
      %dma_wait3A_775 = tpu.memref_slice %arg10[%dma_wait3A_773, %dma_wait3A_774] : memref<100096x8xf32, #tpu.memory_space<vmem_shared>> -> memref<100096x8xf32, #tpu.memory_space<vmem_shared>>
      tpu.wait_indirect_dma semaphore(%arg12 : memref<!tpu.dma_semaphore, #tpu.memory_space<semaphore_mem>>) src(%dma_wait3A_769 : memref<128x8xf32, #tpu.memory_space<vmem>>) dst(%dma_wait3A_775 : memref<100096x8xf32, #tpu.memory_space<vmem_shared>>)
      %dma_wait3A_776 = arith.constant 15 : i32
      %dma_wait3A_777 = arith.constant 15 : i32
      %dma_wait3A_778 = arith.constant 0 : i32
      %dma_wait3A_779 = arith.constant 0 : i32
      %dma_wait3A_780 = tpu.memref_slice %arg8[%dma_wait3A_776, %dma_wait3A_778, %dma_wait3A_779] : memref<16x128x8xf32, #tpu.memory_space<vmem>> -> memref<1x128x8xf32, #tpu.memory_space<vmem>>
      %dma_wait3A_781 = tpu.memref_squeeze %dma_wait3A_780 : memref<1x128x8xf32, #tpu.memory_space<vmem>> -> memref<128x8xf32, #tpu.memory_space<vmem>>
      %dma_wait3A_782 = arith.constant 0 : i32
      %dma_wait3A_783 = tpu.memref_slice %arg7[%dma_wait3A_777, %dma_wait3A_782] : memref<16x128xi32, #tpu.memory_space<vmem>> -> memref<1x128xi32, #tpu.memory_space<vmem>>
      %dma_wait3A_784 = tpu.memref_squeeze %dma_wait3A_783 : memref<1x128xi32, #tpu.memory_space<vmem>> -> memref<128xi32, #tpu.memory_space<vmem>>
      %dma_wait3A_785 = arith.constant 0 : i32
      %dma_wait3A_786 = arith.constant 0 : i32
      %dma_wait3A_787 = tpu.memref_slice %arg10[%dma_wait3A_785, %dma_wait3A_786] : memref<100096x8xf32, #tpu.memory_space<vmem_shared>> -> memref<100096x8xf32, #tpu.memory_space<vmem_shared>>
      tpu.wait_indirect_dma semaphore(%arg12 : memref<!tpu.dma_semaphore, #tpu.memory_space<semaphore_mem>>) src(%dma_wait3A_781 : memref<128x8xf32, #tpu.memory_space<vmem>>) dst(%dma_wait3A_787 : memref<100096x8xf32, #tpu.memory_space<vmem_shared>>)
    }
    %barrier3A_16 = arith.constant 0 : index
    tpu.barrier barrier_id(%barrier3A_16)
    "tpu.region"() ({
      %run_scoped3A = tpu.sem_alloc : memref<!tpu.dma_semaphore, #tpu.memory_space<semaphore_mem>>
      %dma_start3A = arith.constant 0 : i32
      %dma_start3A_17 = tpu.memref_slice %arg5[%arg0, %mul3A_2, %dma_start3A] : memref<2x100096x8xf32, #tpu.memory_space<hbm>> -> memref<1x6256x8xf32, #tpu.memory_space<hbm>>
      %dma_start3A_18 = tpu.memref_squeeze %dma_start3A_17 : memref<1x6256x8xf32, #tpu.memory_space<hbm>> -> memref<6256x8xf32, #tpu.memory_space<hbm>>
      %dma_start3A_19 = arith.constant 0 : i32
      %dma_start3A_20 = tpu.memref_slice %arg10[%mul3A_2, %dma_start3A_19] : memref<100096x8xf32, #tpu.memory_space<vmem_shared>> -> memref<6256x8xf32, #tpu.memory_space<vmem_shared>>
      tpu.enqueue_dma source(%dma_start3A_20 : memref<6256x8xf32, #tpu.memory_space<vmem_shared>>) target(%dma_start3A_18 : memref<6256x8xf32, #tpu.memory_space<hbm>>) target_semaphore(%run_scoped3A : memref<!tpu.dma_semaphore, #tpu.memory_space<semaphore_mem>>)
      %dma_wait3A = arith.constant 0 : i32
      %dma_wait3A_21 = tpu.memref_slice %arg5[%arg0, %mul3A_2, %dma_wait3A] : memref<2x100096x8xf32, #tpu.memory_space<hbm>> -> memref<1x6256x8xf32, #tpu.memory_space<hbm>>
      %dma_wait3A_22 = tpu.memref_squeeze %dma_wait3A_21 : memref<1x6256x8xf32, #tpu.memory_space<hbm>> -> memref<6256x8xf32, #tpu.memory_space<hbm>>
      %dma_wait3A_23 = arith.constant 0 : i32
      %dma_wait3A_24 = tpu.memref_slice %arg10[%mul3A_2, %dma_wait3A_23] : memref<100096x8xf32, #tpu.memory_space<vmem_shared>> -> memref<6256x8xf32, #tpu.memory_space<vmem_shared>>
      tpu.wait_dma2 semaphore(%run_scoped3A : memref<!tpu.dma_semaphore, #tpu.memory_space<semaphore_mem>>) src(%dma_wait3A_24 : memref<6256x8xf32, #tpu.memory_space<vmem_shared>>) dst(%dma_wait3A_22 : memref<6256x8xf32, #tpu.memory_space<hbm>>)
      tpu.yield
    }) : () -> ()
    return
  }
}

module attributes {stable_mosaic.version = 14 : i64} {
  func.func @_widen_body(%arg0: i32, %arg1: memref<6256x4xf32, #tpu.memory_space<vmem>>, %arg2: memref<6256x8xf32, #tpu.memory_space<vmem>>) attributes {dimension_semantics = [#tpu.dimension_semantics<arbitrary>], iteration_bounds = array<i64: 16>, scalar_prefetch = 0 : i64, scratch_operands = 0 : i64, tpu.core_type = #tpu.core_type<tc>, window_params = [{transform_indices = @transform_0, window_bounds = array<i64: 6256, 4>}, {transform_indices = @transform_1, window_bounds = array<i64: 6256, 8>}]} {
    %get3A = arith.constant 0 : index
    %get3A_0 = arith.constant 0 : index
    %get3A_1 = vector.load %arg1[%get3A, %get3A_0] : memref<6256x4xf32, #tpu.memory_space<vmem>>, vector<6256x4xf32>
    %broadcast_in_dim3A = arith.constant 0.000000e+00 : f32
    %broadcast_in_dim3A_2 = vector.broadcast %broadcast_in_dim3A : f32 to vector<6256x4xf32>
    %concatenate3A = tpu.concatenate %get3A_1, %broadcast_in_dim3A_2 in 1 : vector<6256x4xf32>, vector<6256x4xf32> -> vector<6256x8xf32>
    %swap3A = arith.constant 0 : index
    %swap3A_3 = arith.constant 0 : index
    %swap3A_4 = vector.load %arg2[%swap3A, %swap3A_3] : memref<6256x8xf32, #tpu.memory_space<vmem>>, vector<6256x8xf32>
    tpu.vector_store %arg2[%swap3A, %swap3A_3], %concatenate3A {strides = array<i32>} : memref<6256x8xf32, #tpu.memory_space<vmem>>, vector<6256x8xf32>,
    return
  }
  func.func @transform_0(%arg0: i32) -> (i32, i32) {
    %c0_i32 = arith.constant 0 : i32
    %c0_i32_0 = arith.constant 0 : i32
    return %arg0, %c0_i32 : i32, i32
  }
  func.func @transform_1(%arg0: i32) -> (i32, i32) {
    %c0_i32 = arith.constant 0 : i32
    %c0_i32_0 = arith.constant 0 : i32
    return %arg0, %c0_i32 : i32, i32
  }
}

module attributes {stable_mosaic.version = 14 : i64} {
  func.func @_pool_body(%arg0: i32, %arg1: memref<1x1x2000xi32, #tpu.memory_space<vmem>>, %arg2: memref<2000x4xf32, #tpu.memory_space<vmem>>, %arg3: memref<2000x124xf32, #tpu.memory_space<vmem>>, %arg4: memref<1x2000x8xf32, #tpu.memory_space<vmem>>, %arg5: memref<1x2000x8xf32, #tpu.memory_space<vmem>>, %arg6: memref<512x128xf32, #tpu.memory_space<vmem>>, %arg7: memref<512x8xf32, #tpu.memory_space<vmem>>) attributes {dimension_semantics = [#tpu.dimension_semantics<arbitrary>], iteration_bounds = array<i64: 50>, scalar_prefetch = 0 : i64, scratch_operands = 0 : i64, tpu.core_type = #tpu.core_type<tc>, window_params = [{transform_indices = @transform_0, window_bounds = array<i64: 1, 1, 2000>}, {transform_indices = @transform_1, window_bounds = array<i64: 2000, 4>}, {transform_indices = @transform_2, window_bounds = array<i64: 2000, 124>}, {transform_indices = @transform_3, window_bounds = array<i64: 1, 2000, 8>}, {transform_indices = @transform_4, window_bounds = array<i64: 1, 2000, 8>}, {pipeline_mode = #tpu.pipeline_mode<synchronous>, transform_indices = @transform_5, window_bounds = array<i64: 512, 128>}, {pipeline_mode = #tpu.pipeline_mode<synchronous>, transform_indices = @transform_6, window_bounds = array<i64: 512, 8>}]} {
    %get3A = arith.constant 0 : index
    %get3A_0 = arith.constant 0 : index
    %get3A_1 = arith.constant 0 : index
    %get3A_2 = vector.load %arg1[%get3A, %get3A_0, %get3A_1] : memref<1x1x2000xi32, #tpu.memory_space<vmem>>, vector<1x1x2000xi32>
    %get3A_3 = vector.shape_cast %get3A_2 : vector<1x1x2000xi32> to vector<2000xi32>
    %iota3A = tpu.iota {dimensions = array<i32: 0>} : vector<512x2000xi32>
    %broadcast_in_dim3A = vector.shape_cast %get3A_3 : vector<2000xi32> to vector<1x2000xi32>
    %eq3A = vector.broadcast %broadcast_in_dim3A : vector<1x2000xi32> to vector<512x2000xi32>
    %eq3A_4 = arith.cmpi eq, %iota3A, %eq3A : vector<512x2000xi32>
    %jit3A = arith.constant 1.000000e+00 : f32
    %jit3A_5 = arith.constant 0.000000e+00 : f32
    %broadcast_in_dim3A_6 = vector.broadcast %jit3A : f32 to vector<512x2000xf32>
    %broadcast_in_dim3A_7 = vector.broadcast %jit3A_5 : f32 to vector<512x2000xf32>
    %select_n3A = arith.select %eq3A_4, %broadcast_in_dim3A_6, %broadcast_in_dim3A_7 : vector<512x2000xi1>, vector<512x2000xf32>
    %convert_element_type3A = arith.truncf %select_n3A : vector<512x2000xf32> to vector<512x2000xbf16>
    %get3A_8 = arith.constant 0 : index
    %get3A_9 = arith.constant 0 : index
    %get3A_10 = vector.load %arg2[%get3A_8, %get3A_9] : memref<2000x4xf32, #tpu.memory_space<vmem>>, vector<2000x4xf32>
    %convert_element_type3A_11 = arith.truncf %get3A_10 : vector<2000x4xf32> to vector<2000x4xbf16>
    %get3A_12 = arith.constant 0 : index
    %get3A_13 = arith.constant 0 : index
    %get3A_14 = vector.load %arg3[%get3A_12, %get3A_13] : memref<2000x124xf32, #tpu.memory_space<vmem>>, vector<2000x124xf32>
    %convert_element_type3A_15 = arith.truncf %get3A_14 : vector<2000x124xf32> to vector<2000x124xbf16>
    %concatenate3A = tpu.concatenate %convert_element_type3A_11, %convert_element_type3A_15 in 1 : vector<2000x4xbf16>, vector<2000x124xbf16> -> vector<2000x128xbf16>
    %dot_general3A = arith.constant dense<0.000000e+00> : vector<512x128xf32>
    %dot_general3A_16 = tpu.matmul %convert_element_type3A, %concatenate3A, %dot_general3A {dimension_numbers = #tpu.dot_dimension_numbers<[1], [0], [0], [1], [0, 0, 1, 1], [], []>, transpose_lhs_hint = false} : vector<512x2000xbf16>, vector<2000x128xbf16>, vector<512x128xf32> -> vector<512x128xf32>
    %get3A_17 = arith.constant 0 : index
    %get3A_18 = arith.constant 0 : index
    %get3A_19 = arith.constant 0 : index
    %get3A_20 = vector.load %arg4[%get3A_17, %get3A_18, %get3A_19] : memref<1x2000x8xf32, #tpu.memory_space<vmem>>, vector<1x2000x8xf32>
    %get3A_21 = vector.shape_cast %get3A_20 : vector<1x2000x8xf32> to vector<2000x8xf32>
    %get3A_22 = arith.constant 0 : index
    %get3A_23 = arith.constant 0 : index
    %get3A_24 = arith.constant 0 : index
    %get3A_25 = vector.load %arg5[%get3A_22, %get3A_23, %get3A_24] : memref<1x2000x8xf32, #tpu.memory_space<vmem>>, vector<1x2000x8xf32>
    %get3A_26 = vector.shape_cast %get3A_25 : vector<1x2000x8xf32> to vector<2000x8xf32>
    %add3A = arith.addf %get3A_21, %get3A_26 : vector<2000x8xf32>
    %slice3A = vector.extract_strided_slice %add3A {offsets = [0, 0], sizes = [2000, 4], strides = [1, 1]} : vector<2000x8xf32> to vector<2000x4xf32>
    %dot_general3A_27 = arith.constant dense<0.000000e+00> : vector<512x4xf32>
    %dot_general3A_28 = tpu.matmul %select_n3A, %slice3A, %dot_general3A_27 {dimension_numbers = #tpu.dot_dimension_numbers<[1], [0], [0], [1], [0, 0, 1, 1], [], []>, transpose_lhs_hint = false} : vector<512x2000xf32>, vector<2000x4xf32>, vector<512x4xf32> -> vector<512x4xf32>
    %reduce_sum3A = arith.constant dense<0.000000e+00> : vector<512xf32>
    %reduce_sum3A_29 = vector.multi_reduction <add>, %select_n3A, %reduce_sum3A [1] : vector<512x2000xf32> to vector<512xf32>
    %broadcast_in_dim3A_30 = vector.shape_cast %reduce_sum3A_29 : vector<512xf32> to vector<512x1xf32>
    %broadcast_in_dim3A_31 = arith.constant 0.000000e+00 : f32
    %broadcast_in_dim3A_32 = vector.broadcast %broadcast_in_dim3A_31 : f32 to vector<512x3xf32>
    %concatenate3A_33 = tpu.concatenate %dot_general3A_28, %broadcast_in_dim3A_30, %broadcast_in_dim3A_32 in 1 : vector<512x4xf32>, vector<512x1xf32>, vector<512x3xf32> -> vector<512x8xf32>
    %eq3A_34 = arith.constant 0 : i32
    %eq3A_35 = arith.cmpi eq, %arg0, %eq3A_34 : i32
    %convert_element_type3A_36 = arith.extui %eq3A_35 : i1 to i32
    %cond3A = arith.constant 0 : i32
    %cond3A_37 = arith.cmpi ne, %convert_element_type3A_36, %cond3A : i32
    scf.if %cond3A_37 {
      %broadcast_in_dim3A_51 = arith.constant 0.000000e+00 : f32
      %broadcast_in_dim3A_52 = vector.broadcast %broadcast_in_dim3A_51 : f32 to vector<512x128xf32>
      %swap3A_53 = arith.constant 0 : index
      %swap3A_54 = arith.constant 0 : index
      %swap3A_55 = vector.load %arg6[%swap3A_53, %swap3A_54] : memref<512x128xf32, #tpu.memory_space<vmem>>, vector<512x128xf32>
      tpu.vector_store %arg6[%swap3A_53, %swap3A_54], %broadcast_in_dim3A_52 {strides = array<i32>} : memref<512x128xf32, #tpu.memory_space<vmem>>, vector<512x128xf32>,
      %broadcast_in_dim3A_56 = arith.constant 0.000000e+00 : f32
      %broadcast_in_dim3A_57 = vector.broadcast %broadcast_in_dim3A_56 : f32 to vector<512x8xf32>
      %swap3A_58 = arith.constant 0 : index
      %swap3A_59 = arith.constant 0 : index
      %swap3A_60 = vector.load %arg7[%swap3A_58, %swap3A_59] : memref<512x8xf32, #tpu.memory_space<vmem>>, vector<512x8xf32>
      tpu.vector_store %arg7[%swap3A_58, %swap3A_59], %broadcast_in_dim3A_57 {strides = array<i32>} : memref<512x8xf32, #tpu.memory_space<vmem>>, vector<512x8xf32>,
    } else {
    }
    %get3A_38 = arith.constant 0 : index
    %get3A_39 = arith.constant 0 : index
    %get3A_40 = vector.load %arg6[%get3A_38, %get3A_39] : memref<512x128xf32, #tpu.memory_space<vmem>>, vector<512x128xf32>
    %add3A_41 = arith.addf %get3A_40, %dot_general3A_16 : vector<512x128xf32>
    %swap3A = arith.constant 0 : index
    %swap3A_42 = arith.constant 0 : index
    %swap3A_43 = vector.load %arg6[%swap3A, %swap3A_42] : memref<512x128xf32, #tpu.memory_space<vmem>>, vector<512x128xf32>
    tpu.vector_store %arg6[%swap3A, %swap3A_42], %add3A_41 {strides = array<i32>} : memref<512x128xf32, #tpu.memory_space<vmem>>, vector<512x128xf32>,
    %get3A_44 = arith.constant 0 : index
    %get3A_45 = arith.constant 0 : index
    %get3A_46 = vector.load %arg7[%get3A_44, %get3A_45] : memref<512x8xf32, #tpu.memory_space<vmem>>, vector<512x8xf32>
    %add3A_47 = arith.addf %get3A_46, %concatenate3A_33 : vector<512x8xf32>
    %swap3A_48 = arith.constant 0 : index
    %swap3A_49 = arith.constant 0 : index
    %swap3A_50 = vector.load %arg7[%swap3A_48, %swap3A_49] : memref<512x8xf32, #tpu.memory_space<vmem>>, vector<512x8xf32>
    tpu.vector_store %arg7[%swap3A_48, %swap3A_49], %add3A_47 {strides = array<i32>} : memref<512x8xf32, #tpu.memory_space<vmem>>, vector<512x8xf32>,
    return
  }
  func.func @transform_0(%arg0: i32) -> (i32, i32, i32) {
    %c0_i32 = arith.constant 0 : i32
    %c0_i32_0 = arith.constant 0 : i32
    %c0_i32_1 = arith.constant 0 : i32
    return %arg0, %c0_i32, %c0_i32_0 : i32, i32, i32
  }
  func.func @transform_1(%arg0: i32) -> (i32, i32) {
    %c0_i32 = arith.constant 0 : i32
    %c0_i32_0 = arith.constant 0 : i32
    return %arg0, %c0_i32 : i32, i32
  }
  func.func @transform_2(%arg0: i32) -> (i32, i32) {
    %c0_i32 = arith.constant 0 : i32
    %c0_i32_0 = arith.constant 0 : i32
    return %arg0, %c0_i32 : i32, i32
  }
  func.func @transform_3(%arg0: i32) -> (i32, i32, i32) {
    %c0_i32 = arith.constant 0 : i32
    %c0_i32_0 = arith.constant 0 : i32
    %c0_i32_1 = arith.constant 0 : i32
    return %c0_i32, %arg0, %c0_i32_0 : i32, i32, i32
  }
  func.func @transform_4(%arg0: i32) -> (i32, i32, i32) {
    %c1_i32 = arith.constant 1 : i32
    %c0_i32 = arith.constant 0 : i32
    %c0_i32_0 = arith.constant 0 : i32
    return %c1_i32, %arg0, %c0_i32 : i32, i32, i32
  }
  func.func @transform_5(%arg0: i32) -> (i32, i32) {
    %c0_i32 = arith.constant 0 : i32
    %c0_i32_0 = arith.constant 0 : i32
    %c0_i32_1 = arith.constant 0 : i32
    return %c0_i32, %c0_i32_0 : i32, i32
  }
  func.func @transform_6(%arg0: i32) -> (i32, i32) {
    %c0_i32 = arith.constant 0 : i32
    %c0_i32_0 = arith.constant 0 : i32
    %c0_i32_1 = arith.constant 0 : i32
    return %c0_i32, %c0_i32_0 : i32, i32
  }
}

module attributes {stable_mosaic.version = 14 : i64} {
  func.func @_finish_body(%arg0: memref<512x128xf32, #tpu.memory_space<vmem>>, %arg1: memref<512x8xf32, #tpu.memory_space<vmem>>, %arg2: memref<4x4xf32, #tpu.memory_space<vmem>>, %arg3: memref<4x4xf32, #tpu.memory_space<vmem>>, %arg4: memref<1x4xf32, #tpu.memory_space<vmem>>, %arg5: memref<256x128xf32, #tpu.memory_space<vmem>>, %arg6: memref<1x256xf32, #tpu.memory_space<vmem>>, %arg7: memref<8x256xf32, #tpu.memory_space<vmem>>, %arg8: memref<1x8xf32, #tpu.memory_space<vmem>>, %arg9: memref<512x8xf32, #tpu.memory_space<vmem>>) attributes {dimension_semantics = [], scalar_prefetch = 0 : i64, scratch_operands = 0 : i64, tpu.core_type = #tpu.core_type<tc>} {
    %get3A = arith.constant 0 : index
    %get3A_0 = arith.constant 0 : index
    %get3A_1 = vector.load %arg0[%get3A, %get3A_0] : memref<512x128xf32, #tpu.memory_space<vmem>>, vector<512x128xf32>
    %get3A_2 = arith.constant 0 : index
    %get3A_3 = arith.constant 0 : index
    %get3A_4 = vector.load %arg1[%get3A_2, %get3A_3] : memref<512x8xf32, #tpu.memory_space<vmem>>, vector<512x8xf32>
    %get3A_5 = arith.constant 0 : index
    %get3A_6 = arith.constant 0 : index
    %get3A_7 = vector.load %arg3[%get3A_5, %get3A_6] : memref<4x4xf32, #tpu.memory_space<vmem>>, vector<4x4xf32>
    %get3A_8 = arith.constant 0 : index
    %get3A_9 = arith.constant 0 : index
    %get3A_10 = vector.load %arg2[%get3A_8, %get3A_9] : memref<4x4xf32, #tpu.memory_space<vmem>>, vector<4x4xf32>
    %dot_general3A = arith.constant dense<0.000000e+00> : vector<4x4xf32>
    %dot_general3A_11 = tpu.matmul %get3A_7, %get3A_10, %dot_general3A {dimension_numbers = #tpu.dot_dimension_numbers<[1], [0], [0], [1], [0, 0, 1, 1], [], []>, transpose_lhs_hint = false} : vector<4x4xf32>, vector<4x4xf32>, vector<4x4xf32> -> vector<4x4xf32>
    %iota3A = tpu.iota {dimensions = array<i32: 0>} : vector<128x4xi32>
    %iota3A_12 = tpu.iota {dimensions = array<i32: 1>} : vector<128x4xi32>
    %eq3A = arith.cmpi eq, %iota3A, %iota3A_12 : vector<128x4xi32>
    %jit3A = arith.constant 1.000000e+00 : f32
    %jit3A_13 = arith.constant 0.000000e+00 : f32
    %broadcast_in_dim3A = vector.broadcast %jit3A : f32 to vector<128x4xf32>
    %broadcast_in_dim3A_14 = vector.broadcast %jit3A_13 : f32 to vector<128x4xf32>
    %select_n3A = arith.select %eq3A, %broadcast_in_dim3A, %broadcast_in_dim3A_14 : vector<128x4xi1>, vector<128x4xf32>
    %iota3A_15 = tpu.iota {dimensions = array<i32: 0>} : vector<8x4xi32>
    %iota3A_16 = tpu.iota {dimensions = array<i32: 1>} : vector<8x4xi32>
    %eq3A_17 = arith.cmpi eq, %iota3A_15, %iota3A_16 : vector<8x4xi32>
    %jit3A_18 = arith.constant 1.000000e+00 : f32
    %jit3A_19 = arith.constant 0.000000e+00 : f32
    %broadcast_in_dim3A_20 = vector.broadcast %jit3A_18 : f32 to vector<8x4xf32>
    %broadcast_in_dim3A_21 = vector.broadcast %jit3A_19 : f32 to vector<8x4xf32>
    %select_n3A_22 = arith.select %eq3A_17, %broadcast_in_dim3A_20, %broadcast_in_dim3A_21 : vector<8x4xi1>, vector<8x4xf32>
    %iota3A_23 = tpu.iota {dimensions = array<i32: 0>} : vector<8x1xi32>
    %eq3A_24 = arith.constant 4 : i32
    %eq3A_25 = vector.broadcast %eq3A_24 : i32 to vector<8x1xi32>
    %eq3A_26 = arith.cmpi eq, %iota3A_23, %eq3A_25 : vector<8x1xi32>
    %jit3A_27 = arith.constant 1.000000e+00 : f32
    %jit3A_28 = arith.constant 0.000000e+00 : f32
    %broadcast_in_dim3A_29 = vector.broadcast %jit3A_27 : f32 to vector<8x1xf32>
    %broadcast_in_dim3A_30 = vector.broadcast %jit3A_28 : f32 to vector<8x1xf32>
    %select_n3A_31 = arith.select %eq3A_26, %broadcast_in_dim3A_29, %broadcast_in_dim3A_30 : vector<8x1xi1>, vector<8x1xf32>
    %dot_general3A_32 = arith.constant dense<0.000000e+00> : vector<512x4xf32>
    %dot_general3A_33 = tpu.matmul %get3A_1, %select_n3A, %dot_general3A_32 {dimension_numbers = #tpu.dot_dimension_numbers<[1], [0], [0], [1], [0, 0, 1, 1], [], []>, transpose_lhs_hint = false} : vector<512x128xf32>, vector<128x4xf32>, vector<512x4xf32> -> vector<512x4xf32>
    %dot_general3A_34 = arith.constant dense<0.000000e+00> : vector<512x4xf32>
    %dot_general3A_35 = tpu.matmul %get3A_4, %select_n3A_22, %dot_general3A_34 {dimension_numbers = #tpu.dot_dimension_numbers<[1], [0], [0], [1], [0, 0, 1, 1], [], []>, transpose_lhs_hint = false} : vector<512x8xf32>, vector<8x4xf32>, vector<512x4xf32> -> vector<512x4xf32>
    %dot_general3A_36 = arith.constant dense<0.000000e+00> : vector<512x1xf32>
    %dot_general3A_37 = tpu.matmul %get3A_4, %select_n3A_31, %dot_general3A_36 {dimension_numbers = #tpu.dot_dimension_numbers<[1], [0], [0], [1], [0, 0, 1, 1], [], []>, transpose_lhs_hint = false} : vector<512x8xf32>, vector<8x1xf32>, vector<512x1xf32> -> vector<512x1xf32>
    %add3A = arith.addf %dot_general3A_33, %dot_general3A_35 : vector<512x4xf32>
    %dot_general3A_38 = arith.constant dense<0.000000e+00> : vector<512x4xf32>
    %dot_general3A_39 = tpu.matmul %add3A, %dot_general3A_11, %dot_general3A_38 {dimension_numbers = #tpu.dot_dimension_numbers<[1], [0], [0], [1], [0, 0, 1, 1], [], []>, transpose_lhs_hint = false} : vector<512x4xf32>, vector<4x4xf32>, vector<512x4xf32> -> vector<512x4xf32>
    %sub3A = arith.subf %dot_general3A_39, %dot_general3A_33 : vector<512x4xf32>
    %get3A_40 = arith.constant 0 : index
    %get3A_41 = arith.constant 0 : index
    %get3A_42 = vector.load %arg4[%get3A_40, %get3A_41] : memref<1x4xf32, #tpu.memory_space<vmem>>, vector<1x4xf32>
    %mul3A = vector.broadcast %dot_general3A_37 : vector<512x1xf32> to vector<512x4xf32>
    %mul3A_43 = vector.broadcast %get3A_42 : vector<1x4xf32> to vector<512x4xf32>
    %mul3A_44 = arith.mulf %mul3A, %mul3A_43 : vector<512x4xf32>
    %sub3A_45 = arith.subf %sub3A, %mul3A_44 : vector<512x4xf32>
    %transpose3A = tpu.transpose %select_n3A, [1, 0] : vector<128x4xf32> -> vector<4x128xf32>
    %dot_general3A_46 = arith.constant dense<0.000000e+00> : vector<512x128xf32>
    %dot_general3A_47 = tpu.matmul %sub3A_45, %transpose3A, %dot_general3A_46 {dimension_numbers = #tpu.dot_dimension_numbers<[1], [0], [0], [1], [0, 0, 1, 1], [], []>, transpose_lhs_hint = false} : vector<512x4xf32>, vector<4x128xf32>, vector<512x128xf32> -> vector<512x128xf32>
    %add3A_48 = arith.addf %get3A_1, %dot_general3A_47 : vector<512x128xf32>
    %max3A = arith.constant 1.000000e+00 : f32
    %max3A_49 = vector.broadcast %max3A : f32 to vector<512x1xf32>
    %max3A_50 = arith.maximumf %dot_general3A_37, %max3A_49 : vector<512x1xf32>
    %div3A = vector.broadcast %max3A_50 : vector<512x1xf32> to vector<512x128xf32>
    %div3A_51 = arith.divf %add3A_48, %div3A : vector<512x128xf32>
    %get3A_52 = arith.constant 0 : index
    %get3A_53 = arith.constant 0 : index
    %get3A_54 = vector.load %arg5[%get3A_52, %get3A_53] : memref<256x128xf32, #tpu.memory_space<vmem>>, vector<256x128xf32>
    %dot_general3A_55 = arith.constant dense<0.000000e+00> : vector<512x256xf32>
    %dot_general3A_56 = tpu.matmul %div3A_51, %get3A_54, %dot_general3A_55 {dimension_numbers = #tpu.dot_dimension_numbers<[1], [1], [0], [0], [0, 0, 1, 0], [], []>, transpose_lhs_hint = false} : vector<512x128xf32>, vector<256x128xf32>, vector<512x256xf32> -> vector<512x256xf32>
    %get3A_57 = arith.constant 0 : index
    %get3A_58 = arith.constant 0 : index
    %get3A_59 = vector.load %arg6[%get3A_57, %get3A_58] : memref<1x256xf32, #tpu.memory_space<vmem>>, vector<1x256xf32>
    %add3A_60 = vector.broadcast %get3A_59 : vector<1x256xf32> to vector<512x256xf32>
    %add3A_61 = arith.addf %dot_general3A_56, %add3A_60 : vector<512x256xf32>
    %max3A_62 = arith.constant 0.000000e+00 : f32
    %max3A_63 = vector.broadcast %max3A_62 : f32 to vector<512x256xf32>
    %max3A_64 = arith.maximumf %add3A_61, %max3A_63 : vector<512x256xf32>
    %get3A_65 = arith.constant 0 : index
    %get3A_66 = arith.constant 0 : index
    %get3A_67 = vector.load %arg7[%get3A_65, %get3A_66] : memref<8x256xf32, #tpu.memory_space<vmem>>, vector<8x256xf32>
    %dot_general3A_68 = arith.constant dense<0.000000e+00> : vector<512x8xf32>
    %dot_general3A_69 = tpu.matmul %max3A_64, %get3A_67, %dot_general3A_68 {dimension_numbers = #tpu.dot_dimension_numbers<[1], [1], [0], [0], [0, 0, 1, 0], [], []>, transpose_lhs_hint = false} : vector<512x256xf32>, vector<8x256xf32>, vector<512x8xf32> -> vector<512x8xf32>
    %get3A_70 = arith.constant 0 : index
    %get3A_71 = arith.constant 0 : index
    %get3A_72 = vector.load %arg8[%get3A_70, %get3A_71] : memref<1x8xf32, #tpu.memory_space<vmem>>, vector<1x8xf32>
    %add3A_73 = vector.broadcast %get3A_72 : vector<1x8xf32> to vector<512x8xf32>
    %add3A_74 = arith.addf %dot_general3A_69, %add3A_73 : vector<512x8xf32>
    %swap3A = arith.constant 0 : index
    %swap3A_75 = arith.constant 0 : index
    %swap3A_76 = vector.load %arg9[%swap3A, %swap3A_75] : memref<512x8xf32, #tpu.memory_space<vmem>>, vector<512x8xf32>
    tpu.vector_store %arg9[%swap3A, %swap3A_75], %add3A_74 {strides = array<i32>} : memref<512x8xf32, #tpu.memory_space<vmem>>, vector<512x8xf32>,
    return
  }
}

</mosaic_0001>

<sc_bundles>
// kernel: kernel.6.cloned.1.call-start
scs
__scs_entry_jumppad:
0x0: {  	(pc) =	sbr.rel $0x88, $3  }
0x1: {  	(tag) =	ssettag $0x0;
	lr =	simm.s32 $0x1  }
0x2: {  	[smem:$0x3F96] =	sst lr;
	_ =	strace $0xD0000000  }
0x3: {  	_ = 	snop  }
0x4: {  	_ = 	snop  }
0x5: {  	_ = 	snop  }
0x6: {  	_ = 	snop  }
0x7: {  	_ = 	snop  }
__scs_overlays_trampoline_lowered:
0x8: {  	[smem:$0x3FA5] =	sst s0  }
0x9: {  	[smem:$0x3FA6] =	sst s1  }
0xa: {  	[smem:$0x3FA7] =	sst s2  }
0xb: {  	[smem:$0x3FA8] =	sst s3  }
0xc: {  	[smem:$0x3FA9] =	sst s4  }
0xd: {  	[smem:$0x3FAA] =	sst s5  }
0xe: {  	[smem:$0x3FAB] =	sst s6  }
0xf: {  	[smem:$0x3FAC] =	sst s7  }
0x10: {  	[smem:$0x3FAD] =	sst s8  }
0x11: {  	[smem:$0x3FAE] =	sst s9;
	s0 =	simm.s32 @!p0 $0x0  }
0x12: {  	s1 =	sld [smem:$0x3F94];
	s0 =	simm.s32 @p0 $0x1  }
0x13: {  	[smem:$0x3FAF] =	sst s0;
	s0 =	simm.s32 @!p1 $0x0  }
0x14: {  	s2 =	sld [smem:$0x3F93];
	s0 =	simm.s32 @p1 $0x1  }
0x15: {  	[smem:$0x3FB0] =	sst s0;
	s0 =	simm.s32 @!p2 $0x0  }
0x16: {  	s3 =	sld [smem:$0x3FDB];
	s0 =	simm.s32 @p2 $0x1  }
0x17: {  	s4 =	simm.s32 $0x1BF5;
	[smem:$0x3FB2] =	sst s0  }
0x18: {  	s0 =	sld [smem:$0x3F95];
	_ =	swait.ge [sflag:s4], $0x0  }
0x19: {  	s7 =	sld [smem:$0x3F96]  }
0x1a: {  	s8 =	sadd.s32 $0xFFFFE003, lr  }
0x1b: {  	s9 =	sadd.s32 $0xFFFFFEF7, lr;
	s5 =	simm.s32 $0xFFFFFFFF;
	p2 =	slt.u32 s8, $0xFFFFF086  }
0x1c: {  	p1 =	slt.u32 s9, $0xF7A;
	s5 =	simm.s32 @!p2 $0x0  }
0x1d: {  	s5 =	simm.s32 @p1 $0x1;
	p0 =	seq.s32 s7, s2  }
0x1e: {  	s7 =	smul.u32 @!p0 $0xF7A, s2;
	p2 =	seq.s32 @!p0 s5, $0x0  }
0x1f: {  	s9 =	smul.u32 $0xF7A, s1;
	s8 =	simm.s32 @!p0 $0x1BF5;
	p2 =	por !p2, p0  }
0x20: {  	[sflag:s8] =	ssyncset.s32 @!p0 $0xFFFFF086;
	s6 =	sadd.s32 @!p0 s3, s7;
	s7 =	simm.s32 @!p0 $0x108  }
0x21: {  	s3 =	sadd.s32 s3, s9;
	s6 =	sadd.s32 @!p0 $0x88, s6;
	s7 =	simm.s32 @p2 $0x1082  }
0x22: {  	[simem:s7], [sflag:s8] =	dma.local @!p0 [hbm:s6], $0xF7A  }
0x23: {  	s9 =	sor.u32 $0xD0000000, s2;
	s6 =	simm.s32 $0x108;
	_ =	swait.ge @!p0 [sflag:s8], $0x0  }
0x24: {  	s3 =	sadd.s32 $0x88, s3;
	s6 =	simm.s32 @!p1 $0x1082;
	[sflag:s4] =	ssyncset.s32 $0xFFFFF086  }
0x25: {  	[simem:s6], [sflag:s4] =	dma.local [hbm:s3], $0xF7A  }
0x26: {  	[smem:$0x3F96] =	sst s1;
	(tag) =	ssettag s2;
	_ =	strace s9  }
0x27: {  	s1 =	sld [smem:$0x3FA6]  }
0x28: {  	s2 =	sld [smem:$0x3FA7]  }
0x29: {  	s4 =	sld [smem:$0x3FA9]  }
0x2a: {  	p0 =	seq.s32 s5, $0x0;
	s5 =	sld [smem:$0x3FAA]  }
0x2b: {  	s6 =	sld [smem:$0x3FAB]  }
0x2c: {  	s7 =	sld [smem:$0x3FAC]  }
0x2d: {  	s3 =	simm.s32 $0x108;
	s8 =	sld [smem:$0x3FAD]  }
0x2e: {  	s3 =	simm.s32 @!p0 $0x1082;
	s9 =	sld [smem:$0x3FAE]  }
0x2f: {  	lr =	sadd.s32 s0, s3;
	s0 =	sld [smem:$0x3FA5]  }
0x30: {  	s3 =	sld [smem:$0x3FA8]  }
0x31: {  	[smem:$0x3FB1] =	sst s10  }
0x32: {  	s10 =	sld [smem:$0x3FAF];
	_ =	sdelay $0x3  }
0x33: {  	p0 =	seq.s32 s10, $0x1;
	s10 =	sld [smem:$0x3FB1];
	_ =	sdelay $0x3  }
0x34: {  	[smem:$0x3FB1] =	sst s10  }
0x35: {  	s10 =	sld [smem:$0x3FB0];
	_ =	sdelay $0x3  }
0x36: {  	p1 =	seq.s32 s10, $0x1;
	s10 =	sld [smem:$0x3FB1];
	_ =	sdelay $0x3  }
0x37: {  	[smem:$0x3FB1] =	sst s10  }
0x38: {  	s10 =	sld [smem:$0x3FB2]  }
0x39: {  	_ = 	snop;
	(pc) =	sbr.ind lr, $3  }
0x3a: {  	_ = 	snop  }
0x3b: {  	_ = 	snop  }
0x3c: {  	p2 =	seq.s32 s10, $0x1;
	s10 =	sld [smem:$0x3FB1]  }
0x3d: {  	_ =	shalt  }
0x3e: {  	_ =	shalt  }
0x3f: {  	_ =	shalt  }
0x40: {  	_ =	shalt  }
0x41: {  	_ =	shalt  }
0x42: {  	_ =	shalt  }
0x43: {  	_ =	shalt  }
0x44: {  	_ =	shalt  }
0x45: {  	_ =	shalt  }
0x46: {  	_ =	shalt  }
0x47: {  	_ =	shalt  }
0x48: {  	_ =	shalt  }
0x49: {  	_ =	shalt  }
0x4a: {  	_ =	shalt  }
0x4b: {  	_ =	shalt  }
0x4c: {  	_ =	shalt  }
0x4d: {  	_ =	shalt  }
0x4e: {  	_ =	shalt  }
0x4f: {  	_ =	shalt  }
0x50: {  	_ =	shalt  }
0x51: {  	_ =	shalt  }
0x52: {  	_ =	shalt  }
0x53: {  	_ =	shalt  }
0x54: {  	_ =	shalt  }
0x55: {  	_ =	shalt  }
0x56: {  	_ =	shalt  }
0x57: {  	_ =	shalt  }
0x58: {  	_ =	shalt  }
0x59: {  	_ =	shalt  }
0x5a: {  	_ =	shalt  }
0x5b: {  	_ =	shalt  }
0x5c: {  	_ =	shalt  }
0x5d: {  	_ =	shalt  }
0x5e: {  	_ =	shalt  }
0x5f: {  	_ =	shalt  }
0x60: {  	_ =	shalt  }
0x61: {  	_ =	shalt  }
0x62: {  	_ =	shalt  }
0x63: {  	_ =	shalt  }
0x64: {  	_ =	shalt  }
0x65: {  	_ =	shalt  }
0x66: {  	_ =	shalt  }
0x67: {  	_ =	shalt  }
0x68: {  	_ =	shalt  }
0x69: {  	_ =	shalt  }
0x6a: {  	_ =	shalt  }
0x6b: {  	_ =	shalt  }
0x6c: {  	_ =	shalt  }
0x6d: {  	_ =	shalt  }
0x6e: {  	_ =	shalt  }
0x6f: {  	_ =	shalt  }
0x70: {  	_ =	shalt  }
0x71: {  	_ =	shalt  }
0x72: {  	_ =	shalt  }
0x73: {  	_ =	shalt  }
0x74: {  	_ =	shalt  }
0x75: {  	_ =	shalt  }
0x76: {  	_ =	shalt  }
0x77: {  	_ =	shalt  }
0x78: {  	_ =	shalt  }
0x79: {  	_ =	shalt  }
0x7a: {  	_ =	shalt  }
0x7b: {  	_ =	shalt  }
0x7c: {  	_ =	shalt  }
0x7d: {  	_ =	shalt  }
0x7e: {  	_ =	shalt  }
0x7f: {  	_ =	shalt  }
0x80: {  	_ =	shalt  }
0x81: {  	_ =	shalt  }
0x82: {  	_ =	shalt  }
0x83: {  	_ =	shalt  }
0x84: {  	_ =	shalt  }
0x85: {  	_ =	shalt  }
0x86: {  	_ =	shalt  }
0x87: {  	_ =	shalt  }
.Lfunc_end0:
.L_simem_size_0:
called_computation.1_lowered:
.L_overlay_start_0:
0x88: {  	s2 =	sld [smem:$0x3FD9]  }
0x89: {  	s3 =	sld [smem:$0x3FFE];
	_ =	sdelay $0x1  }
0x8a: {  	s1 =	srdreg.scid  }
0x8b: {  	s0 =	sand.u32 $0x1, s1  }
0x8c: {  	s16 =	sshll.u32 s0, $0xA;
	s2 =	sadd.s32 s3, s2  }
0x8d: {  	s2 =	sadd.s32 s2, s16  }
0x8e: {  	[smem:$0x3FBD] =	sst s2  }
0x8f: {  	_ = 	snop  }
0x90: {  	(tm) =	ssettm $0x1  }
0x91: {  	s17 =	sld [smem:$0x3FFB];
	_ =	sdelay $0x3  }
0x92: {  	_ =	strace s17  }
0x93: {  	s2 =	sld [smem:$0x3FFC];
	_ =	sdelay $0x3  }
0x94: {  	_ =	strace s2  }
0x95: {  	s2 =	sld [smem:$0x3FFD];
	_ =	sdelay $0x3  }
0x96: {  	_ =	strace s2  }
0x97: {  	_ =	strace $0x8FFFFFFF  }
0x98: {  	s18 =	sld [smem:$0x3FDB];
	_ =	sdelay $0x1  }
0x99: {  	s19 =	simm.s32 $_scs_section_size  }
0x9a: {  	s4 =	simm.s32 $_size__tile_overlayer_lowered;
	s5 =	simm.s32 $_tile_overlayer_lowered  }
0x9b: {  	s22 =	simm.s32 $0x1BFF;
	s21 =	sshll.u32 s5, $0x1;
	s2 =	sadd.s32 s19, s18  }
0x9c: {  	s6 =	simm.s32 $0x0;
	s20 =	sshll.u32 s4, $0x1;
	s4 =	sadd.s32 s21, s2  }
0x9d: {  	[timem:s6], [sflag:s22] =	dma.local [hbm:s4], s20  }
0x9e: {  	_ =	swait.ge [sflag:s22], s20  }
0x9f: {  	s3 =	ssub.s32 $0x0, s20;
	[sflag:s22] =	ssyncset.done $0x0  }
0xa0: {  	[sflag:s22] =	ssyncadd.s32 s3;
	_ =	sdelay $0x1  }
0xa1: {  	s23 =	simm.s32 $0x1B8B  }
0xa2: {  	_ =	swait.ge [sflag:s23], $0x1  }
0xa3: {  	[sflag:s23] =	ssyncset.done $0x0  }
0xa4: {  	s25 =	simm.s32 $0x1B8E;
	s24 =	sld [smem:$0x3FFE];
	[sflag:s23] =	ssyncadd.s32 $0xFFFFFFFF  }
0xa5: {  	s26 =	simm.s32 $execute0_lowered;
	[smem:$0x3FD2] =	sst s25  }
0xa6: {  	s4 =	sshll.u32 s26, $0x1;
	_ =	strace $0x80000049;
	[dreg:$0x1] =	wrdreg $0xFFFFFFFF  }
0xa7: {  	s28 =	simm.s32 $_size_execute0_lowered;
	s2 =	sadd.s32 s2, s4;
	[dreg:$0x0] =	wrdreg $0x0  }
0xa8: {  	s4 =	sshll.u32 s28, $0x1;
	[dreg:$0x2] =	wrdreg s2  }
0xa9: {  	[dreg:$0x3] =	wrdreg s4  }
0xaa: {  	[dreg:$0x4] =	wrdreg $0xC0  }
0xab: {  	_ =	task [dreg:s6], $0x5FFFF  }
0xac: {  	[dreg:$0x1] =	wrdreg $0xFFFFFFFF  }
0xad: {  	[dreg:$0x0] =	wrdreg $0x60  }
0xae: {  	[dreg:$0x2] =	wrdreg s24  }
0xaf: {  	[dreg:$0x3] =	wrdreg $0x50000  }
0xb0: {  	[dreg:$0x4] =	wrdreg $0x113800  }
0xb1: {  	[dreg:$0x5] =	wrdreg $0x9  }
0xb2: {  	_ =	task.clear_ibuf [dreg:s6], $0x6FFFF;
	_ =	strace $0x90000049  }
0xb3: {  	s29 =	simm.s32 $0x9;
	_ =	strace $0x8000004B  }
0xb4: {  	_ =	swait.ge [sflag:s29], $0x1  }
0xb5: {  	[sflag:s29] =	ssyncadd.s32 $0xFFFFFFFF  }
0xb6: {  	_ =	strace $0x9000004B  }
0xb7: {  	_ =	sfence  }
0xb8: {  	s30 =	sld [smem:$0x0];
	_ =	sdelay $0x2  }
0xb9: {  	s31 =	sshll.u32 s1, $0xD;
	s1 =	sshrl.u32 s1, $0x2  }
0xba: {  	s3 =	sand.u32 $0x4000, s31;
	s1 =	sadd.s32 s1, s30  }
0xbb: {  	s0 =	sor.u32 s3, s0;
	s1 =	sshll.u32 s1, $0x11  }
0xbc: {  	s0 =	sor.u32 s1, s0  }
0xbd: {  	s0 =	sadd.s32 $0x8F2B, s0  }
0xbe: {  	[sflag:s0] =	ssyncadd.remote.s32 $0x1  }
0xbf: {  	_ =	sfence.sel $0xFFFF  }
0xc0: {  	[dreg:$0x0] =	wrdreg $0xFFFFFFFF;
	(pc) =	sbr.abs _section_cstart, $3  }
0xc1: {  	[dreg:$0x1] =	wrdreg $0xFFFFFFFF  }
0xc2: {  	_ =	task.clear_ibuf [dreg:s6], $0x2FFFF;
	_ =	strace $0x9FFFFFFF  }
0xc3: {  	(tm) =	ssettm $0x7FFFFFFF  }
tec
execute0_lowered:
.L_overlay_start_1:
0x0: {  	(tag) =	ssettag $0x1  }
0x1: {  	s0 =	rddreg [dreg:$0x0]  }
0x2: {  	s2 =	rddreg [dreg:$0x1]  }
0x3: {  	s3 =	rddreg [dreg:$0x2]  }
0x4: {  	s12 =	stileid.u32;
	s5 =	srdreg.scid;
	s4 =	simm.s32 $0x0  }
0x5: {  	s25 =	simm.s32 $0x100;
	s13 =	simm.s32 $0x180;
	s14 =	simm.s32 $0x200  }
0x6: {  	s16 =	simm.s32 $0x280;
	[smem:$0x7FF] =	sst s4;
	s9 =	sadd.s32 $0x30F000, s0  }
0x7: {  	s17 =	simm.s32 $0x300;
	_ =	strace $0x8000004A;
	[smem:$0x7F4] =	sst s9  }
0x8: {  	s18 =	simm.s32 $0x380;
	s19 =	simm.s32 $0x400;
	[dreg:$0x4] =	wrdreg s25  }
0x9: {  	s20 =	simm.s32 $0x480;
	s22 =	simm.s32 $0x500;
	[dreg:$0x5] =	wrdreg s13  }
0xa: {  	s28 =	simm.s32 $0x3400;
	s29 =	simm.s32 $0x3800;
	[dreg:$0x6] =	wrdreg s14  }
0xb: {  	s30 =	simm.s32 $0x3C00;
	s31 =	simm.s32 $0x4000;
	[dreg:$0x7] =	wrdreg s16  }
0xc: {  	s1 =	smul.u32 $0xC380, s12;
	s5 =	sand.u32 $0x1, s5;
	[dreg:$0x8] =	wrdreg s17  }
0xd: {  	s8 =	sadd.s32 $0x1C00, s0;
	s11 =	sshll.u32 s12, $0x1;
	[dreg:$0x9] =	wrdreg s18  }
0xe: {  	s26 =	sshll.u32 s12, $0x6;
	s7 =	smul.u32 $0xC3800, s5;
	[dreg:$0xa] =	wrdreg s19  }
0xf: {  	s23 =	ssub.s32 $0x2, s5;
	s24 =	sor.u32 s5, s11;
	[dreg:$0xb] =	wrdreg s20  }
0x10: {  	s15 =	sor.u32 $0x1C03, s26;
	[dreg:$0xc] =	wrdreg s22;
	s5 =	sshll.u32 s5, $0xB  }
0x11: {  	s25 =	simm.s32 $0x600;
	s26 =	simm.s32 $0x680;
	s13 =	simm.s32 $0x980  }
0x12: {  	s16 =	simm.s32 $0xA00;
	s17 =	simm.s32 $0xA80;
	[dreg:$0xe] =	wrdreg s25  }
0x13: {  	s18 =	simm.s32 $0xB00;
	s19 =	simm.s32 $0xB80;
	[dreg:$0xf] =	wrdreg s26  }
0x14: {  	s20 =	simm.s32 $0xC00;
	s22 =	simm.s32 $0xD00;
	[dreg:$0x14] =	wrdreg s13  }
0x15: {  	s6 =	sshrl.u32 s1, $0x3;
	s10 =	sshrl.u32 s23, $0x1;
	[dreg:$0x15] =	wrdreg s16  }
0x16: {  	s11 =	sadd.s32 s1, s2;
	p0 =	slt.u32 s24, $0x15;
	[dreg:$0x16] =	wrdreg s17  }
0x17: {  	s24 =	simm.s32 $0x580;
	s16 =	simm.s32 $0x800;
	[dreg:$0x17] =	wrdreg s18  }
0x18: {  	s17 =	simm.s32 $0x80;
	[dreg:$0x18] =	wrdreg s19;
	s18 =	simm.s32 $0x1000  }
0x19: {  	[dreg:$0x19] =	wrdreg s20;
	s19 =	simm.s32 $0x1400;
	s20 =	simm.s32 $0x1800  }
0x1a: {  	[dreg:$0x1b] =	wrdreg s22;
	s22 =	simm.s32 $0x2000;
	s25 =	simm.s32 $0xE80  }
0x1b: {  	s26 =	simm.s32 $0xF00;
	s13 =	simm.s32 $0x0;
	[smem:$0x7FC] =	sst s15  }
0x1c: {  	s6 =	sadd.s32 s6, s0;
	s7 =	sadd.s32 s1, s7;
	s9 =	ssub.s32 s23, s10  }
0x1d: {  	s1 =	sadd.s32 s1, s3;
	s23 =	sshll.u32 s12, $0xC;
	[dreg:$0xd] =	wrdreg s24  }
0x1e: {  	s10 =	simm.s32 $0x880;
	s12 =	simm.s32 $0x900;
	[dreg:$0x1e] =	wrdreg s25  }
0x1f: {  	s14 =	sshrl.u32 s11, $0x3;
	s24 =	simm.s32 $0xE00;
	[dreg:$0x1f] =	wrdreg s26  }
0x20: {  	s25 =	simm.s32 $0x2C00;
	s26 =	simm.s32 $0x3000;
	[dreg:$0x12] =	wrdreg s10  }
0x21: {  	s7 =	sshrl.u32 s7, $0x3;
	s6 =	sadd.s32 $0x496000, s6;
	[dreg:$0x13] =	wrdreg s12  }
0x22: {  	s21 =	smax.u32 s9, $0x1;
	s5 =	sor.u32 s5, s23;
	[smem:$0x7FB] =	sst s14  }
0x23: {  	s9 =	simm.s32 $0x780;
	s14 =	simm.s32 $0x3;
	[dreg:$0x1d] =	wrdreg s24  }
0x24: {  	s11 =	sshrl.u32 s1, $0x3;
	s23 =	simm.s32 $0xD80;
	[smem:$0x7F5] =	sst s6  }
0x25: {  	s24 =	simm.s32 $0x2800;
	s1 =	simm.s32 $0x4400;
	[smem:$0x7F8] =	sst s21  }
0x26: {  	s10 =	simm.s32 $0x2;
	s0 =	sadd.s32 s7, s0;
	[dreg:$0x11] =	wrdreg s9  }
0x27: {  	s7 =	simm.s32 $0x62;
	s6 =	sshrl.u32 s5, $0x3;
	[dreg:$0x1c] =	wrdreg s23  }
0x28: {  	s5 =	sadd.s32 $0x61A800, s5;
	s21 =	simm.s32 $0xC80;
	[smem:$0x7FD] =	sst s11  }
0x29: {  	s23 =	simm.s32 $0x2400;
	s7 =	simm.s32 @!p0 $0x61;
	[dreg:$0x1a] =	wrdreg s21  }
0x2a: {  	s9 =	simm.s32 $0xF80;
	s0 =	sadd.s32 $0x310A00, s0;
	[smem:$0x7F6] =	sst s7  }
0x2b: {  	s6 =	sadd.s32 s6, s8;
	s5 =	sshrl.u32 s5, $0x3;
	[smem:$0x7F7] =	sst s0  }
0x2c: {  	s21 =	simm.s32 $0x1C00;
	s7 =	simm.s32 $0x700;
	[smem:$0x7F9] =	sst s6  }
0x2d: {  	s5 =	sadd.s32 s5, s8;
	s0 =	simm.s32 $0x4800;
	[dreg:$0x10] =	wrdreg s7  }
0x2e: {  	s6 =	simm.s32 $0x1;
	[smem:$0x7FA] =	sst s5;
	s5 =	simm.s32 $0x4C00  }
.LBB2_1:
0x2f: {  	s7 =	sld [smem:$0x7F5]  }
0x30: {  	s8 =	sld [smem:$0x7FB];
	_ =	sdelay $0x2  }
0x31: {  	[spmem:s8], [sflag:s15] =	dma.local [hbm:s7], $0x1870  }
0x32: {  	_ =	swait.ge [sflag:s14], $0x1870  }
0x33: {  	s8 =	sld [smem:$0x7F4]  }
0x34: {  	[sflag:s14] =	ssyncset.done $0x0  }
0x35: {  	[sflag:s14] =	ssyncadd.s32 $0xFFFFE790  }
0x36: {  	[spmem:s11], [sflag:s15] =	dma.local [hbm:s8], $0x1870  }
0x37: {  	_ =	swait.ge [sflag:s14], $0x1870  }
0x38: {  	[sflag:s14] =	ssyncset.done $0x0  }
0x39: {  	[sflag:s14] =	ssyncadd.s32 $0xFFFFE790  }
0x3a: {  	[bflag:$0x0] =	sbarrier.arrive $0xFFFF  }
0x3b: {  	s12 =	sld [smem:$0x7F9];
	_ =	sdelay $0x2  }
0x3c: {  	[tilespmem:s4], [sflag:$0x3] =	stream.linear.gather [hbm4b:s12+s4], $0x800, $0x38;
	[tilespmem:$0x1D700] =	vst v63  }
0x3d: {  	_ =	swait.ge [sflag:s14], $0x800  }
0x3e: {  	s15 =	sld [smem:$0x7FA]  }
0x3f: {  	[sflag:s14] =	ssyncset.done $0x0  }
0x40: {  	[sflag:s14] =	ssyncadd.s32 $0xFFFFF800  }
0x41: {  	[tilespmem:s16], [sflag:$0x3] =	stream.linear.gather [hbm4b:s15+s4], $0x800, $0x38;
	[tilespmem:$0x1D700] =	vst v63  }
0x42: {  	_ =	swait.ge [sflag:s14], $0x800  }
0x43: {  	[sflag:s14] =	ssyncset.done $0x0  }
0x44: {  	[sflag:s14] =	ssyncadd.s32 $0xFFFFF800  }
0x45: {  	[tilespmem:s18], [sflag:$0x1] =	stream.indirect.gather [spmem:s2], $0x8, s4, s17, $0xb8;
	[tilespmem:$0x1D700] =	vst v63  }
0x46: {  	_ = 	snop  }
0x47: {  	[tilespmem:s19], [sflag:$0x1] =	stream.indirect.gather [spmem:s2], $0x8, s17, s17, $0xb8;
	[tilespmem:$0x1D700] =	vst v63  }
0x48: {  	s11 =	rddreg [dreg:$0x4]  }
0x49: {  	[tilespmem:s20], [sflag:$0x1] =	stream.indirect.gather [spmem:s2], $0x8, s11, s17, $0xb8;
	[tilespmem:$0x1D700] =	vst v63  }
0x4a: {  	s7 =	rddreg [dreg:$0x5]  }
0x4b: {  	[tilespmem:s21], [sflag:$0x1] =	stream.indirect.gather [spmem:s2], $0x8, s7, s17, $0xb8;
	[tilespmem:$0x1D700] =	vst v63  }
0x4c: {  	s8 =	rddreg [dreg:$0x6]  }
0x4d: {  	[tilespmem:s22], [sflag:$0x1] =	stream.indirect.gather [spmem:s2], $0x8, s8, s17, $0xb8;
	[tilespmem:$0x1D700] =	vst v63  }
0x4e: {  	s7 =	rddreg [dreg:$0x7]  }
0x4f: {  	[tilespmem:s23], [sflag:$0x1] =	stream.indirect.gather [spmem:s2], $0x8, s7, s17, $0xb8;
	[tilespmem:$0x1D700] =	vst v63  }
0x50: {  	s8 =	rddreg [dreg:$0x8]  }
0x51: {  	[tilespmem:s24], [sflag:$0x1] =	stream.indirect.gather [spmem:s2], $0x8, s8, s17, $0xb8;
	[tilespmem:$0x1D700] =	vst v63  }
0x52: {  	s7 =	rddreg [dreg:$0x9]  }
0x53: {  	[tilespmem:s25], [sflag:$0x1] =	stream.indirect.gather [spmem:s2], $0x8, s7, s17, $0xb8;
	[tilespmem:$0x1D700] =	vst v63  }
0x54: {  	s8 =	rddreg [dreg:$0xa]  }
0x55: {  	[tilespmem:s26], [sflag:$0x1] =	stream.indirect.gather [spmem:s2], $0x8, s8, s17, $0xb8;
	[tilespmem:$0x1D700] =	vst v63  }
0x56: {  	s7 =	rddreg [dreg:$0xb]  }
0x57: {  	[tilespmem:s28], [sflag:$0x1] =	stream.indirect.gather [spmem:s2], $0x8, s7, s17, $0xb8;
	[tilespmem:$0x1D700] =	vst v63  }
0x58: {  	s8 =	rddreg [dreg:$0xc]  }
0x59: {  	[tilespmem:s29], [sflag:$0x1] =	stream.indirect.gather [spmem:s2], $0x8, s8, s17, $0xb8;
	[tilespmem:$0x1D700] =	vst v63  }
0x5a: {  	s7 =	rddreg [dreg:$0xd]  }
0x5b: {  	[tilespmem:s30], [sflag:$0x1] =	stream.indirect.gather [spmem:s2], $0x8, s7, s17, $0xb8;
	[tilespmem:$0x1D700] =	vst v63  }
0x5c: {  	s8 =	rddreg [dreg:$0xe]  }
0x5d: {  	[tilespmem:s31], [sflag:$0x1] =	stream.indirect.gather [spmem:s2], $0x8, s8, s17, $0xb8;
	[tilespmem:$0x1D700] =	vst v63  }
0x5e: {  	s7 =	rddreg [dreg:$0xf]  }
0x5f: {  	[tilespmem:s1], [sflag:$0x1] =	stream.indirect.gather [spmem:s2], $0x8, s7, s17, $0xb8;
	[tilespmem:$0x1D700] =	vst v63  }
0x60: {  	s8 =	rddreg [dreg:$0x10]  }
0x61: {  	[tilespmem:s0], [sflag:$0x1] =	stream.indirect.gather [spmem:s2], $0x8, s8, s17, $0xb8;
	[tilespmem:$0x1D700] =	vst v63  }
0x62: {  	s7 =	rddreg [dreg:$0x11]  }
0x63: {  	[tilespmem:s5], [sflag:$0x1] =	stream.indirect.gather [spmem:s2], $0x8, s7, s17, $0xb8;
	[tilespmem:$0x1D700] =	vst v63  }
0x64: {  	_ =	swait.ge [sflag:s6], $0x400  }
0x65: {  	[sflag:s6] =	ssyncset.done $0x0  }
0x66: {  	[sflag:s6] =	ssyncadd.s32 $0xFFFFFC00  }
0x67: {  	[spmem:s3] =	stream.indirect.scatter.add.f32 [tilespmem:s18], [sflag:$0x2], $0x8, s16, s17, $0xb8;
	[tilespmem:$0x1D700] =	vst v63  }
0x68: {  	_ =	swait.ge [sflag:s6], $0x400  }
0x69: {  	[sflag:s6] =	ssyncset.done $0x0  }
0x6a: {  	s11 =	rddreg [dreg:$0x12];
	[sflag:s6] =	ssyncadd.s32 $0xFFFFFC00  }
0x6b: {  	[spmem:s3] =	stream.indirect.scatter.add.f32 [tilespmem:s19], [sflag:$0x2], $0x8, s11, s17, $0xb8;
	[tilespmem:$0x1D700] =	vst v63  }
0x6c: {  	_ =	swait.ge [sflag:s6], $0x400  }
0x6d: {  	[sflag:s6] =	ssyncset.done $0x0  }
0x6e: {  	s7 =	rddreg [dreg:$0x13];
	[sflag:s6] =	ssyncadd.s32 $0xFFFFFC00  }
0x6f: {  	[spmem:s3] =	stream.indirect.scatter.add.f32 [tilespmem:s20], [sflag:$0x2], $0x8, s7, s17, $0xb8;
	[tilespmem:$0x1D700] =	vst v63  }
0x70: {  	_ =	swait.ge [sflag:s6], $0x400  }
0x71: {  	[sflag:s6] =	ssyncset.done $0x0  }
0x72: {  	s11 =	rddreg [dreg:$0x14];
	[sflag:s6] =	ssyncadd.s32 $0xFFFFFC00  }
0x73: {  	[spmem:s3] =	stream.indirect.scatter.add.f32 [tilespmem:s21], [sflag:$0x2], $0x8, s11, s17, $0xb8;
	[tilespmem:$0x1D700] =	vst v63  }
0x74: {  	_ =	swait.ge [sflag:s6], $0x400  }
0x75: {  	[sflag:s6] =	ssyncset.done $0x0  }
0x76: {  	s7 =	rddreg [dreg:$0x15];
	[sflag:s6] =	ssyncadd.s32 $0xFFFFFC00  }
0x77: {  	[spmem:s3] =	stream.indirect.scatter.add.f32 [tilespmem:s22], [sflag:$0x2], $0x8, s7, s17, $0xb8;
	[tilespmem:$0x1D700] =	vst v63  }
0x78: {  	_ =	swait.ge [sflag:s6], $0x400  }
0x79: {  	[sflag:s6] =	ssyncset.done $0x0  }
0x7a: {  	s11 =	rddreg [dreg:$0x16];
	[sflag:s6] =	ssyncadd.s32 $0xFFFFFC00  }
0x7b: {  	[spmem:s3] =	stream.indirect.scatter.add.f32 [tilespmem:s23], [sflag:$0x2], $0x8, s11, s17, $0xb8;
	[tilespmem:$0x1D700] =	vst v63  }
0x7c: {  	_ =	swait.ge [sflag:s6], $0x400  }
0x7d: {  	[sflag:s6] =	ssyncset.done $0x0  }
0x7e: {  	s7 =	rddreg [dreg:$0x17];
	[sflag:s6] =	ssyncadd.s32 $0xFFFFFC00  }
0x7f: {  	[spmem:s3] =	stream.indirect.scatter.add.f32 [tilespmem:s24], [sflag:$0x2], $0x8, s7, s17, $0xb8;
	[tilespmem:$0x1D700] =	vst v63  }
0x80: {  	_ =	swait.ge [sflag:s6], $0x400  }
0x81: {  	[sflag:s6] =	ssyncset.done $0x0  }
0x82: {  	s11 =	rddreg [dreg:$0x18];
	[sflag:s6] =	ssyncadd.s32 $0xFFFFFC00  }
0x83: {  	[spmem:s3] =	stream.indirect.scatter.add.f32 [tilespmem:s25], [sflag:$0x2], $0x8, s11, s17, $0xb8;
	[tilespmem:$0x1D700] =	vst v63  }
0x84: {  	_ =	swait.ge [sflag:s6], $0x400  }
0x85: {  	[sflag:s6] =	ssyncset.done $0x0  }
0x86: {  	s7 =	rddreg [dreg:$0x19];
	[sflag:s6] =	ssyncadd.s32 $0xFFFFFC00  }
0x87: {  	[spmem:s3] =	stream.indirect.scatter.add.f32 [tilespmem:s26], [sflag:$0x2], $0x8, s7, s17, $0xb8;
	[tilespmem:$0x1D700] =	vst v63  }
0x88: {  	_ =	swait.ge [sflag:s6], $0x400  }
0x89: {  	[sflag:s6] =	ssyncset.done $0x0  }
0x8a: {  	s11 =	rddreg [dreg:$0x1a];
	[sflag:s6] =	ssyncadd.s32 $0xFFFFFC00  }
0x8b: {  	[spmem:s3] =	stream.indirect.scatter.add.f32 [tilespmem:s28], [sflag:$0x2], $0x8, s11, s17, $0xb8;
	[tilespmem:$0x1D700] =	vst v63  }
0x8c: {  	_ =	swait.ge [sflag:s6], $0x400  }
0x8d: {  	[sflag:s6] =	ssyncset.done $0x0  }
0x8e: {  	s7 =	rddreg [dreg:$0x1b];
	[sflag:s6] =	ssyncadd.s32 $0xFFFFFC00  }
0x8f: {  	[spmem:s3] =	stream.indirect.scatter.add.f32 [tilespmem:s29], [sflag:$0x2], $0x8, s7, s17, $0xb8;
	[tilespmem:$0x1D700] =	vst v63  }
0x90: {  	_ =	swait.ge [sflag:s6], $0x400  }
0x91: {  	[sflag:s6] =	ssyncset.done $0x0  }
0x92: {  	s11 =	rddreg [dreg:$0x1c];
	[sflag:s6] =	ssyncadd.s32 $0xFFFFFC00  }
0x93: {  	[spmem:s3] =	stream.indirect.scatter.add.f32 [tilespmem:s30], [sflag:$0x2], $0x8, s11, s17, $0xb8;
	[tilespmem:$0x1D700] =	vst v63  }
0x94: {  	_ =	swait.ge [sflag:s6], $0x400  }
0x95: {  	[sflag:s6] =	ssyncset.done $0x0  }
0x96: {  	s7 =	rddreg [dreg:$0x1d];
	[sflag:s6] =	ssyncadd.s32 $0xFFFFFC00  }
0x97: {  	[spmem:s3] =	stream.indirect.scatter.add.f32 [tilespmem:s31], [sflag:$0x2], $0x8, s7, s17, $0xb8;
	[tilespmem:$0x1D700] =	vst v63  }
0x98: {  	_ =	swait.ge [sflag:s6], $0x400  }
0x99: {  	[sflag:s6] =	ssyncset.done $0x0  }
0x9a: {  	s11 =	rddreg [dreg:$0x1e];
	[sflag:s6] =	ssyncadd.s32 $0xFFFFFC00  }
0x9b: {  	[spmem:s3] =	stream.indirect.scatter.add.f32 [tilespmem:s1], [sflag:$0x2], $0x8, s11, s17, $0xb8;
	[tilespmem:$0x1D700] =	vst v63  }
0x9c: {  	_ =	swait.ge [sflag:s6], $0x400  }
0x9d: {  	[sflag:s6] =	ssyncset.done $0x0  }
0x9e: {  	s7 =	rddreg [dreg:$0x1f];
	[sflag:s6] =	ssyncadd.s32 $0xFFFFFC00  }
0x9f: {  	[spmem:s3] =	stream.indirect.scatter.add.f32 [tilespmem:s0], [sflag:$0x2], $0x8, s7, s17, $0xb8;
	[tilespmem:$0x1D700] =	vst v63  }
0xa0: {  	_ =	swait.ge [sflag:s6], $0x400  }
0xa1: {  	[sflag:s6] =	ssyncset.done $0x0  }
0xa2: {  	[sflag:s6] =	ssyncadd.s32 $0xFFFFFC00  }
0xa3: {  	[spmem:s3] =	stream.indirect.scatter.add.f32 [tilespmem:s5], [sflag:$0x2], $0x8, s9, s17, $0xb8;
	[tilespmem:$0x1D700] =	vst v63  }
0xa4: {  	_ =	swait.ge [sflag:s10], $0x400  }
0xa5: {  	[sflag:s10] =	ssyncset.done $0x0  }
0xa6: {  	[sflag:s10] =	ssyncadd.s32 $0xFFFFFC00  }
0xa7: {  	_ =	swait.ge [sflag:s10], $0x400  }
0xa8: {  	[sflag:s10] =	ssyncset.done $0x0  }
0xa9: {  	[sflag:s10] =	ssyncadd.s32 $0xFFFFFC00  }
0xaa: {  	_ =	swait.ge [sflag:s10], $0x400  }
0xab: {  	[sflag:s10] =	ssyncset.done $0x0  }
0xac: {  	[sflag:s10] =	ssyncadd.s32 $0xFFFFFC00  }
0xad: {  	_ =	swait.ge [sflag:s10], $0x400  }
0xae: {  	[sflag:s10] =	ssyncset.done $0x0  }
0xaf: {  	[sflag:s10] =	ssyncadd.s32 $0xFFFFFC00  }
0xb0: {  	_ =	swait.ge [sflag:s10], $0x400  }
0xb1: {  	[sflag:s10] =	ssyncset.done $0x0  }
0xb2: {  	[sflag:s10] =	ssyncadd.s32 $0xFFFFFC00  }
0xb3: {  	_ =	swait.ge [sflag:s10], $0x400  }
0xb4: {  	[sflag:s10] =	ssyncset.done $0x0  }
0xb5: {  	[sflag:s10] =	ssyncadd.s32 $0xFFFFFC00  }
0xb6: {  	_ =	swait.ge [sflag:s10], $0x400  }
0xb7: {  	[sflag:s10] =	ssyncset.done $0x0  }
0xb8: {  	[sflag:s10] =	ssyncadd.s32 $0xFFFFFC00  }
0xb9: {  	_ =	swait.ge [sflag:s10], $0x400  }
0xba: {  	[sflag:s10] =	ssyncset.done $0x0  }
0xbb: {  	[sflag:s10] =	ssyncadd.s32 $0xFFFFFC00  }
0xbc: {  	_ =	swait.ge [sflag:s10], $0x400  }
0xbd: {  	[sflag:s10] =	ssyncset.done $0x0  }
0xbe: {  	[sflag:s10] =	ssyncadd.s32 $0xFFFFFC00  }
0xbf: {  	_ =	swait.ge [sflag:s10], $0x400  }
0xc0: {  	[sflag:s10] =	ssyncset.done $0x0  }
0xc1: {  	[sflag:s10] =	ssyncadd.s32 $0xFFFFFC00  }
0xc2: {  	_ =	swait.ge [sflag:s10], $0x400  }
0xc3: {  	[sflag:s10] =	ssyncset.done $0x0  }
0xc4: {  	[sflag:s10] =	ssyncadd.s32 $0xFFFFFC00  }
0xc5: {  	_ =	swait.ge [sflag:s10], $0x400  }
0xc6: {  	[sflag:s10] =	ssyncset.done $0x0  }
0xc7: {  	[sflag:s10] =	ssyncadd.s32 $0xFFFFFC00  }
0xc8: {  	_ =	swait.ge [sflag:s10], $0x400  }
0xc9: {  	[sflag:s10] =	ssyncset.done $0x0  }
0xca: {  	[sflag:s10] =	ssyncadd.s32 $0xFFFFFC00  }
0xcb: {  	_ =	swait.ge [sflag:s10], $0x400  }
0xcc: {  	[sflag:s10] =	ssyncset.done $0x0  }
0xcd: {  	[sflag:s10] =	ssyncadd.s32 $0xFFFFFC00  }
0xce: {  	_ =	swait.ge [sflag:s10], $0x400  }
0xcf: {  	s11 =	sld [smem:$0x7F6];
	_ =	sdelay $0x2  }
0xd0: {  	p0 =	sne.s32 s11, $0x1  }
.Ltmp0:
0xd1: {  	_ = 	snop;
	(pc) =	sbr.rel @!p0 .LBB2_3-.Ltmp0, $4  }
0xd2: {  	[sflag:s10] =	ssyncset.done $0x0  }
0xd3: {  	[sflag:s10] =	ssyncadd.s32 $0xFFFFFC00  }
0xd4: {  	_ =	swait.ge [sflag:s10], $0x400;
	s8 =	sadd.s32 $0xFFFFFFFF, s11  }
0xd5: {  	[sflag:s10] =	ssyncset.done $0x0;
	s11 =	smov.u32 s12;
	s12 =	smov.u32 s15  }
.LBB2_2:
0xd6: {  	[sflag:s10] =	ssyncadd.s32 $0xFFFFFC00;
	s11 =	sadd.s32 $0x2000, s11  }
0xd7: {  	[tilespmem:s4], [sflag:$0x3] =	stream.linear.gather [hbm4b:s11+s4], $0x800, $0x38;
	[tilespmem:$0x1D700] =	vst v63  }
0xd8: {  	_ =	swait.ge [sflag:s14], $0x800  }
0xd9: {  	[sflag:s14] =	ssyncset.done $0x0  }
0xda: {  	s12 =	sadd.s32 $0x2000, s12;
	[sflag:s14] =	ssyncadd.s32 $0xFFFFF800  }
0xdb: {  	[tilespmem:s16], [sflag:$0x3] =	stream.linear.gather [hbm4b:s12+s4], $0x800, $0x38;
	[tilespmem:$0x1D700] =	vst v63  }
0xdc: {  	_ =	swait.ge [sflag:s14], $0x800  }
0xdd: {  	[sflag:s14] =	ssyncset.done $0x0  }
0xde: {  	[sflag:s14] =	ssyncadd.s32 $0xFFFFF800  }
0xdf: {  	[tilespmem:s18], [sflag:$0x1] =	stream.indirect.gather [spmem:s2], $0x8, s4, s17, $0xb8;
	[tilespmem:$0x1D700] =	vst v63  }
0xe0: {  	_ = 	snop  }
0xe1: {  	[tilespmem:s19], [sflag:$0x1] =	stream.indirect.gather [spmem:s2], $0x8, s17, s17, $0xb8;
	[tilespmem:$0x1D700] =	vst v63  }
0xe2: {  	s15 =	rddreg [dreg:$0x4]  }
0xe3: {  	[tilespmem:s20], [sflag:$0x1] =	stream.indirect.gather [spmem:s2], $0x8, s15, s17, $0xb8;
	[tilespmem:$0x1D700] =	vst v63  }
0xe4: {  	s7 =	rddreg [dreg:$0x5]  }
0xe5: {  	[tilespmem:s21], [sflag:$0x1] =	stream.indirect.gather [spmem:s2], $0x8, s7, s17, $0xb8;
	[tilespmem:$0x1D700] =	vst v63  }
0xe6: {  	s15 =	rddreg [dreg:$0x6]  }
0xe7: {  	[tilespmem:s22], [sflag:$0x1] =	stream.indirect.gather [spmem:s2], $0x8, s15, s17, $0xb8;
	[tilespmem:$0x1D700] =	vst v63  }
0xe8: {  	s7 =	rddreg [dreg:$0x7]  }
0xe9: {  	[tilespmem:s23], [sflag:$0x1] =	stream.indirect.gather [spmem:s2], $0x8, s7, s17, $0xb8;
	[tilespmem:$0x1D700] =	vst v63  }
0xea: {  	s15 =	rddreg [dreg:$0x8]  }
0xeb: {  	[tilespmem:s24], [sflag:$0x1] =	stream.indirect.gather [spmem:s2], $0x8, s15, s17, $0xb8;
	[tilespmem:$0x1D700] =	vst v63  }
0xec: {  	s7 =	rddreg [dreg:$0x9]  }
0xed: {  	[tilespmem:s25], [sflag:$0x1] =	stream.indirect.gather [spmem:s2], $0x8, s7, s17, $0xb8;
	[tilespmem:$0x1D700] =	vst v63  }
0xee: {  	s15 =	rddreg [dreg:$0xa]  }
0xef: {  	[tilespmem:s26], [sflag:$0x1] =	stream.indirect.gather [spmem:s2], $0x8, s15, s17, $0xb8;
	[tilespmem:$0x1D700] =	vst v63  }
0xf0: {  	s7 =	rddreg [dreg:$0xb]  }
0xf1: {  	[tilespmem:s28], [sflag:$0x1] =	stream.indirect.gather [spmem:s2], $0x8, s7, s17, $0xb8;
	[tilespmem:$0x1D700] =	vst v63  }
0xf2: {  	s15 =	rddreg [dreg:$0xc]  }
0xf3: {  	[tilespmem:s29], [sflag:$0x1] =	stream.indirect.gather [spmem:s2], $0x8, s15, s17, $0xb8;
	[tilespmem:$0x1D700] =	vst v63  }
0xf4: {  	s7 =	rddreg [dreg:$0xd]  }
0xf5: {  	[tilespmem:s30], [sflag:$0x1] =	stream.indirect.gather [spmem:s2], $0x8, s7, s17, $0xb8;
	[tilespmem:$0x1D700] =	vst v63  }
0xf6: {  	s15 =	rddreg [dreg:$0xe]  }
0xf7: {  	[tilespmem:s31], [sflag:$0x1] =	stream.indirect.gather [spmem:s2], $0x8, s15, s17, $0xb8;
	[tilespmem:$0x1D700] =	vst v63  }
0xf8: {  	s7 =	rddreg [dreg:$0xf]  }
0xf9: {  	[tilespmem:s1], [sflag:$0x1] =	stream.indirect.gather [spmem:s2], $0x8, s7, s17, $0xb8;
	[tilespmem:$0x1D700] =	vst v63  }
0xfa: {  	s15 =	rddreg [dreg:$0x10]  }
0xfb: {  	[tilespmem:s0], [sflag:$0x1] =	stream.indirect.gather [spmem:s2], $0x8, s15, s17, $0xb8;
	[tilespmem:$0x1D700] =	vst v63  }
0xfc: {  	s7 =	rddreg [dreg:$0x11]  }
0xfd: {  	[tilespmem:s5], [sflag:$0x1] =	stream.indirect.gather [spmem:s2], $0x8, s7, s17, $0xb8;
	[tilespmem:$0x1D700] =	vst v63  }
0xfe: {  	_ =	swait.ge [sflag:s6], $0x400  }
0xff: {  	[sflag:s6] =	ssyncset.done $0x0  }
0x100: {  	[sflag:s6] =	ssyncadd.s32 $0xFFFFFC00  }
0x101: {  	[spmem:s3] =	stream.indirect.scatter.add.f32 [tilespmem:s18], [sflag:$0x2], $0x8, s16, s17, $0xb8;
	[tilespmem:$0x1D700] =	vst v63  }
0x102: {  	_ =	swait.ge [sflag:s6], $0x400  }
0x103: {  	[sflag:s6] =	ssyncset.done $0x0  }
0x104: {  	s15 =	rddreg [dreg:$0x12];
	[sflag:s6] =	ssyncadd.s32 $0xFFFFFC00  }
0x105: {  	[spmem:s3] =	stream.indirect.scatter.add.f32 [tilespmem:s19], [sflag:$0x2], $0x8, s15, s17, $0xb8;
	[tilespmem:$0x1D700] =	vst v63  }
0x106: {  	_ =	swait.ge [sflag:s6], $0x400  }
0x107: {  	[sflag:s6] =	ssyncset.done $0x0  }
0x108: {  	s15 =	rddreg [dreg:$0x13];
	[sflag:s6] =	ssyncadd.s32 $0xFFFFFC00  }
0x109: {  	[spmem:s3] =	stream.indirect.scatter.add.f32 [tilespmem:s20], [sflag:$0x2], $0x8, s15, s17, $0xb8;
	[tilespmem:$0x1D700] =	vst v63  }
0x10a: {  	_ =	swait.ge [sflag:s6], $0x400  }
0x10b: {  	[sflag:s6] =	ssyncset.done $0x0  }
0x10c: {  	s15 =	rddreg [dreg:$0x14];
	[sflag:s6] =	ssyncadd.s32 $0xFFFFFC00  }
0x10d: {  	[spmem:s3] =	stream.indirect.scatter.add.f32 [tilespmem:s21], [sflag:$0x2], $0x8, s15, s17, $0xb8;
	[tilespmem:$0x1D700] =	vst v63  }
0x10e: {  	_ =	swait.ge [sflag:s6], $0x400  }
0x10f: {  	[sflag:s6] =	ssyncset.done $0x0  }
0x110: {  	s15 =	rddreg [dreg:$0x15];
	[sflag:s6] =	ssyncadd.s32 $0xFFFFFC00  }
0x111: {  	[spmem:s3] =	stream.indirect.scatter.add.f32 [tilespmem:s22], [sflag:$0x2], $0x8, s15, s17, $0xb8;
	[tilespmem:$0x1D700] =	vst v63  }
0x112: {  	_ =	swait.ge [sflag:s6], $0x400  }
0x113: {  	[sflag:s6] =	ssyncset.done $0x0  }
0x114: {  	s15 =	rddreg [dreg:$0x16];
	[sflag:s6] =	ssyncadd.s32 $0xFFFFFC00  }
0x115: {  	[spmem:s3] =	stream.indirect.scatter.add.f32 [tilespmem:s23], [sflag:$0x2], $0x8, s15, s17, $0xb8;
	[tilespmem:$0x1D700] =	vst v63  }
0x116: {  	_ =	swait.ge [sflag:s6], $0x400  }
0x117: {  	[sflag:s6] =	ssyncset.done $0x0  }
0x118: {  	s15 =	rddreg [dreg:$0x17];
	[sflag:s6] =	ssyncadd.s32 $0xFFFFFC00  }
0x119: {  	[spmem:s3] =	stream.indirect.scatter.add.f32 [tilespmem:s24], [sflag:$0x2], $0x8, s15, s17, $0xb8;
	[tilespmem:$0x1D700] =	vst v63  }
0x11a: {  	_ =	swait.ge [sflag:s6], $0x400  }
0x11b: {  	[sflag:s6] =	ssyncset.done $0x0  }
0x11c: {  	s15 =	rddreg [dreg:$0x18];
	[sflag:s6] =	ssyncadd.s32 $0xFFFFFC00  }
0x11d: {  	[spmem:s3] =	stream.indirect.scatter.add.f32 [tilespmem:s25], [sflag:$0x2], $0x8, s15, s17, $0xb8;
	[tilespmem:$0x1D700] =	vst v63  }
0x11e: {  	_ =	swait.ge [sflag:s6], $0x400  }
0x11f: {  	[sflag:s6] =	ssyncset.done $0x0  }
0x120: {  	s15 =	rddreg [dreg:$0x19];
	[sflag:s6] =	ssyncadd.s32 $0xFFFFFC00  }
0x121: {  	[spmem:s3] =	stream.indirect.scatter.add.f32 [tilespmem:s26], [sflag:$0x2], $0x8, s15, s17, $0xb8;
	[tilespmem:$0x1D700] =	vst v63  }
0x122: {  	_ =	swait.ge [sflag:s6], $0x400  }
0x123: {  	[sflag:s6] =	ssyncset.done $0x0  }
0x124: {  	s15 =	rddreg [dreg:$0x1a];
	[sflag:s6] =	ssyncadd.s32 $0xFFFFFC00  }
0x125: {  	[spmem:s3] =	stream.indirect.scatter.add.f32 [tilespmem:s28], [sflag:$0x2], $0x8, s15, s17, $0xb8;
	[tilespmem:$0x1D700] =	vst v63  }
0x126: {  	_ =	swait.ge [sflag:s6], $0x400  }
0x127: {  	[sflag:s6] =	ssyncset.done $0x0  }
0x128: {  	s15 =	rddreg [dreg:$0x1b];
	[sflag:s6] =	ssyncadd.s32 $0xFFFFFC00  }
0x129: {  	[spmem:s3] =	stream.indirect.scatter.add.f32 [tilespmem:s29], [sflag:$0x2], $0x8, s15, s17, $0xb8;
	[tilespmem:$0x1D700] =	vst v63  }
0x12a: {  	_ =	swait.ge [sflag:s6], $0x400  }
0x12b: {  	[sflag:s6] =	ssyncset.done $0x0  }
0x12c: {  	s15 =	rddreg [dreg:$0x1c];
	[sflag:s6] =	ssyncadd.s32 $0xFFFFFC00  }
0x12d: {  	[spmem:s3] =	stream.indirect.scatter.add.f32 [tilespmem:s30], [sflag:$0x2], $0x8, s15, s17, $0xb8;
	[tilespmem:$0x1D700] =	vst v63  }
0x12e: {  	_ =	swait.ge [sflag:s6], $0x400  }
0x12f: {  	[sflag:s6] =	ssyncset.done $0x0  }
0x130: {  	s15 =	rddreg [dreg:$0x1d];
	[sflag:s6] =	ssyncadd.s32 $0xFFFFFC00  }
0x131: {  	[spmem:s3] =	stream.indirect.scatter.add.f32 [tilespmem:s31], [sflag:$0x2], $0x8, s15, s17, $0xb8;
	[tilespmem:$0x1D700] =	vst v63  }
0x132: {  	_ =	swait.ge [sflag:s6], $0x400  }
0x133: {  	[sflag:s6] =	ssyncset.done $0x0  }
0x134: {  	s15 =	rddreg [dreg:$0x1e];
	[sflag:s6] =	ssyncadd.s32 $0xFFFFFC00  }
0x135: {  	[spmem:s3] =	stream.indirect.scatter.add.f32 [tilespmem:s1], [sflag:$0x2], $0x8, s15, s17, $0xb8;
	[tilespmem:$0x1D700] =	vst v63  }
0x136: {  	_ =	swait.ge [sflag:s6], $0x400  }
0x137: {  	[sflag:s6] =	ssyncset.done $0x0  }
0x138: {  	s15 =	rddreg [dreg:$0x1f];
	[sflag:s6] =	ssyncadd.s32 $0xFFFFFC00  }
0x139: {  	[spmem:s3] =	stream.indirect.scatter.add.f32 [tilespmem:s0], [sflag:$0x2], $0x8, s15, s17, $0xb8;
	[tilespmem:$0x1D700] =	vst v63  }
0x13a: {  	_ =	swait.ge [sflag:s6], $0x400  }
0x13b: {  	[sflag:s6] =	ssyncset.done $0x0  }
0x13c: {  	[sflag:s6] =	ssyncadd.s32 $0xFFFFFC00  }
0x13d: {  	[spmem:s3] =	stream.indirect.scatter.add.f32 [tilespmem:s5], [sflag:$0x2], $0x8, s9, s17, $0xb8;
	[tilespmem:$0x1D700] =	vst v63  }
0x13e: {  	_ =	swait.ge [sflag:s10], $0x400  }
0x13f: {  	[sflag:s10] =	ssyncset.done $0x0  }
0x140: {  	[sflag:s10] =	ssyncadd.s32 $0xFFFFFC00  }
0x141: {  	_ =	swait.ge [sflag:s10], $0x400  }
0x142: {  	[sflag:s10] =	ssyncset.done $0x0  }
0x143: {  	[sflag:s10] =	ssyncadd.s32 $0xFFFFFC00  }
0x144: {  	_ =	swait.ge [sflag:s10], $0x400  }
0x145: {  	[sflag:s10] =	ssyncset.done $0x0  }
0x146: {  	[sflag:s10] =	ssyncadd.s32 $0xFFFFFC00  }
0x147: {  	_ =	swait.ge [sflag:s10], $0x400  }
0x148: {  	[sflag:s10] =	ssyncset.done $0x0  }
0x149: {  	[sflag:s10] =	ssyncadd.s32 $0xFFFFFC00  }
0x14a: {  	_ =	swait.ge [sflag:s10], $0x400  }
0x14b: {  	[sflag:s10] =	ssyncset.done $0x0  }
0x14c: {  	[sflag:s10] =	ssyncadd.s32 $0xFFFFFC00  }
0x14d: {  	_ =	swait.ge [sflag:s10], $0x400  }
0x14e: {  	[sflag:s10] =	ssyncset.done $0x0  }
0x14f: {  	[sflag:s10] =	ssyncadd.s32 $0xFFFFFC00  }
0x150: {  	_ =	swait.ge [sflag:s10], $0x400  }
0x151: {  	[sflag:s10] =	ssyncset.done $0x0  }
0x152: {  	[sflag:s10] =	ssyncadd.s32 $0xFFFFFC00  }
0x153: {  	_ =	swait.ge [sflag:s10], $0x400  }
0x154: {  	[sflag:s10] =	ssyncset.done $0x0  }
0x155: {  	[sflag:s10] =	ssyncadd.s32 $0xFFFFFC00  }
0x156: {  	_ =	swait.ge [sflag:s10], $0x400  }
0x157: {  	[sflag:s10] =	ssyncset.done $0x0  }
0x158: {  	[sflag:s10] =	ssyncadd.s32 $0xFFFFFC00  }
0x159: {  	_ =	swait.ge [sflag:s10], $0x400  }
0x15a: {  	[sflag:s10] =	ssyncset.done $0x0  }
0x15b: {  	[sflag:s10] =	ssyncadd.s32 $0xFFFFFC00  }
0x15c: {  	_ =	swait.ge [sflag:s10], $0x400  }
0x15d: {  	[sflag:s10] =	ssyncset.done $0x0  }
0x15e: {  	[sflag:s10] =	ssyncadd.s32 $0xFFFFFC00  }
0x15f: {  	_ =	swait.ge [sflag:s10], $0x400  }
0x160: {  	[sflag:s10] =	ssyncset.done $0x0  }
0x161: {  	[sflag:s10] =	ssyncadd.s32 $0xFFFFFC00  }
0x162: {  	_ =	swait.ge [sflag:s10], $0x400  }
0x163: {  	[sflag:s10] =	ssyncset.done $0x0  }
0x164: {  	[sflag:s10] =	ssyncadd.s32 $0xFFFFFC00  }
0x165: {  	_ =	swait.ge [sflag:s10], $0x400  }
0x166: {  	[sflag:s10] =	ssyncset.done $0x0  }
0x167: {  	p0 =	sne.s32 s8, $0x1;
	[sflag:s10] =	ssyncadd.s32 $0xFFFFFC00  }
.Ltmp1:
0x168: {  	_ =	swait.ge [sflag:s10], $0x400;
	(pc) =	sbr.rel @p0 .LBB2_2-.Ltmp1, $4  }
0x169: {  	[sflag:s10] =	ssyncset.done $0x0  }
0x16a: {  	[sflag:s10] =	ssyncadd.s32 $0xFFFFFC00  }
0x16b: {  	_ =	swait.ge [sflag:s10], $0x400  }
0x16c: {  	s8 =	sadd.s32 $0xFFFFFFFF, s8;
	[sflag:s10] =	ssyncset.done $0x0  }
.LBB2_3:
0x16d: {  	[sflag:s10] =	ssyncadd.s32 $0xFFFFFC00  }
0x16e: {  	[bflag:$0x0] =	sbarrier.arrive $0xFFFF  }
0x16f: {  	s15 =	sld [smem:$0x7FC]  }
0x170: {  	s7 =	sld [smem:$0x7F7]  }
0x171: {  	s11 =	sld [smem:$0x7FD];
	_ =	sdelay $0x2  }
0x172: {  	[hbm:s7], [sflag:s15] =	dma.local [spmem:s11], $0x1870  }
0x173: {  	_ =	swait.ge [sflag:s14], $0x1870  }
0x174: {  	s12 =	sld [smem:$0x7F8];
	_ =	sdelay $0x1  }
0x175: {  	s13 =	sadd.s32 $0x1, s13  }
0x176: {  	p0 =	sne.s32 s13, s12  }
.Ltmp2:
0x177: {  	_ = 	snop;
	(pc) =	sbr.rel @p0 .LBB2_1-.Ltmp2, $3  }
0x178: {  	_ =	sdelay $0x1  }
0x179: {  	[sflag:s14] =	ssyncset.done $0x0  }
0x17a: {  	[sflag:s14] =	ssyncadd.s32 $0xFFFFE790  }
0x17b: {  	_ =	sfence.sel $0x180000  }
0x17c: {  	[bflag:$0x0] =	sbarrier.arrive $0xFFFF  }
0x17d: {  	_ =	strace $0x9000004A  }
0x17e: {  	s0 =	stileid.u32;
	[bflag:$0x2] =	sbarrier.arrive $0xFFFF  }
0x17f: {  	p0 =	sne.s32 s0, $0x0;
	s0 =	rddreg [dreg:$0x3]  }
0x180: {  	s0 =	sadd.s32 @!p0 $0x100000, s0  }
0x181: {  	[sflag:s0] =	ssyncadd.tile.s32 @!p0 $0x1;
	_ =	shalt  }
.Lfunc_end2:
_tile_overlayer_lowered:
.L_overlay_start_2:
0x182: {  	(tag) =	ssettag $0x2  }
0x183: {  	s0 =	rddreg [dreg:$0x0];
	s2 =	stileid.u32  }
0x184: {  	s1 =	rddreg [dreg:$0x1];
	p0 =	sne.s32 s2, $0x0  }
0x185: {  	s3 =	rddreg [dreg:$0x2];
	[bflag:$0x3] =	sbarrier.arrive $0xFFFF;
	s2 =	simm.s32 @!p0 $0x1C03  }
0x186: {  	[timem:s3], [sflag:s2] =	dma.local @!p0 [hbm:s0], s1  }
0x187: {  	s0 =	simm.s32 @!p0 $0x3  }
0x188: {  	_ =	swait.ge @!p0 [sflag:s0], s1  }
0x189: {  	s1 =	ssub.s32 @!p0 $0x0, s1;
	[sflag:s0] =	ssyncset.done @!p0 $0x0  }
0x18a: {  	[sflag:s0] =	ssyncadd.s32 @!p0 s1  }
0x18b: {  	[bflag:$0x3] =	sbarrier.arrive $0xFFFF  }
0x18c: {  	_ =	shalt  }

// kernel: sparse-core-data-format-call.cloned.1.call-start
scs
called_computation_lowered:
.L_overlay_start_0:
0x0: {  	s2 =	sld [smem:$0x3FD9]  }
0x1: {  	s3 =	sld [smem:$0x3FFE];
	_ =	sdelay $0x1  }
0x2: {  	s1 =	srdreg.scid  }
0x3: {  	s0 =	sand.u32 $0x1, s1  }
0x4: {  	s18 =	sshll.u32 s0, $0xA;
	s2 =	sadd.s32 s3, s2  }
0x5: {  	s2 =	sadd.s32 s2, s18  }
0x6: {  	[smem:$0x3FBD] =	sst s2  }
0x7: {  	_ = 	snop  }
0x8: {  	s2 =	sld [smem:$0x3FC9];
	(tm) =	ssettm $0x1  }
0x9: {  	s19 =	sld [smem:$0x3FFB];
	_ =	sdelay $0x3  }
0xa: {  	_ =	strace s19  }
0xb: {  	s3 =	sld [smem:$0x3FFC];
	_ =	sdelay $0x3  }
0xc: {  	_ =	strace s3  }
0xd: {  	s3 =	sld [smem:$0x3FFD];
	_ =	sdelay $0x3  }
0xe: {  	_ =	strace s3  }
0xf: {  	_ =	strace $0x8FFFFFFF  }
0x10: {  	s20 =	sld [smem:$0x3FDB];
	_ =	sdelay $0x1  }
0x11: {  	s4 =	simm.s32 $_scs_section_size  }
0x12: {  	s5 =	simm.s32 $_size__tile_overlayer_lowered;
	s6 =	simm.s32 $_tile_overlayer_lowered  }
0x13: {  	s23 =	simm.s32 $0x1BFF;
	s22 =	sshll.u32 s6, $0x1;
	s3 =	sadd.s32 s4, s20  }
0x14: {  	s7 =	simm.s32 $0x0;
	s21 =	sshll.u32 s5, $0x1;
	s5 =	sadd.s32 s22, s3  }
0x15: {  	[timem:s7], [sflag:s23] =	dma.local [hbm:s5], s21  }
0x16: {  	_ =	swait.ge [sflag:s23], s21  }
0x17: {  	s4 =	ssub.s32 $0x0, s21;
	[sflag:s23] =	ssyncset.done $0x0  }
0x18: {  	[sflag:s23] =	ssyncadd.s32 s4;
	_ =	sdelay $0x1  }
0x19: {  	s24 =	simm.s32 $0x1B8B  }
0x1a: {  	_ =	swait.ge [sflag:s24], $0x1  }
0x1b: {  	[sflag:s24] =	ssyncset.done $0x0  }
0x1c: {  	s26 =	simm.s32 $0x1B8E;
	s25 =	sld [smem:$0x3FFE];
	[sflag:s24] =	ssyncadd.s32 $0xFFFFFFFF  }
0x1d: {  	s27 =	simm.s32 $execute0_lowered;
	[smem:$0x3FD2] =	sst s26  }
0x1e: {  	s5 =	sshll.u32 s27, $0x1;
	_ =	strace $0x80000046;
	[dreg:$0x1] =	wrdreg $0xFFFFFFFF  }
0x1f: {  	s28 =	simm.s32 $_size_execute0_lowered;
	s3 =	sadd.s32 s3, s5;
	[dreg:$0x0] =	wrdreg $0x0  }
0x20: {  	s5 =	sshll.u32 s28, $0x1;
	[dreg:$0x2] =	wrdreg s3  }
0x21: {  	[dreg:$0x3] =	wrdreg s5  }
0x22: {  	[dreg:$0x4] =	wrdreg $0xC0  }
0x23: {  	_ =	task [dreg:s7], $0x5FFFF  }
0x24: {  	[dreg:$0x1] =	wrdreg $0xFFFFFFFF  }
0x25: {  	[dreg:$0x0] =	wrdreg $0x60  }
0x26: {  	[dreg:$0x2] =	wrdreg s2  }
0x27: {  	[dreg:$0x3] =	wrdreg s25  }
0x28: {  	[dreg:$0x4] =	wrdreg $0x9  }
0x29: {  	_ =	task.clear_ibuf [dreg:s7], $0x5FFFF;
	_ =	strace $0x90000046  }
0x2a: {  	s29 =	simm.s32 $0x9;
	_ =	strace $0x80000048  }
0x2b: {  	_ =	swait.ge [sflag:s29], $0x1  }
0x2c: {  	[sflag:s29] =	ssyncadd.s32 $0xFFFFFFFF  }
0x2d: {  	_ =	strace $0x90000048  }
0x2e: {  	_ =	sfence  }
0x2f: {  	s30 =	sld [smem:$0x0];
	_ =	sdelay $0x2  }
0x30: {  	s31 =	sshll.u32 s1, $0xD;
	s1 =	sshrl.u32 s1, $0x2  }
0x31: {  	s3 =	sand.u32 $0x4000, s31;
	s1 =	sadd.s32 s1, s30  }
0x32: {  	s0 =	sor.u32 s3, s0;
	s1 =	sshll.u32 s1, $0x11  }
0x33: {  	s0 =	sor.u32 s1, s0  }
0x34: {  	s0 =	sadd.s32 $0x8F2B, s0  }
0x35: {  	[sflag:s0] =	ssyncadd.remote.s32 $0x1  }
0x36: {  	_ =	sfence.sel $0xFFFF  }
0x37: {  	[dreg:$0x0] =	wrdreg $0xFFFFFFFF;
	(pc) =	sbr.abs _section_cstart, $3  }
0x38: {  	[dreg:$0x1] =	wrdreg $0xFFFFFFFF  }
0x39: {  	_ =	task.clear_ibuf [dreg:s7], $0x2FFFF;
	_ =	strace $0x9FFFFFFF  }
0x3a: {  	(tm) =	ssettm $0x7FFFFFFF  }
0x3b: {  	_ =	shalt  }
tec
execute0_lowered:
.L_overlay_start_1:
0x0: {  	(tag) =	ssettag $0x1  }
0x1: {  	s0 =	stileid.u32;
	s7 =	rddreg [dreg:$0x0]  }
0x2: {  	s1 =	srdreg.scid;
	s4 =	rddreg [dreg:$0x1]  }
0x3: {  	s30 =	simm.s32 $0x2;
	s10 =	simm.s32 $0x0;
	s14 =	simm.s32 $0x0  }
0x4: {  	s15 =	simm.s32 $0x0;
	s11 =	simm.s32 $0x0;
	s13 =	simm.s32 $0x0  }
0x5: {  	s2 =	sand.u32 $0x1, s1;
	s3 =	sshll.u32 s0, $0x7;
	s1 =	rddreg [dreg:$0x2]  }
0x6: {  	_ =	strace $0x80000047;
	s5 =	ssub.s32 $0xC300, s3;
	s6 =	ssub.s32 $0x2, s2  }
.Ltmp0:
0x7: {  	s5 =	sshrl.u32 s5, $0xB;
	s8 =	sshrl.u32 s6, $0x1;
	(pc) =	sbr.rel .LBB1_1-.Ltmp0, $4  }
0x8: {  	s4 =	sadd.s32 $0x1C00, s4;
	s9 =	sadd.s32 $0x1, s5;
	s6 =	ssub.s32 s6, s8  }
0x9: {  	s31 =	sshll.u32 s2, $0x4;
	s5 =	simm.s32 $0x1;
	s6 =	smul.u32 s9, s6  }
0xa: {  	s12 =	smov.u32 s3;
	s7 =	sadd.s32 s7, s31;
	[sflag:s5] =	ssyncpa.u1 $0x0  }
0xb: {  	s9 =	simm.s32 $0x0;
	[sflag:s30] =	ssyncpa.u1 $0x0;
	s8 =	sadd.s32 $0x1, s6  }
.LBB1_4:
0xc: {  	s21 =	simm.s32 $0x0  }
.LBB1_8:
0xd: {  	_ =	sdelay $0x3  }
0xe: {  	v6 =	vld [tilespmem:s18+$0xFFFFFFC0];
	[tilespmem:v0+s20+$0x30 ss:$0x1] =	vst.idx.msk @p0 $0xffff, v2  }
0xf: {  	v58 =	vld [tilespmem:s18+$0xFFFFFFD0];
	[tilespmem:v0+s20+$0x40 ss:$0x1] =	vst.idx.msk @p0 $0xffff, v3;
	s21 =	sadd.s32 @p0 $0x80, s21  }
0x10: {  	v59 =	vld [tilespmem:s18+$0xFFFFFFE0];
	[tilespmem:v0+s20+$0x50 ss:$0x1] =	vst.idx.msk @p0 $0xffff, v5;
	s19 =	smov.u32 @p0 s21  }
0x11: {  	v60 =	vld [tilespmem:s18+$0xFFFFFFF0];
	[tilespmem:v0+s20+$0x60 ss:$0x1] =	vst.idx.msk @p0 $0xffff, v4;
	s19 =	sand.u32 $0x3F80, s19  }
0x12: {  	v61 =	vld [tilespmem:s18+$0x0];
	[tilespmem:v0+s19+$0x70 ss:$0x1] =	vst.idx.msk $0xffff, v1  }
0x13: {  	v62 =	vld [tilespmem:s18+$0x10];
	[tilespmem:v0+s19+$0x0 ss:$0x1] =	vst.idx.msk $0xffff, v6  }
0x14: {  	v63 =	vld [tilespmem:s18+$0x20];
	[tilespmem:v0+s19+$0x10 ss:$0x1] =	vst.idx.msk $0xffff, v58  }
0x15: {  	[tilespmem:v0+s19+$0x20 ss:$0x1] =	vst.idx.msk $0xffff, v59  }
0x16: {  	[tilespmem:v0+s19+$0x30 ss:$0x1] =	vst.idx.msk $0xffff, v60  }
0x17: {  	[tilespmem:v0+s19+$0x40 ss:$0x1] =	vst.idx.msk $0xffff, v61  }
0x18: {  	[tilespmem:v0+s19+$0x50 ss:$0x1] =	vst.idx.msk $0xffff, v62  }
0x19: {  	[tilespmem:v0+s19+$0x60 ss:$0x1] =	vst.idx.msk $0xffff, v63  }
.LBB1_9:
0x1a: {  	s18 =	sand.u32 $0x1FFFFFF, s11  }
0x1b: {  	s19 =	smulhi.u32 $0x14F8B59, s18;
	_ =	sdelay $0x1  }
0x1c: {  	s19 =	sshrl.u32 s19, $0x8  }
0x1d: {  	s19 =	smul.u32 $0xC350, s19  }
0x1e: {  	s15 =	smul.u32 $0xC3500, s15  }
0x1f: {  	s18 =	ssub.s32 s18, s19  }
0x20: {  	s15 =	sadd.s32 s4, s15;
	s18 =	sshll.u32 s18, $0x4  }
0x21: {  	s15 =	sadd.s32 s18, s15  }
0x22: {  	[hbm4b:s15+s9] =	stream.linear.scatter [tilespmem:s17], [sflag:$0x2], s16, $0x38;
	[tilespmem:$0x10000] =	vst v63  }
.LBB1_10:
0x23: {  	p0 =	slt.u32 s13, $0x2  }
0x24: {  	p1 =	sgt.s32 @!p0 s14, $0xC2D0  }
0x25: {  	s15 =	smov.u32 s14;
	s16 =	sshra.s32 @!p0 s14, $0x1F;
	p1 =	por !p1, p0  }
0x26: {  	s14 =	sand.u32 @!p0 s16, s14;
	s15 =	simm.s32 @p1 $0xC2D0  }
0x27: {  	s14 =	ssub.s32 @!p0 s15, s14  }
0x28: {  	s14 =	sadd.s32 @!p0 $0xFFFF3D30, s14  }
0x29: {  	s15 =	sshll.u32 @!p0 s14, $0x7  }
0x2a: {  	p1 =	sgt.s32 @!p0 s14, $0x7F;
	s14 =	ssub.s32 @!p0 $0x4000, s15  }
0x2b: {  	s16 =	sadd.s32 $0x800, s12;
	p1 =	por !p1, p0;
	s14 =	sand.u32 @!p0 $0x3FFFFF80, s14  }
0x2c: {  	s14 =	simm.s32 @!p1 $0x0;
	p1 =	sgt.s32 s16, $0xC34F  }
0x2d: {  	s16 =	smov.u32 @p1 s3;
	p1 =	sne.s32 s13, s8  }
.Ltmp1:
0x2e: {  	_ = 	snop;
	(pc) =	sbr.rel @!p1 .LBB1_11-.Ltmp1, $4  }
0x2f: {  	s10 =	sadd.s32 $0x4000, s10;
	s15 =	simm.s32 @!p0 $0x2  }
0x30: {  	_ =	swait.ge @!p0 [sflag:s15], s14;
	s17 =	ssub.s32 @!p0 $0x0, s14;
	s14 =	smov.u32 s11  }
0x31: {  	s13 =	sadd.s32 $0x1, s13;
	s11 =	smov.u32 s12;
	[sflag:s15] =	ssyncset.done @!p0 $0x0  }
0x32: {  	s12 =	smov.u32 s16;
	[sflag:s15] =	ssyncadd.s32 @!p0 s17;
	s15 =	smov.u32 s2  }
.LBB1_1:
0x33: {  	p0 =	sge.u32 s13, s6  }
0x34: {  	p1 =	sgt.s32 @!p0 s12, $0xC2D0  }
0x35: {  	s16 =	smov.u32 s12;
	s17 =	sshra.s32 @!p0 s12, $0x1F;
	p1 =	por !p1, p0  }
0x36: {  	s17 =	sand.u32 @!p0 s17, s12;
	s16 =	simm.s32 @p1 $0xC2D0  }
0x37: {  	s16 =	ssub.s32 @!p0 s16, s17  }
0x38: {  	s31 =	sadd.s32 $0xFFFFFFFF, s13;
	s18 =	sxor.u32 @!p0 $0xFFFFFFFF, s13;
	s16 =	sadd.s32 @!p0 $0xFFFF3D30, s16  }
0x39: {  	s19 =	simm.s32 @!p0 $0x80;
	s20 =	simm.s32 @!p0 $0x100;
	s17 =	sshll.u32 @!p0 s16, $0x7  }
0x3a: {  	p1 =	sgt.s32 @!p0 s16, $0x7F;
	s16 =	ssub.s32 @!p0 $0x4000, s17;
	s17 =	sshll.u32 @!p0 s18, $0xE  }
0x3b: {  	p1 =	por !p1, p0;
	s18 =	sshll.u32 @!p0 s12, $0x5;
	s16 =	sand.u32 @!p0 $0x3FFFFF80, s16  }
0x3c: {  	s17 =	sand.u32 @!p0 $0x4000, s17;
	s18 =	sadd.s32 @!p0 s18, s7;
	s16 =	simm.s32 @!p1 $0x0  }
0x3d: {  	[tilespmem:s17], [sflag:$0x1] =	stream.strided.gather @!p0 [hbm4b:s18+s19], s16, s20, s19, $0x38;
	[tilespmem:$0x10000] =	vst v63  }
0x3e: {  	p0 =	sge.u32 s31, s6  }
.Ltmp2:
0x3f: {  	_ = 	snop;
	(pc) =	sbr.rel @p0 .LBB1_10-.Ltmp2, $1  }
0x40: {  	_ =	sdelay $0x3  }
0x41: {  	p0 =	sgt.s32 s11, $0xC2D0;
	s16 =	smov.u32 s11;
	s17 =	sshra.s32 s11, $0x1F  }
0x42: {  	s16 =	simm.s32 @!p0 $0xC2D0;
	s17 =	sand.u32 s17, s11  }
0x43: {  	s16 =	ssub.s32 s16, s17  }
0x44: {  	s16 =	sadd.s32 $0xFFFF3D30, s16  }
0x45: {  	s30 =	sshll.u32 s16, $0x7  }
0x46: {  	s17 =	ssub.s32 $0x4000, s30  }
0x47: {  	p0 =	sgt.s32 s16, $0x7F;
	s16 =	sand.u32 $0x3FFFFF80, s17;
	s17 =	sadd.s32 $0x80, s11  }
0x48: {  	s16 =	simm.s32 @p0 $0x0;
	p0 =	slt.s32 s17, $0xC350  }
0x49: {  	s17 =	simm.s32 @!p0 $0xC350  }
0x4a: {  	s20 =	ssub.s32 s17, s11  }
0x4b: {  	p0 =	slt.s32 s20, $0x1  }
.Ltmp3:
0x4c: {  	_ = 	snop;
	(pc) =	sbr.rel @p0 .LBB1_9-.Ltmp3, $4  }
0x4d: {  	_ = 	snop  }
0x4e: {  	s19 =	sshll.u32 s13, $0xE;
	_ =	swait.ge [sflag:s5], s16  }
0x4f: {  	s31 =	sand.u32 $0x4000, s19;
	s18 =	ssub.s32 $0x0, s16;
	[sflag:s5] =	ssyncset.done $0x0  }
0x50: {  	s17 =	sor.u32 $0x8000, s31;
	[sflag:s5] =	ssyncadd.s32 s18  }
0x51: {  	p1 =	sne.s32 s20, $0x1  }
.Ltmp4:
0x52: {  	v0 =	vmov s17;
	(pc) =	sbr.rel @!p1 .LBB1_4-.Ltmp4, $4  }
0x53: {  	_ = 	snop  }
0x54: {  	s18 =	sand.u32 $0x4000, s10  }
0x55: {  	s18 =	sor.u32 $0x40, s18  }
0x56: {  	s19 =	simm.s32 $0x0;
	s21 =	sadd.s32 $0xFFFFFFFF, s20;
	p0 =	por $0x0, $0x0;
	v1 =	vld [tilespmem:s18+$0x30]  }
0x57: {  	v4 =	vld [tilespmem:s18+$0xFFFFFFC0]  }
0x58: {  	v6 =	vld [tilespmem:s18+$0xFFFFFFD0]  }
0x59: {  	v7 =	vld [tilespmem:s18+$0xFFFFFFE0];
	p1 =	sne.s32 s21, $0x1  }
.Ltmp5:
0x5a: {  	v2 =	vld [tilespmem:s18+$0xFFFFFFF0];
	s20 =	sand.u32 $0x3F80, s19;
	(pc) =	sbr.rel @!p1 .LBB1_6-.Ltmp5, $4  }
0x5b: {  	v3 =	vld [tilespmem:s18+$0x0];
	[tilespmem:v0+s20+$0x70 ss:$0x1] =	vst.idx.msk $0xffff, v1  }
0x5c: {  	v5 =	vld [tilespmem:s18+$0x10];
	[tilespmem:v0+s20+$0x0 ss:$0x1] =	vst.idx.msk $0xffff, v4  }
0x5d: {  	v4 =	vld [tilespmem:s18+$0x20];
	[tilespmem:v0+s20+$0x10 ss:$0x1] =	vst.idx.msk $0xffff, v6;
	s18 =	sadd.s32 $0x80, s18  }
0x5e: {  	s22 =	sadd.s32 $0xFFFFFFFF, s21;
	p0 =	por $0x1, $0x1;
	s21 =	simm.s32 $0x0;
	[tilespmem:v0+s20+$0x20 ss:$0x1] =	vst.idx.msk $0xffff, v7;
	v1 =	vld [tilespmem:s18+$0x30]  }
.LBB1_7:
0x5f: {  	p1 =	sne.s32 s22, $0x1;
	v6 =	vld [tilespmem:s18+$0xFFFFFFC0];
	[tilespmem:v0+s20+$0x30 ss:$0x1] =	vst.idx.msk $0xffff, v2  }
0x60: {  	v7 =	vld [tilespmem:s18+$0xFFFFFFD0];
	[tilespmem:v0+s20+$0x40 ss:$0x1] =	vst.idx.msk $0xffff, v3  }
0x61: {  	s21 =	sadd.s32 $0x80, s21;
	v8 =	vld [tilespmem:s18+$0xFFFFFFE0];
	[tilespmem:v0+s20+$0x50 ss:$0x1] =	vst.idx.msk $0xffff, v5  }
.Ltmp6:
0x62: {  	v2 =	vld [tilespmem:s18+$0xFFFFFFF0];
	[tilespmem:v0+s20+$0x60 ss:$0x1] =	vst.idx.msk $0xffff, v4;
	s20 =	sand.u32 $0x3F80, s21;
	(pc) =	sbr.rel @p1 .LBB1_7-.Ltmp6, $4  }
0x63: {  	v3 =	vld [tilespmem:s18+$0x0];
	[tilespmem:v0+s20+$0x70 ss:$0x1] =	vst.idx.msk $0xffff, v1  }
0x64: {  	[tilespmem:v0+s20+$0x0 ss:$0x1] =	vst.idx.msk $0xffff, v6;
	v5 =	vld [tilespmem:s18+$0x10]  }
0x65: {  	[tilespmem:v0+s20+$0x10 ss:$0x1] =	vst.idx.msk $0xffff, v7;
	v4 =	vld [tilespmem:s18+$0x20];
	s18 =	sadd.s32 $0x80, s18  }
0x66: {  	s22 =	sadd.s32 $0xFFFFFFFF, s22;
	v1 =	vld [tilespmem:s18+$0x30];
	[tilespmem:v0+s20+$0x20 ss:$0x1] =	vst.idx.msk $0xffff, v8  }
.Ltmp7:
0x67: {  	_ = 	snop;
	(pc) =	sbr.rel .LBB1_8-.Ltmp7, $1  }
0x68: {  	_ =	sdelay $0x3  }
.LBB1_6:
.Ltmp8:
0x69: {  	(pc) =	sbr.rel .LBB1_8-.Ltmp8, $2  }
0x6a: {  	_ =	sdelay $0x2  }
0x6b: {  	s21 =	simm.s32 $0x0  }
.LBB1_11:
0x6c: {  	_ =	sfence.sel $0x180000  }
0x6d: {  	s2 =	simm.s32 $0x1;
	[bflag:$0x0] =	sbarrier.arrive $0xFFFF  }
0x6e: {  	s31 =	simm.s32 $0x2;
	[sflag:s2] =	ssyncpa.u1 $0x1  }
0x6f: {  	[sflag:s31] =	ssyncpa.u1 $0x1  }
0x70: {  	p0 =	sne.s32 s0, $0x0;
	_ =	strace $0x90000047  }
0x71: {  	s0 =	sadd.s32 @!p0 $0x100000, s1;
	[bflag:$0x2] =	sbarrier.arrive $0xFFFF  }
0x72: {  	[sflag:s0] =	ssyncadd.tile.s32 @!p0 $0x1;
	_ =	shalt  }
.Lfunc_end1:
_tile_overlayer_lowered:
.L_overlay_start_2:
0x73: {  	(tag) =	ssettag $0x2  }
0x74: {  	s0 =	rddreg [dreg:$0x0];
	s2 =	stileid.u32  }
0x75: {  	s1 =	rddreg [dreg:$0x1];
	p0 =	sne.s32 s2, $0x0  }
0x76: {  	s3 =	rddreg [dreg:$0x2];
	[bflag:$0x3] =	sbarrier.arrive $0xFFFF;
	s2 =	simm.s32 @!p0 $0x1C01  }
0x77: {  	[timem:s3], [sflag:s2] =	dma.local @!p0 [hbm:s0], s1  }
0x78: {  	s0 =	simm.s32 @!p0 $0x1  }
0x79: {  	_ =	swait.ge @!p0 [sflag:s0], s1  }
0x7a: {  	s1 =	ssub.s32 @!p0 $0x0, s1;
	[sflag:s0] =	ssyncset.done @!p0 $0x0  }
0x7b: {  	[sflag:s0] =	ssyncadd.s32 @!p0 s1  }
0x7c: {  	[bflag:$0x3] =	sbarrier.arrive $0xFFFF  }
0x7d: {  	_ =	shalt  }

</sc_bundles>
